<compile_context>
chip_gen: v7x
topology: tpu7x:2x2x1
jax: 0.10.2.dev20260603
libtpu: 0.0.44.dev20260713+nightly
codegen_flags: <defaults>
</compile_context>

<pallas_src>
import jax
import jax.numpy as jnp
from jax import lax
from jax.experimental import pallas as pl
from jax.experimental.pallas import tpu as pltpu
from jax.experimental.pallas import tpu_sc as plsc

_NC = 2
_NS = 16
_NW = _NC * _NS
_L = 16

_ATTEN_COEFF = 0.2

_O_SIG, _O_TX, _O_BW = 0, 128, 256
_N_IDX = 384

_TC_COLS = 64
_C_POW, _C_NODE0, _C_A, _C_B = 0, 1, 33, 34


def _sc_body(R, CH, N):
    NCHUNK = R // _NW // CH
    NGRP = CH // _L
    RPW = R // _NW

    def body(x_hbm, idx_hbm, flt_hbm, out_hbm, bufa, bufb, idx_v, flt_v, oscr,
             idx_s, flt_s, sema, semb):
        cid = lax.axis_index("c")
        sid = lax.axis_index("s")
        wid = sid * _NC + cid
        pltpu.sync_copy(idx_hbm, idx_v)
        pltpu.sync_copy(flt_hbm, flt_v)

        def fill_idx(j, _):
            v = idx_v[pl.ds(j * _L, _L)]
            for i in range(_L):
                idx_s[j * _L + i] = v[i]
            return 0
        lax.fori_loop(0, _N_IDX // _L, fill_idx, 0)

        def fill_flt(j, _):
            v = flt_v[pl.ds(j * _L, _L)]
            for i in range(_L):
                flt_s[j * _L + i] = v[i]
            return 0
        lax.fori_loop(0, 256 // _L, fill_flt, 0)

        row0 = wid * RPW
        lanes = lax.iota(jnp.int32, _L)
        zeros = jnp.zeros((_L,), jnp.float32)

        def start_copy(ci, buf, sem):
            pltpu.async_copy(x_hbm.at[pl.ds(row0 + ci * CH, CH)],
                             buf.at[:, pl.ds(0, N)], sem)

        def wait_copy(ci, buf, sem):
            pltpu.make_async_copy(x_hbm.at[pl.ds(row0 + ci * CH, CH)],
                                  buf.at[:, pl.ds(0, N)], sem).wait()

        def process(buf, ci, accs):
            def gat(rows, col):
                return plsc.load_gather(
                    buf, [rows, jnp.full((_L,), col, jnp.int32)])

            def group_body(g, accs):
                a_att, a_cap = accs
                rows = g * _L + lanes

                def tree8(g):
                    return (((g[0] + g[1]) + (g[2] + g[3]))
                            + ((g[4] + g[5]) + (g[6] + g[7])))

                def b_att(j, a):
                    t = [(gat(rows, idx_s[_O_SIG + j + k])
                          - gat(rows, idx_s[_O_TX + j + k])
                          + flt_s[j + k]) for k in range(8)]
                    sq = [x * x for x in t]
                    return a + tree8(sq)
                a_att = plsc.parallel_loop(0, 128, step=8, carry=a_att)(b_att)

                def b_cap(j, a):
                    e = [jnp.maximum(gat(rows, idx_s[_O_BW + j + k])
                                     - flt_s[128 + j + k], 0.0)
                         for k in range(8)]
                    sq = [x * x for x in e]
                    return a + tree8(sq)
                a_cap = plsc.parallel_loop(0, 128, step=8, carry=a_cap)(b_cap)

                return a_att, a_cap

            return lax.fori_loop(0, NGRP, group_body, accs)

        start_copy(0, bufa, sema)
        start_copy(1, bufb, semb)

        def db_body(i, accs):
            ci0 = 2 * i
            wait_copy(ci0, bufa, sema)
            accs = process(bufa, ci0, accs)

            @pl.when(ci0 + 2 < NCHUNK)
            def _():
                start_copy(ci0 + 2, bufa, sema)
            wait_copy(ci0 + 1, bufb, semb)
            accs = process(bufb, ci0 + 1, accs)

            @pl.when(ci0 + 3 < NCHUNK)
            def _():
                start_copy(ci0 + 3, bufb, semb)
            return accs

        accs = lax.fori_loop(0, NCHUNK // 2, db_body, (zeros, zeros))
        for i in range(2):
            oscr[i] = accs[i]
        pltpu.sync_copy(oscr, out_hbm.at[wid])

    return body


def _tc_body(nblk, blk, s_len):
    def body(x_ref, w_ref, out_ref, acc, carry):
        i = pl.program_id(0)

        @pl.when(i == 0)
        def _():
            acc[...] = jnp.zeros_like(acc)

        y = jnp.dot(x_ref[...], w_ref[...],
                    preferred_element_type=jnp.float32)
        cols = lax.broadcasted_iota(jnp.int32, (1, _TC_COLS), 1)
        sq_mask = ((cols >= _C_POW) & (cols < _C_NODE0 + 32)
                   ).astype(jnp.float32)

        ya = y[:, _C_A:_C_A + 1]
        yb = y[:, _C_B:_C_B + 1]
        shifted = jnp.concatenate([carry[...], yb[:-1, :]], axis=0)
        rid = i * blk + lax.broadcasted_iota(jnp.int32, (blk, 1), 0)
        first = (rid % s_len) == 0
        vio = ya + jnp.where(first, yb, shifted)
        carry[...] = yb[blk - 1:blk, :]

        hyd_oh = (cols == _C_A).astype(jnp.float32)
        acc[...] += (jnp.sum(y * y, axis=0, keepdims=True) * sq_mask
                     + jnp.sum(vio * vio) * hyd_oh)

        @pl.when(i == nblk - 1)
        def _():
            out_ref[...] = acc[...]

    return body


def kernel(predicted, targets, inflow_indices, outflow_indices, storage_indices,
           node_groups, generation_indices, load_indices, loss_indices,
           signal_indices, tx_power_indices, distance, bandwidth_indices, capacity):
    B, S, N = predicted.shape
    R = B * S
    CH = 64
    x = predicted.reshape(R, N)
    idx_all = jnp.concatenate([
        signal_indices, tx_power_indices, bandwidth_indices,
    ]).astype(jnp.int32)
    flt_all = jnp.concatenate([_ATTEN_COEFF * distance, capacity]
                              ).astype(jnp.float32)

    n_nodes, gsz = node_groups.shape
    n_gen, n_load, n_loss = (generation_indices.shape[0],
                             load_indices.shape[0], loss_indices.shape[0])
    n_in, n_out, n_st = (inflow_indices.shape[0], outflow_indices.shape[0],
                         storage_indices.shape[0])
    w_rows = jnp.concatenate([
        generation_indices, load_indices, loss_indices,
        node_groups.reshape(-1),
        inflow_indices, outflow_indices, storage_indices,
        storage_indices,
    ]).astype(jnp.int32)
    w_cols = jnp.concatenate([
        jnp.full((n_gen + n_load + n_loss,), _C_POW, jnp.int32),
        _C_NODE0 + jnp.repeat(jnp.arange(n_nodes, dtype=jnp.int32), gsz),
        jnp.full((n_in + n_out + n_st,), _C_A, jnp.int32),
        jnp.full((n_st,), _C_B, jnp.int32),
    ])
    w_vals = jnp.concatenate([
        jnp.ones(n_gen, jnp.float32),
        -jnp.ones(n_load + n_loss, jnp.float32),
        jnp.ones(n_nodes * gsz, jnp.float32),
        jnp.ones(n_in, jnp.float32),
        -jnp.ones(n_out + n_st, jnp.float32),
        jnp.ones(n_st, jnp.float32),
    ])
    row_oh = (jnp.arange(N, dtype=jnp.int32)[:, None]
              == w_rows[None, :]).astype(jnp.float32)
    col_oh = (w_cols[:, None]
              == jnp.arange(_TC_COLS, dtype=jnp.int32)[None, :]
              ).astype(jnp.float32) * w_vals[:, None]
    w_mat = jnp.dot(row_oh, col_oh, preferred_element_type=jnp.float32)

    mesh = plsc.VectorSubcoreMesh(core_axis_name="c", subcore_axis_name="s",
                                  num_cores=_NC, num_subcores=_NS)
    sc_out = pl.kernel(
        _sc_body(R, CH, N),
        out_type=jax.ShapeDtypeStruct((_NW, 2, _L), jnp.float32),
        mesh=mesh,
        compiler_params=pltpu.CompilerParams(use_tc_tiling_on_sc=False,
                                             needs_layout_passes=False),
        scratch_types=[
            pltpu.VMEM((CH, N + 8), jnp.float32),
            pltpu.VMEM((CH, N + 8), jnp.float32),
            pltpu.VMEM((_N_IDX,), jnp.int32),
            pltpu.VMEM((256,), jnp.float32),
            pltpu.VMEM((2, _L), jnp.float32),
            pltpu.SMEM((_N_IDX,), jnp.int32),
            pltpu.SMEM((256,), jnp.float32),
            pltpu.SemaphoreType.DMA,
            pltpu.SemaphoreType.DMA,
        ],
    )(x, idx_all, flt_all)

    BLK = 512
    nblk = R // BLK
    tc_out = pl.pallas_call(
        _tc_body(nblk, BLK, S),
        grid=(nblk,),
        in_specs=[
            pl.BlockSpec((BLK, N), lambda i: (i, 0)),
            pl.BlockSpec((N, _TC_COLS), lambda i: (0, 0)),
        ],
        out_specs=pl.BlockSpec((1, _TC_COLS), lambda i: (0, 0)),
        out_shape=jax.ShapeDtypeStruct((1, _TC_COLS), jnp.float32),
        scratch_shapes=[pltpu.VMEM((1, _TC_COLS), jnp.float32),
                        pltpu.VMEM((1, 1), jnp.float32)],
    )(x, w_mat)

    part = sc_out.sum(axis=(0, 2))
    n_att = signal_indices.shape[0]
    n_cap = bandwidth_indices.shape[0]
    denom = jnp.float32(R)
    pow_sum = tc_out[0, _C_POW]
    kcl_sum = jnp.sum(tc_out[0, _C_NODE0:_C_NODE0 + n_nodes])
    hyd_sum = tc_out[0, _C_A]
    total = (hyd_sum / denom
             + kcl_sum / (denom * n_nodes)
             + pow_sum / denom
             + part[0] / (denom * n_att)
             + part[1] / (denom * n_cap))
    return total.astype(jnp.float32)

# --- scband reference (transcript-rebuilt; emitter-appended) ---
"""Pipeline reference for scband-physics-loss-12429635354690 (READ-ONLY COPY).

The authoritative reference and input builder live on the scoring server;
editing this copy changes nothing except your own understanding.
"""

import jax, jax.numpy as jnp
import numpy as np

LAMBDA_HYDRAULIC = 1.0
LAMBDA_ELECTRICAL = 1.0
LAMBDA_TELECOM = 1.0
ATTEN_COEFF = 0.2


def setup_inputs(seed: int = 0) -> dict:
    key = jax.random.key(seed)
    ks = jax.random.split(key, 16)
    B, S, N = 16, 2048, 512
    inp = {}
    inp["predicted"] = jax.random.normal(ks[0], (B, S, N), dtype=jnp.float32)
    inp["targets"] = jax.random.normal(ks[1], (B, S, N), dtype=jnp.float32)
    inp["inflow_indices"] = jax.random.randint(ks[2], (64,), 0, N)
    inp["outflow_indices"] = jax.random.randint(ks[3], (64,), 0, N)
    inp["storage_indices"] = jax.random.randint(ks[4], (32,), 0, N)
    inp["node_groups"] = jax.random.randint(ks[5], (32, 4), 0, N)
    inp["generation_indices"] = jax.random.randint(ks[6], (32,), 0, N)
    inp["load_indices"] = jax.random.randint(ks[7], (128,), 0, N)
    inp["loss_indices"] = jax.random.randint(ks[8], (16,), 0, N)
    inp["signal_indices"] = jax.random.randint(ks[9], (128,), 0, N)
    inp["tx_power_indices"] = jax.random.randint(ks[10], (128,), 0, N)
    inp["distance"] = jax.random.uniform(ks[11], (128,), dtype=jnp.float32) * 10.0
    inp["bandwidth_indices"] = jax.random.randint(ks[12], (128,), 0, N)
    inp["capacity"] = jax.random.uniform(ks[13], (128,), dtype=jnp.float32)
    return inp


def reference(predicted, targets, inflow_indices, outflow_indices, storage_indices,
              node_groups, generation_indices, load_indices, loss_indices,
              signal_indices, tx_power_indices, distance, bandwidth_indices, capacity):
    B, S, _ = predicted.shape
    # ---- hydraulic: conservation of mass ----
    pred_inflow = jnp.take(predicted, inflow_indices, axis=2).sum(axis=-1)
    pred_outflow = jnp.take(predicted, outflow_indices, axis=2).sum(axis=-1)
    pred_storage = jnp.take(predicted, storage_indices, axis=2).sum(axis=-1)
    delta_storage = jnp.concatenate(
        [jnp.zeros_like(pred_storage[:, :1]), pred_storage[:, 1:] - pred_storage[:, :-1]], axis=1)
    violation = pred_inflow - pred_outflow - delta_storage
    hydraulic = jnp.mean(violation ** 2)
    # ---- electrical: KCL + power balance ----
    n_nodes, group_size = node_groups.shape
    node_currents = jnp.take(predicted, node_groups.reshape(-1), axis=2)
    node_currents = node_currents.reshape(B, S, n_nodes, group_size).sum(axis=-1)
    # original: sum over nodes of per-node (current_sum**2).mean(), divided by n_nodes
    # == global mean since each per-node term has identical shape (B, S)
    kcl_loss = jnp.mean(node_currents ** 2)
    total_gen = jnp.take(predicted, generation_indices, axis=2).sum(axis=-1)
    total_load = jnp.take(predicted, load_indices, axis=2).sum(axis=-1)
    total_losses = jnp.take(predicted, loss_indices, axis=2).sum(axis=-1)
    power_violation = total_gen - total_load - total_losses
    power_loss = jnp.mean(power_violation ** 2)
    electrical = kcl_loss + power_loss
    # ---- telecom: attenuation + capacity ----
    pred_rx = jnp.take(predicted, signal_indices, axis=2)
    pred_tx = jnp.take(predicted, tx_power_indices, axis=2)
    expected_rx = pred_tx - ATTEN_COEFF * distance[None, None, :]
    atten_loss = jnp.mean((pred_rx - expected_rx) ** 2)
    pred_bw = jnp.take(predicted, bandwidth_indices, axis=2)
    excess = jax.nn.relu(pred_bw - capacity[None, None, :])
    capacity_loss = jnp.mean(excess ** 2)
    telecom = atten_loss + capacity_loss
    total = (LAMBDA_HYDRAULIC * hydraulic
             + LAMBDA_ELECTRICAL * electrical
             + LAMBDA_TELECOM * telecom)
    return total

if __name__ == "__main__":
    import jax
    _d = setup_inputs()
    print(jax.jit(kernel)(*tuple(_d.values())))

</pallas_src>

<mosaic_0001>
#map = affine_map<(d0, d1) -> (0, 0)>
#map1 = affine_map<(d0, d1) -> (0)>
#map2 = affine_map<(d0, d1) -> (0, 0, 0)>
module attributes {stable_mosaic.version = 14 : i64} {
  func.func @body(%arg0: i32, %arg1: i32, %arg2: memref<32768x512xf32, #tpu.memory_space<hbm>>, %arg3: memref<384xi32, #tpu.memory_space<hbm>>, %arg4: memref<256xf32, #tpu.memory_space<hbm>>, %arg5: memref<32x2x16xf32, #tpu.memory_space<hbm>>, %arg6: memref<64x520xf32, #tpu.memory_space<vmem>>, %arg7: memref<64x520xf32, #tpu.memory_space<vmem>>, %arg8: memref<384xi32, #tpu.memory_space<vmem>>, %arg9: memref<256xf32, #tpu.memory_space<vmem>>, %arg10: memref<2x16xf32, #tpu.memory_space<vmem>>, %arg11: memref<384xi32, #tpu.memory_space<smem>>, %arg12: memref<256xf32, #tpu.memory_space<smem>>, %arg13: memref<!tpu.dma_semaphore, #tpu.memory_space<semaphore_mem>>, %arg14: memref<!tpu.dma_semaphore, #tpu.memory_space<semaphore_mem>>) attributes {dimension_semantics = [#tpu.dimension_semantics<core_parallel>, #tpu.dimension_semantics<subcore_parallel>], iteration_bounds = array<i64: 2, 16>, scalar_prefetch = 0 : i64, scratch_operands = 9 : i64, tpu.core_type = #tpu.core_type<sc_vector_subcore>, window_params = [{transform_indices = #map}, {transform_indices = #map1}, {transform_indices = #map1}, {transform_indices = #map2}]} {
    %mul3A = arith.constant 2 : i32
    %mul3A_0 = arith.muli %arg1, %mul3A : i32
    %add3A = arith.addi %mul3A_0, %arg0 : i32
    "tpu.region"() ({
      %run_scoped3A = tpu.sem_alloc : memref<!tpu.dma_semaphore, #tpu.memory_space<semaphore_mem>>
      tpu.enqueue_dma source(%arg3 : memref<384xi32, #tpu.memory_space<hbm>>) target(%arg8 : memref<384xi32, #tpu.memory_space<vmem>>) target_semaphore(%run_scoped3A : memref<!tpu.dma_semaphore, #tpu.memory_space<semaphore_mem>>)
      tpu.wait_dma2 semaphore(%run_scoped3A : memref<!tpu.dma_semaphore, #tpu.memory_space<semaphore_mem>>) src(%arg3 : memref<384xi32, #tpu.memory_space<hbm>>) dst(%arg8 : memref<384xi32, #tpu.memory_space<vmem>>)
      tpu.yield
    }) : () -> ()
    "tpu.region"() ({
      %run_scoped3A = tpu.sem_alloc : memref<!tpu.dma_semaphore, #tpu.memory_space<semaphore_mem>>
      tpu.enqueue_dma source(%arg4 : memref<256xf32, #tpu.memory_space<hbm>>) target(%arg9 : memref<256xf32, #tpu.memory_space<vmem>>) target_semaphore(%run_scoped3A : memref<!tpu.dma_semaphore, #tpu.memory_space<semaphore_mem>>)
      tpu.wait_dma2 semaphore(%run_scoped3A : memref<!tpu.dma_semaphore, #tpu.memory_space<semaphore_mem>>) src(%arg4 : memref<256xf32, #tpu.memory_space<hbm>>) dst(%arg9 : memref<256xf32, #tpu.memory_space<vmem>>)
      tpu.yield
    }) : () -> ()
    %scan3A = arith.constant 0 : i32
    %scan3A_1 = arith.constant 0 : i32
    %scan3A_2 = arith.constant 24 : i32
    %scan3A_3 = arith.addi %scan3A_1, %scan3A_2 : i32
    %scan3A_4 = arith.constant 1 : i32
    %scan3A_5 = scf.for %scan3A_53 = %scan3A_1 to %scan3A_3 step %scan3A_4 iter_args(%scan3A_54 = %scan3A) -> (i32)  : i32 {
      %mul3A_55 = arith.constant 16 : i32
      %mul3A_56 = arith.muli %scan3A_53, %mul3A_55 : i32
      %get3A = arith.index_cast %mul3A_56 : i32 to index
      %get3A_57 = tpu.vector_load %arg8[%get3A] {strides = array<i32>} : memref<384xi32, #tpu.memory_space<vmem>>, vector<16xi32>,
      %slice3A = vector.extract_strided_slice %get3A_57 {offsets = [0], sizes = [1], strides = [1]} : vector<16xi32> to vector<1xi32>
      %squeeze3A = vector.extract %slice3A[0] : i32 from vector<1xi32>
      %mul3A_58 = arith.constant 16 : i32
      %mul3A_59 = arith.muli %scan3A_53, %mul3A_58 : i32
      %add3A_60 = arith.constant 0 : i32
      %add3A_61 = arith.addi %mul3A_59, %add3A_60 : i32
      %swap3A_62 = arith.index_cast %add3A_61 : i32 to index
      %swap3A_63 = memref.load %arg11[%swap3A_62] : memref<384xi32, #tpu.memory_space<smem>>
      memref.store %squeeze3A, %arg11[%swap3A_62] : memref<384xi32, #tpu.memory_space<smem>>
      %slice3A_64 = vector.extract_strided_slice %get3A_57 {offsets = [1], sizes = [1], strides = [1]} : vector<16xi32> to vector<1xi32>
      %squeeze3A_65 = vector.extract %slice3A_64[0] : i32 from vector<1xi32>
      %mul3A_66 = arith.constant 16 : i32
      %mul3A_67 = arith.muli %scan3A_53, %mul3A_66 : i32
      %add3A_68 = arith.constant 1 : i32
      %add3A_69 = arith.addi %mul3A_67, %add3A_68 : i32
      %swap3A_70 = arith.index_cast %add3A_69 : i32 to index
      %swap3A_71 = memref.load %arg11[%swap3A_70] : memref<384xi32, #tpu.memory_space<smem>>
      memref.store %squeeze3A_65, %arg11[%swap3A_70] : memref<384xi32, #tpu.memory_space<smem>>
      %slice3A_72 = vector.extract_strided_slice %get3A_57 {offsets = [2], sizes = [1], strides = [1]} : vector<16xi32> to vector<1xi32>
      %squeeze3A_73 = vector.extract %slice3A_72[0] : i32 from vector<1xi32>
      %mul3A_74 = arith.constant 16 : i32
      %mul3A_75 = arith.muli %scan3A_53, %mul3A_74 : i32
      %add3A_76 = arith.constant 2 : i32
      %add3A_77 = arith.addi %mul3A_75, %add3A_76 : i32
      %swap3A_78 = arith.index_cast %add3A_77 : i32 to index
      %swap3A_79 = memref.load %arg11[%swap3A_78] : memref<384xi32, #tpu.memory_space<smem>>
      memref.store %squeeze3A_73, %arg11[%swap3A_78] : memref<384xi32, #tpu.memory_space<smem>>
      %slice3A_80 = vector.extract_strided_slice %get3A_57 {offsets = [3], sizes = [1], strides = [1]} : vector<16xi32> to vector<1xi32>
      %squeeze3A_81 = vector.extract %slice3A_80[0] : i32 from vector<1xi32>
      %mul3A_82 = arith.constant 16 : i32
      %mul3A_83 = arith.muli %scan3A_53, %mul3A_82 : i32
      %add3A_84 = arith.constant 3 : i32
      %add3A_85 = arith.addi %mul3A_83, %add3A_84 : i32
      %swap3A_86 = arith.index_cast %add3A_85 : i32 to index
      %swap3A_87 = memref.load %arg11[%swap3A_86] : memref<384xi32, #tpu.memory_space<smem>>
      memref.store %squeeze3A_81, %arg11[%swap3A_86] : memref<384xi32, #tpu.memory_space<smem>>
      %slice3A_88 = vector.extract_strided_slice %get3A_57 {offsets = [4], sizes = [1], strides = [1]} : vector<16xi32> to vector<1xi32>
      %squeeze3A_89 = vector.extract %slice3A_88[0] : i32 from vector<1xi32>
      %mul3A_90 = arith.constant 16 : i32
      %mul3A_91 = arith.muli %scan3A_53, %mul3A_90 : i32
      %add3A_92 = arith.constant 4 : i32
      %add3A_93 = arith.addi %mul3A_91, %add3A_92 : i32
      %swap3A_94 = arith.index_cast %add3A_93 : i32 to index
      %swap3A_95 = memref.load %arg11[%swap3A_94] : memref<384xi32, #tpu.memory_space<smem>>
      memref.store %squeeze3A_89, %arg11[%swap3A_94] : memref<384xi32, #tpu.memory_space<smem>>
      %slice3A_96 = vector.extract_strided_slice %get3A_57 {offsets = [5], sizes = [1], strides = [1]} : vector<16xi32> to vector<1xi32>
      %squeeze3A_97 = vector.extract %slice3A_96[0] : i32 from vector<1xi32>
      %mul3A_98 = arith.constant 16 : i32
      %mul3A_99 = arith.muli %scan3A_53, %mul3A_98 : i32
      %add3A_100 = arith.constant 5 : i32
      %add3A_101 = arith.addi %mul3A_99, %add3A_100 : i32
      %swap3A_102 = arith.index_cast %add3A_101 : i32 to index
      %swap3A_103 = memref.load %arg11[%swap3A_102] : memref<384xi32, #tpu.memory_space<smem>>
      memref.store %squeeze3A_97, %arg11[%swap3A_102] : memref<384xi32, #tpu.memory_space<smem>>
      %slice3A_104 = vector.extract_strided_slice %get3A_57 {offsets = [6], sizes = [1], strides = [1]} : vector<16xi32> to vector<1xi32>
      %squeeze3A_105 = vector.extract %slice3A_104[0] : i32 from vector<1xi32>
      %mul3A_106 = arith.constant 16 : i32
      %mul3A_107 = arith.muli %scan3A_53, %mul3A_106 : i32
      %add3A_108 = arith.constant 6 : i32
      %add3A_109 = arith.addi %mul3A_107, %add3A_108 : i32
      %swap3A_110 = arith.index_cast %add3A_109 : i32 to index
      %swap3A_111 = memref.load %arg11[%swap3A_110] : memref<384xi32, #tpu.memory_space<smem>>
      memref.store %squeeze3A_105, %arg11[%swap3A_110] : memref<384xi32, #tpu.memory_space<smem>>
      %slice3A_112 = vector.extract_strided_slice %get3A_57 {offsets = [7], sizes = [1], strides = [1]} : vector<16xi32> to vector<1xi32>
      %squeeze3A_113 = vector.extract %slice3A_112[0] : i32 from vector<1xi32>
      %mul3A_114 = arith.constant 16 : i32
      %mul3A_115 = arith.muli %scan3A_53, %mul3A_114 : i32
      %add3A_116 = arith.constant 7 : i32
      %add3A_117 = arith.addi %mul3A_115, %add3A_116 : i32
      %swap3A_118 = arith.index_cast %add3A_117 : i32 to index
      %swap3A_119 = memref.load %arg11[%swap3A_118] : memref<384xi32, #tpu.memory_space<smem>>
      memref.store %squeeze3A_113, %arg11[%swap3A_118] : memref<384xi32, #tpu.memory_space<smem>>
      %slice3A_120 = vector.extract_strided_slice %get3A_57 {offsets = [8], sizes = [1], strides = [1]} : vector<16xi32> to vector<1xi32>
      %squeeze3A_121 = vector.extract %slice3A_120[0] : i32 from vector<1xi32>
      %mul3A_122 = arith.constant 16 : i32
      %mul3A_123 = arith.muli %scan3A_53, %mul3A_122 : i32
      %add3A_124 = arith.constant 8 : i32
      %add3A_125 = arith.addi %mul3A_123, %add3A_124 : i32
      %swap3A_126 = arith.index_cast %add3A_125 : i32 to index
      %swap3A_127 = memref.load %arg11[%swap3A_126] : memref<384xi32, #tpu.memory_space<smem>>
      memref.store %squeeze3A_121, %arg11[%swap3A_126] : memref<384xi32, #tpu.memory_space<smem>>
      %slice3A_128 = vector.extract_strided_slice %get3A_57 {offsets = [9], sizes = [1], strides = [1]} : vector<16xi32> to vector<1xi32>
      %squeeze3A_129 = vector.extract %slice3A_128[0] : i32 from vector<1xi32>
      %mul3A_130 = arith.constant 16 : i32
      %mul3A_131 = arith.muli %scan3A_53, %mul3A_130 : i32
      %add3A_132 = arith.constant 9 : i32
      %add3A_133 = arith.addi %mul3A_131, %add3A_132 : i32
      %swap3A_134 = arith.index_cast %add3A_133 : i32 to index
      %swap3A_135 = memref.load %arg11[%swap3A_134] : memref<384xi32, #tpu.memory_space<smem>>
      memref.store %squeeze3A_129, %arg11[%swap3A_134] : memref<384xi32, #tpu.memory_space<smem>>
      %slice3A_136 = vector.extract_strided_slice %get3A_57 {offsets = [10], sizes = [1], strides = [1]} : vector<16xi32> to vector<1xi32>
      %squeeze3A_137 = vector.extract %slice3A_136[0] : i32 from vector<1xi32>
      %mul3A_138 = arith.constant 16 : i32
      %mul3A_139 = arith.muli %scan3A_53, %mul3A_138 : i32
      %add3A_140 = arith.constant 10 : i32
      %add3A_141 = arith.addi %mul3A_139, %add3A_140 : i32
      %swap3A_142 = arith.index_cast %add3A_141 : i32 to index
      %swap3A_143 = memref.load %arg11[%swap3A_142] : memref<384xi32, #tpu.memory_space<smem>>
      memref.store %squeeze3A_137, %arg11[%swap3A_142] : memref<384xi32, #tpu.memory_space<smem>>
      %slice3A_144 = vector.extract_strided_slice %get3A_57 {offsets = [11], sizes = [1], strides = [1]} : vector<16xi32> to vector<1xi32>
      %squeeze3A_145 = vector.extract %slice3A_144[0] : i32 from vector<1xi32>
      %mul3A_146 = arith.constant 16 : i32
      %mul3A_147 = arith.muli %scan3A_53, %mul3A_146 : i32
      %add3A_148 = arith.constant 11 : i32
      %add3A_149 = arith.addi %mul3A_147, %add3A_148 : i32
      %swap3A_150 = arith.index_cast %add3A_149 : i32 to index
      %swap3A_151 = memref.load %arg11[%swap3A_150] : memref<384xi32, #tpu.memory_space<smem>>
      memref.store %squeeze3A_145, %arg11[%swap3A_150] : memref<384xi32, #tpu.memory_space<smem>>
      %slice3A_152 = vector.extract_strided_slice %get3A_57 {offsets = [12], sizes = [1], strides = [1]} : vector<16xi32> to vector<1xi32>
      %squeeze3A_153 = vector.extract %slice3A_152[0] : i32 from vector<1xi32>
      %mul3A_154 = arith.constant 16 : i32
      %mul3A_155 = arith.muli %scan3A_53, %mul3A_154 : i32
      %add3A_156 = arith.constant 12 : i32
      %add3A_157 = arith.addi %mul3A_155, %add3A_156 : i32
      %swap3A_158 = arith.index_cast %add3A_157 : i32 to index
      %swap3A_159 = memref.load %arg11[%swap3A_158] : memref<384xi32, #tpu.memory_space<smem>>
      memref.store %squeeze3A_153, %arg11[%swap3A_158] : memref<384xi32, #tpu.memory_space<smem>>
      %slice3A_160 = vector.extract_strided_slice %get3A_57 {offsets = [13], sizes = [1], strides = [1]} : vector<16xi32> to vector<1xi32>
      %squeeze3A_161 = vector.extract %slice3A_160[0] : i32 from vector<1xi32>
      %mul3A_162 = arith.constant 16 : i32
      %mul3A_163 = arith.muli %scan3A_53, %mul3A_162 : i32
      %add3A_164 = arith.constant 13 : i32
      %add3A_165 = arith.addi %mul3A_163, %add3A_164 : i32
      %swap3A_166 = arith.index_cast %add3A_165 : i32 to index
      %swap3A_167 = memref.load %arg11[%swap3A_166] : memref<384xi32, #tpu.memory_space<smem>>
      memref.store %squeeze3A_161, %arg11[%swap3A_166] : memref<384xi32, #tpu.memory_space<smem>>
      %slice3A_168 = vector.extract_strided_slice %get3A_57 {offsets = [14], sizes = [1], strides = [1]} : vector<16xi32> to vector<1xi32>
      %squeeze3A_169 = vector.extract %slice3A_168[0] : i32 from vector<1xi32>
      %mul3A_170 = arith.constant 16 : i32
      %mul3A_171 = arith.muli %scan3A_53, %mul3A_170 : i32
      %add3A_172 = arith.constant 14 : i32
      %add3A_173 = arith.addi %mul3A_171, %add3A_172 : i32
      %swap3A_174 = arith.index_cast %add3A_173 : i32 to index
      %swap3A_175 = memref.load %arg11[%swap3A_174] : memref<384xi32, #tpu.memory_space<smem>>
      memref.store %squeeze3A_169, %arg11[%swap3A_174] : memref<384xi32, #tpu.memory_space<smem>>
      %slice3A_176 = vector.extract_strided_slice %get3A_57 {offsets = [15], sizes = [1], strides = [1]} : vector<16xi32> to vector<1xi32>
      %squeeze3A_177 = vector.extract %slice3A_176[0] : i32 from vector<1xi32>
      %mul3A_178 = arith.constant 16 : i32
      %mul3A_179 = arith.muli %scan3A_53, %mul3A_178 : i32
      %add3A_180 = arith.constant 15 : i32
      %add3A_181 = arith.addi %mul3A_179, %add3A_180 : i32
      %swap3A_182 = arith.index_cast %add3A_181 : i32 to index
      %swap3A_183 = memref.load %arg11[%swap3A_182] : memref<384xi32, #tpu.memory_space<smem>>
      memref.store %squeeze3A_177, %arg11[%swap3A_182] : memref<384xi32, #tpu.memory_space<smem>>
      %scan3A_184 = arith.constant 0 : i32
      scf.yield %scan3A_184 : i32
    }
    %scan3A_6 = arith.constant 24 : i32
    %scan3A_7 = arith.constant 0 : i32
    %scan3A_8 = arith.constant 0 : i32
    %scan3A_9 = arith.constant 16 : i32
    %scan3A_10 = arith.addi %scan3A_8, %scan3A_9 : i32
    %scan3A_11 = arith.constant 1 : i32
    %scan3A_12 = scf.for %scan3A_53 = %scan3A_8 to %scan3A_10 step %scan3A_11 iter_args(%scan3A_54 = %scan3A_7) -> (i32)  : i32 {
      %mul3A_55 = arith.constant 16 : i32
      %mul3A_56 = arith.muli %scan3A_53, %mul3A_55 : i32
      %get3A = arith.index_cast %mul3A_56 : i32 to index
      %get3A_57 = tpu.vector_load %arg9[%get3A] {strides = array<i32>} : memref<256xf32, #tpu.memory_space<vmem>>, vector<16xf32>,
      %slice3A = vector.extract_strided_slice %get3A_57 {offsets = [0], sizes = [1], strides = [1]} : vector<16xf32> to vector<1xf32>
      %squeeze3A = vector.extract %slice3A[0] : f32 from vector<1xf32>
      %mul3A_58 = arith.constant 16 : i32
      %mul3A_59 = arith.muli %scan3A_53, %mul3A_58 : i32
      %add3A_60 = arith.constant 0 : i32
      %add3A_61 = arith.addi %mul3A_59, %add3A_60 : i32
      %swap3A_62 = arith.index_cast %add3A_61 : i32 to index
      %swap3A_63 = memref.load %arg12[%swap3A_62] : memref<256xf32, #tpu.memory_space<smem>>
      memref.store %squeeze3A, %arg12[%swap3A_62] : memref<256xf32, #tpu.memory_space<smem>>
      %slice3A_64 = vector.extract_strided_slice %get3A_57 {offsets = [1], sizes = [1], strides = [1]} : vector<16xf32> to vector<1xf32>
      %squeeze3A_65 = vector.extract %slice3A_64[0] : f32 from vector<1xf32>
      %mul3A_66 = arith.constant 16 : i32
      %mul3A_67 = arith.muli %scan3A_53, %mul3A_66 : i32
      %add3A_68 = arith.constant 1 : i32
      %add3A_69 = arith.addi %mul3A_67, %add3A_68 : i32
      %swap3A_70 = arith.index_cast %add3A_69 : i32 to index
      %swap3A_71 = memref.load %arg12[%swap3A_70] : memref<256xf32, #tpu.memory_space<smem>>
      memref.store %squeeze3A_65, %arg12[%swap3A_70] : memref<256xf32, #tpu.memory_space<smem>>
      %slice3A_72 = vector.extract_strided_slice %get3A_57 {offsets = [2], sizes = [1], strides = [1]} : vector<16xf32> to vector<1xf32>
      %squeeze3A_73 = vector.extract %slice3A_72[0] : f32 from vector<1xf32>
      %mul3A_74 = arith.constant 16 : i32
      %mul3A_75 = arith.muli %scan3A_53, %mul3A_74 : i32
      %add3A_76 = arith.constant 2 : i32
      %add3A_77 = arith.addi %mul3A_75, %add3A_76 : i32
      %swap3A_78 = arith.index_cast %add3A_77 : i32 to index
      %swap3A_79 = memref.load %arg12[%swap3A_78] : memref<256xf32, #tpu.memory_space<smem>>
      memref.store %squeeze3A_73, %arg12[%swap3A_78] : memref<256xf32, #tpu.memory_space<smem>>
      %slice3A_80 = vector.extract_strided_slice %get3A_57 {offsets = [3], sizes = [1], strides = [1]} : vector<16xf32> to vector<1xf32>
      %squeeze3A_81 = vector.extract %slice3A_80[0] : f32 from vector<1xf32>
      %mul3A_82 = arith.constant 16 : i32
      %mul3A_83 = arith.muli %scan3A_53, %mul3A_82 : i32
      %add3A_84 = arith.constant 3 : i32
      %add3A_85 = arith.addi %mul3A_83, %add3A_84 : i32
      %swap3A_86 = arith.index_cast %add3A_85 : i32 to index
      %swap3A_87 = memref.load %arg12[%swap3A_86] : memref<256xf32, #tpu.memory_space<smem>>
      memref.store %squeeze3A_81, %arg12[%swap3A_86] : memref<256xf32, #tpu.memory_space<smem>>
      %slice3A_88 = vector.extract_strided_slice %get3A_57 {offsets = [4], sizes = [1], strides = [1]} : vector<16xf32> to vector<1xf32>
      %squeeze3A_89 = vector.extract %slice3A_88[0] : f32 from vector<1xf32>
      %mul3A_90 = arith.constant 16 : i32
      %mul3A_91 = arith.muli %scan3A_53, %mul3A_90 : i32
      %add3A_92 = arith.constant 4 : i32
      %add3A_93 = arith.addi %mul3A_91, %add3A_92 : i32
      %swap3A_94 = arith.index_cast %add3A_93 : i32 to index
      %swap3A_95 = memref.load %arg12[%swap3A_94] : memref<256xf32, #tpu.memory_space<smem>>
      memref.store %squeeze3A_89, %arg12[%swap3A_94] : memref<256xf32, #tpu.memory_space<smem>>
      %slice3A_96 = vector.extract_strided_slice %get3A_57 {offsets = [5], sizes = [1], strides = [1]} : vector<16xf32> to vector<1xf32>
      %squeeze3A_97 = vector.extract %slice3A_96[0] : f32 from vector<1xf32>
      %mul3A_98 = arith.constant 16 : i32
      %mul3A_99 = arith.muli %scan3A_53, %mul3A_98 : i32
      %add3A_100 = arith.constant 5 : i32
      %add3A_101 = arith.addi %mul3A_99, %add3A_100 : i32
      %swap3A_102 = arith.index_cast %add3A_101 : i32 to index
      %swap3A_103 = memref.load %arg12[%swap3A_102] : memref<256xf32, #tpu.memory_space<smem>>
      memref.store %squeeze3A_97, %arg12[%swap3A_102] : memref<256xf32, #tpu.memory_space<smem>>
      %slice3A_104 = vector.extract_strided_slice %get3A_57 {offsets = [6], sizes = [1], strides = [1]} : vector<16xf32> to vector<1xf32>
      %squeeze3A_105 = vector.extract %slice3A_104[0] : f32 from vector<1xf32>
      %mul3A_106 = arith.constant 16 : i32
      %mul3A_107 = arith.muli %scan3A_53, %mul3A_106 : i32
      %add3A_108 = arith.constant 6 : i32
      %add3A_109 = arith.addi %mul3A_107, %add3A_108 : i32
      %swap3A_110 = arith.index_cast %add3A_109 : i32 to index
      %swap3A_111 = memref.load %arg12[%swap3A_110] : memref<256xf32, #tpu.memory_space<smem>>
      memref.store %squeeze3A_105, %arg12[%swap3A_110] : memref<256xf32, #tpu.memory_space<smem>>
      %slice3A_112 = vector.extract_strided_slice %get3A_57 {offsets = [7], sizes = [1], strides = [1]} : vector<16xf32> to vector<1xf32>
      %squeeze3A_113 = vector.extract %slice3A_112[0] : f32 from vector<1xf32>
      %mul3A_114 = arith.constant 16 : i32
      %mul3A_115 = arith.muli %scan3A_53, %mul3A_114 : i32
      %add3A_116 = arith.constant 7 : i32
      %add3A_117 = arith.addi %mul3A_115, %add3A_116 : i32
      %swap3A_118 = arith.index_cast %add3A_117 : i32 to index
      %swap3A_119 = memref.load %arg12[%swap3A_118] : memref<256xf32, #tpu.memory_space<smem>>
      memref.store %squeeze3A_113, %arg12[%swap3A_118] : memref<256xf32, #tpu.memory_space<smem>>
      %slice3A_120 = vector.extract_strided_slice %get3A_57 {offsets = [8], sizes = [1], strides = [1]} : vector<16xf32> to vector<1xf32>
      %squeeze3A_121 = vector.extract %slice3A_120[0] : f32 from vector<1xf32>
      %mul3A_122 = arith.constant 16 : i32
      %mul3A_123 = arith.muli %scan3A_53, %mul3A_122 : i32
      %add3A_124 = arith.constant 8 : i32
      %add3A_125 = arith.addi %mul3A_123, %add3A_124 : i32
      %swap3A_126 = arith.index_cast %add3A_125 : i32 to index
      %swap3A_127 = memref.load %arg12[%swap3A_126] : memref<256xf32, #tpu.memory_space<smem>>
      memref.store %squeeze3A_121, %arg12[%swap3A_126] : memref<256xf32, #tpu.memory_space<smem>>
      %slice3A_128 = vector.extract_strided_slice %get3A_57 {offsets = [9], sizes = [1], strides = [1]} : vector<16xf32> to vector<1xf32>
      %squeeze3A_129 = vector.extract %slice3A_128[0] : f32 from vector<1xf32>
      %mul3A_130 = arith.constant 16 : i32
      %mul3A_131 = arith.muli %scan3A_53, %mul3A_130 : i32
      %add3A_132 = arith.constant 9 : i32
      %add3A_133 = arith.addi %mul3A_131, %add3A_132 : i32
      %swap3A_134 = arith.index_cast %add3A_133 : i32 to index
      %swap3A_135 = memref.load %arg12[%swap3A_134] : memref<256xf32, #tpu.memory_space<smem>>
      memref.store %squeeze3A_129, %arg12[%swap3A_134] : memref<256xf32, #tpu.memory_space<smem>>
      %slice3A_136 = vector.extract_strided_slice %get3A_57 {offsets = [10], sizes = [1], strides = [1]} : vector<16xf32> to vector<1xf32>
      %squeeze3A_137 = vector.extract %slice3A_136[0] : f32 from vector<1xf32>
      %mul3A_138 = arith.constant 16 : i32
      %mul3A_139 = arith.muli %scan3A_53, %mul3A_138 : i32
      %add3A_140 = arith.constant 10 : i32
      %add3A_141 = arith.addi %mul3A_139, %add3A_140 : i32
      %swap3A_142 = arith.index_cast %add3A_141 : i32 to index
      %swap3A_143 = memref.load %arg12[%swap3A_142] : memref<256xf32, #tpu.memory_space<smem>>
      memref.store %squeeze3A_137, %arg12[%swap3A_142] : memref<256xf32, #tpu.memory_space<smem>>
      %slice3A_144 = vector.extract_strided_slice %get3A_57 {offsets = [11], sizes = [1], strides = [1]} : vector<16xf32> to vector<1xf32>
      %squeeze3A_145 = vector.extract %slice3A_144[0] : f32 from vector<1xf32>
      %mul3A_146 = arith.constant 16 : i32
      %mul3A_147 = arith.muli %scan3A_53, %mul3A_146 : i32
      %add3A_148 = arith.constant 11 : i32
      %add3A_149 = arith.addi %mul3A_147, %add3A_148 : i32
      %swap3A_150 = arith.index_cast %add3A_149 : i32 to index
      %swap3A_151 = memref.load %arg12[%swap3A_150] : memref<256xf32, #tpu.memory_space<smem>>
      memref.store %squeeze3A_145, %arg12[%swap3A_150] : memref<256xf32, #tpu.memory_space<smem>>
      %slice3A_152 = vector.extract_strided_slice %get3A_57 {offsets = [12], sizes = [1], strides = [1]} : vector<16xf32> to vector<1xf32>
      %squeeze3A_153 = vector.extract %slice3A_152[0] : f32 from vector<1xf32>
      %mul3A_154 = arith.constant 16 : i32
      %mul3A_155 = arith.muli %scan3A_53, %mul3A_154 : i32
      %add3A_156 = arith.constant 12 : i32
      %add3A_157 = arith.addi %mul3A_155, %add3A_156 : i32
      %swap3A_158 = arith.index_cast %add3A_157 : i32 to index
      %swap3A_159 = memref.load %arg12[%swap3A_158] : memref<256xf32, #tpu.memory_space<smem>>
      memref.store %squeeze3A_153, %arg12[%swap3A_158] : memref<256xf32, #tpu.memory_space<smem>>
      %slice3A_160 = vector.extract_strided_slice %get3A_57 {offsets = [13], sizes = [1], strides = [1]} : vector<16xf32> to vector<1xf32>
      %squeeze3A_161 = vector.extract %slice3A_160[0] : f32 from vector<1xf32>
      %mul3A_162 = arith.constant 16 : i32
      %mul3A_163 = arith.muli %scan3A_53, %mul3A_162 : i32
      %add3A_164 = arith.constant 13 : i32
      %add3A_165 = arith.addi %mul3A_163, %add3A_164 : i32
      %swap3A_166 = arith.index_cast %add3A_165 : i32 to index
      %swap3A_167 = memref.load %arg12[%swap3A_166] : memref<256xf32, #tpu.memory_space<smem>>
      memref.store %squeeze3A_161, %arg12[%swap3A_166] : memref<256xf32, #tpu.memory_space<smem>>
      %slice3A_168 = vector.extract_strided_slice %get3A_57 {offsets = [14], sizes = [1], strides = [1]} : vector<16xf32> to vector<1xf32>
      %squeeze3A_169 = vector.extract %slice3A_168[0] : f32 from vector<1xf32>
      %mul3A_170 = arith.constant 16 : i32
      %mul3A_171 = arith.muli %scan3A_53, %mul3A_170 : i32
      %add3A_172 = arith.constant 14 : i32
      %add3A_173 = arith.addi %mul3A_171, %add3A_172 : i32
      %swap3A_174 = arith.index_cast %add3A_173 : i32 to index
      %swap3A_175 = memref.load %arg12[%swap3A_174] : memref<256xf32, #tpu.memory_space<smem>>
      memref.store %squeeze3A_169, %arg12[%swap3A_174] : memref<256xf32, #tpu.memory_space<smem>>
      %slice3A_176 = vector.extract_strided_slice %get3A_57 {offsets = [15], sizes = [1], strides = [1]} : vector<16xf32> to vector<1xf32>
      %squeeze3A_177 = vector.extract %slice3A_176[0] : f32 from vector<1xf32>
      %mul3A_178 = arith.constant 16 : i32
      %mul3A_179 = arith.muli %scan3A_53, %mul3A_178 : i32
      %add3A_180 = arith.constant 15 : i32
      %add3A_181 = arith.addi %mul3A_179, %add3A_180 : i32
      %swap3A_182 = arith.index_cast %add3A_181 : i32 to index
      %swap3A_183 = memref.load %arg12[%swap3A_182] : memref<256xf32, #tpu.memory_space<smem>>
      memref.store %squeeze3A_177, %arg12[%swap3A_182] : memref<256xf32, #tpu.memory_space<smem>>
      %scan3A_184 = arith.constant 0 : i32
      scf.yield %scan3A_184 : i32
    }
    %scan3A_13 = arith.constant 16 : i32
    %mul3A_14 = arith.constant 1024 : i32
    %mul3A_15 = arith.muli %add3A, %mul3A_14 : i32
    %iota3A = tpu.iota {dimensions = array<i32: 0>} : vector<16xi32>
    %broadcast_in_dim3A = arith.constant 0.000000e+00 : f32
    %broadcast_in_dim3A_16 = vector.broadcast %broadcast_in_dim3A : f32 to vector<16xf32>
    %add3A_17 = arith.constant 0 : i32
    %add3A_18 = arith.addi %mul3A_15, %add3A_17 : i32
    %dma_start3A = arith.constant 0 : i32
    %dma_start3A_19 = arith.constant 0 : i32
    %dma_start3A_20 = tpu.memref_slice %arg6[%dma_start3A, %dma_start3A_19] : memref<64x520xf32, #tpu.memory_space<vmem>> -> memref<64x512xf32, #tpu.memory_space<vmem>>
    %dma_start3A_21 = arith.constant 0 : i32
    %dma_start3A_22 = tpu.memref_slice %arg2[%add3A_18, %dma_start3A_21] : memref<32768x512xf32, #tpu.memory_space<hbm>> -> memref<64x512xf32, #tpu.memory_space<hbm>>
    %dma_start3A_23 = arith.constant 0 : i32
    %dma_start3A_24 = arith.constant 0 : i32
    %dma_start3A_25 = tpu.memref_slice %arg6[%dma_start3A_23, %dma_start3A_24] : memref<64x520xf32, #tpu.memory_space<vmem>> -> memref<64x512xf32, #tpu.memory_space<vmem>>
    %dma_start3A_26 = arith.constant 0 : i32
    %dma_start3A_27 = tpu.memref_slice %arg2[%add3A_18, %dma_start3A_26] : memref<32768x512xf32, #tpu.memory_space<hbm>> -> memref<64x512xf32, #tpu.memory_space<hbm>>
    tpu.enqueue_dma source(%dma_start3A_27 : memref<64x512xf32, #tpu.memory_space<hbm>>) target(%dma_start3A_25 : memref<64x512xf32, #tpu.memory_space<vmem>>) target_semaphore(%arg13 : memref<!tpu.dma_semaphore, #tpu.memory_space<semaphore_mem>>)
    %add3A_28 = arith.constant 64 : i32
    %add3A_29 = arith.addi %mul3A_15, %add3A_28 : i32
    %dma_start3A_30 = arith.constant 0 : i32
    %dma_start3A_31 = arith.constant 0 : i32
    %dma_start3A_32 = tpu.memref_slice %arg7[%dma_start3A_30, %dma_start3A_31] : memref<64x520xf32, #tpu.memory_space<vmem>> -> memref<64x512xf32, #tpu.memory_space<vmem>>
    %dma_start3A_33 = arith.constant 0 : i32
    %dma_start3A_34 = tpu.memref_slice %arg2[%add3A_29, %dma_start3A_33] : memref<32768x512xf32, #tpu.memory_space<hbm>> -> memref<64x512xf32, #tpu.memory_space<hbm>>
    %dma_start3A_35 = arith.constant 0 : i32
    %dma_start3A_36 = arith.constant 0 : i32
    %dma_start3A_37 = tpu.memref_slice %arg7[%dma_start3A_35, %dma_start3A_36] : memref<64x520xf32, #tpu.memory_space<vmem>> -> memref<64x512xf32, #tpu.memory_space<vmem>>
    %dma_start3A_38 = arith.constant 0 : i32
    %dma_start3A_39 = tpu.memref_slice %arg2[%add3A_29, %dma_start3A_38] : memref<32768x512xf32, #tpu.memory_space<hbm>> -> memref<64x512xf32, #tpu.memory_space<hbm>>
    tpu.enqueue_dma source(%dma_start3A_39 : memref<64x512xf32, #tpu.memory_space<hbm>>) target(%dma_start3A_37 : memref<64x512xf32, #tpu.memory_space<vmem>>) target_semaphore(%arg14 : memref<!tpu.dma_semaphore, #tpu.memory_space<semaphore_mem>>)
    %scan3A_40 = arith.constant 0 : i32
    %scan3A_41 = arith.constant 8 : i32
    %scan3A_42 = arith.addi %scan3A_40, %scan3A_41 : i32
    %scan3A_43 = arith.constant 1 : i32
    %scan3A_44:2 = scf.for %scan3A_53 = %scan3A_40 to %scan3A_42 step %scan3A_43 iter_args(%scan3A_54 = %broadcast_in_dim3A_16, %scan3A_55 = %broadcast_in_dim3A_16) -> (vector<16xf32>, vector<16xf32>)  : i32 {
      %mul3A_56 = arith.constant 2 : i32
      %mul3A_57 = arith.muli %mul3A_56, %scan3A_53 : i32
      %mul3A_58 = arith.constant 64 : i32
      %mul3A_59 = arith.muli %mul3A_57, %mul3A_58 : i32
      %add3A_60 = arith.addi %mul3A_15, %mul3A_59 : i32
      %dma_wait3A = arith.constant 0 : i32
      %dma_wait3A_61 = arith.constant 0 : i32
      %dma_wait3A_62 = tpu.memref_slice %arg6[%dma_wait3A, %dma_wait3A_61] : memref<64x520xf32, #tpu.memory_space<vmem>> -> memref<64x512xf32, #tpu.memory_space<vmem>>
      %dma_wait3A_63 = arith.constant 0 : i32
      %dma_wait3A_64 = tpu.memref_slice %arg2[%add3A_60, %dma_wait3A_63] : memref<32768x512xf32, #tpu.memory_space<hbm>> -> memref<64x512xf32, #tpu.memory_space<hbm>>
      %dma_wait3A_65 = arith.constant 0 : i32
      %dma_wait3A_66 = arith.constant 0 : i32
      %dma_wait3A_67 = tpu.memref_slice %arg6[%dma_wait3A_65, %dma_wait3A_66] : memref<64x520xf32, #tpu.memory_space<vmem>> -> memref<64x512xf32, #tpu.memory_space<vmem>>
      %dma_wait3A_68 = arith.constant 0 : i32
      %dma_wait3A_69 = tpu.memref_slice %arg2[%add3A_60, %dma_wait3A_68] : memref<32768x512xf32, #tpu.memory_space<hbm>> -> memref<64x512xf32, #tpu.memory_space<hbm>>
      tpu.wait_dma2 semaphore(%arg13 : memref<!tpu.dma_semaphore, #tpu.memory_space<semaphore_mem>>) src(%dma_wait3A_69 : memref<64x512xf32, #tpu.memory_space<hbm>>) dst(%dma_wait3A_67 : memref<64x512xf32, #tpu.memory_space<vmem>>)
      %scan3A_70 = arith.constant 0 : i32
      %scan3A_71 = arith.constant 4 : i32
      %scan3A_72 = arith.addi %scan3A_70, %scan3A_71 : i32
      %scan3A_73 = arith.constant 1 : i32
      %scan3A_74:2 = scf.for %scan3A_110 = %scan3A_70 to %scan3A_72 step %scan3A_73 iter_args(%scan3A_111 = %scan3A_54, %scan3A_112 = %scan3A_55) -> (vector<16xf32>, vector<16xf32>)  : i32 {
        %mul3A_113 = arith.constant 16 : i32
        %mul3A_114 = arith.muli %scan3A_110, %mul3A_113 : i32
        %add3A_115 = vector.broadcast %mul3A_114 : i32 to vector<16xi32>
        %add3A_116 = arith.addi %add3A_115, %iota3A : vector<16xi32>
        %parallel_loop3A = arith.constant 0 : i32
        %parallel_loop3A_117 = arith.constant 128 : i32
        %parallel_loop3A_118 = arith.constant 8 : i32
        %parallel_loop3A_119 = scf.for %parallel_loop3A_124 = %parallel_loop3A to %parallel_loop3A_117 step %parallel_loop3A_118 iter_args(%parallel_loop3A_125 = %scan3A_111) -> (vector<16xf32>)  : i32 {
          %parallel_loop3A_126 = arith.constant 0 : i32
          %parallel_loop3A_127 = arith.addi %parallel_loop3A_126, %parallel_loop3A_124 : i32
          %parallel_loop3A_128 = arith.constant 0 : i32
          %parallel_loop3A_129 = arith.addi %parallel_loop3A_127, %parallel_loop3A_128 : i32
          %parallel_loop3A_130 = arith.index_cast %parallel_loop3A_129 : i32 to index
          %parallel_loop3A_131 = memref.load %arg11[%parallel_loop3A_130] : memref<384xi32, #tpu.memory_space<smem>>
          %parallel_loop3A_132 = vector.broadcast %parallel_loop3A_131 : i32 to vector<16xi32>
          %parallel_loop3A_133 = tpu.vector_load_idx %arg6[%add3A_116, %parallel_loop3A_132] : memref<64x520xf32, #tpu.memory_space<vmem>>[vector<16xi32>, vector<16xi32>], vector<16xf32>,
          %parallel_loop3A_134 = arith.constant 128 : i32
          %parallel_loop3A_135 = arith.addi %parallel_loop3A_134, %parallel_loop3A_124 : i32
          %parallel_loop3A_136 = arith.constant 0 : i32
          %parallel_loop3A_137 = arith.addi %parallel_loop3A_135, %parallel_loop3A_136 : i32
          %parallel_loop3A_138 = arith.index_cast %parallel_loop3A_137 : i32 to index
          %parallel_loop3A_139 = memref.load %arg11[%parallel_loop3A_138] : memref<384xi32, #tpu.memory_space<smem>>
          %parallel_loop3A_140 = vector.broadcast %parallel_loop3A_139 : i32 to vector<16xi32>
          %parallel_loop3A_141 = tpu.vector_load_idx %arg6[%add3A_116, %parallel_loop3A_140] : memref<64x520xf32, #tpu.memory_space<vmem>>[vector<16xi32>, vector<16xi32>], vector<16xf32>,
          %parallel_loop3A_142 = arith.subf %parallel_loop3A_133, %parallel_loop3A_141 : vector<16xf32>
          %parallel_loop3A_143 = arith.constant 0 : i32
          %parallel_loop3A_144 = arith.addi %parallel_loop3A_124, %parallel_loop3A_143 : i32
          %parallel_loop3A_145 = arith.index_cast %parallel_loop3A_144 : i32 to index
          %parallel_loop3A_146 = memref.load %arg12[%parallel_loop3A_145] : memref<256xf32, #tpu.memory_space<smem>>
          %parallel_loop3A_147 = vector.broadcast %parallel_loop3A_146 : f32 to vector<16xf32>
          %parallel_loop3A_148 = arith.addf %parallel_loop3A_142, %parallel_loop3A_147 : vector<16xf32>
          %parallel_loop3A_149 = arith.constant 0 : i32
          %parallel_loop3A_150 = arith.addi %parallel_loop3A_149, %parallel_loop3A_124 : i32
          %parallel_loop3A_151 = arith.constant 1 : i32
          %parallel_loop3A_152 = arith.addi %parallel_loop3A_150, %parallel_loop3A_151 : i32
          %parallel_loop3A_153 = arith.index_cast %parallel_loop3A_152 : i32 to index
          %parallel_loop3A_154 = memref.load %arg11[%parallel_loop3A_153] : memref<384xi32, #tpu.memory_space<smem>>
          %parallel_loop3A_155 = vector.broadcast %parallel_loop3A_154 : i32 to vector<16xi32>
          %parallel_loop3A_156 = tpu.vector_load_idx %arg6[%add3A_116, %parallel_loop3A_155] : memref<64x520xf32, #tpu.memory_space<vmem>>[vector<16xi32>, vector<16xi32>], vector<16xf32>,
          %parallel_loop3A_157 = arith.constant 128 : i32
          %parallel_loop3A_158 = arith.addi %parallel_loop3A_157, %parallel_loop3A_124 : i32
          %parallel_loop3A_159 = arith.constant 1 : i32
          %parallel_loop3A_160 = arith.addi %parallel_loop3A_158, %parallel_loop3A_159 : i32
          %parallel_loop3A_161 = arith.index_cast %parallel_loop3A_160 : i32 to index
          %parallel_loop3A_162 = memref.load %arg11[%parallel_loop3A_161] : memref<384xi32, #tpu.memory_space<smem>>
          %parallel_loop3A_163 = vector.broadcast %parallel_loop3A_162 : i32 to vector<16xi32>
          %parallel_loop3A_164 = tpu.vector_load_idx %arg6[%add3A_116, %parallel_loop3A_163] : memref<64x520xf32, #tpu.memory_space<vmem>>[vector<16xi32>, vector<16xi32>], vector<16xf32>,
          %parallel_loop3A_165 = arith.subf %parallel_loop3A_156, %parallel_loop3A_164 : vector<16xf32>
          %parallel_loop3A_166 = arith.constant 1 : i32
          %parallel_loop3A_167 = arith.addi %parallel_loop3A_124, %parallel_loop3A_166 : i32
          %parallel_loop3A_168 = arith.index_cast %parallel_loop3A_167 : i32 to index
          %parallel_loop3A_169 = memref.load %arg12[%parallel_loop3A_168] : memref<256xf32, #tpu.memory_space<smem>>
          %parallel_loop3A_170 = vector.broadcast %parallel_loop3A_169 : f32 to vector<16xf32>
          %parallel_loop3A_171 = arith.addf %parallel_loop3A_165, %parallel_loop3A_170 : vector<16xf32>
          %parallel_loop3A_172 = arith.constant 0 : i32
          %parallel_loop3A_173 = arith.addi %parallel_loop3A_172, %parallel_loop3A_124 : i32
          %parallel_loop3A_174 = arith.constant 2 : i32
          %parallel_loop3A_175 = arith.addi %parallel_loop3A_173, %parallel_loop3A_174 : i32
          %parallel_loop3A_176 = arith.index_cast %parallel_loop3A_175 : i32 to index
          %parallel_loop3A_177 = memref.load %arg11[%parallel_loop3A_176] : memref<384xi32, #tpu.memory_space<smem>>
          %parallel_loop3A_178 = vector.broadcast %parallel_loop3A_177 : i32 to vector<16xi32>
          %parallel_loop3A_179 = tpu.vector_load_idx %arg6[%add3A_116, %parallel_loop3A_178] : memref<64x520xf32, #tpu.memory_space<vmem>>[vector<16xi32>, vector<16xi32>], vector<16xf32>,
          %parallel_loop3A_180 = arith.constant 128 : i32
          %parallel_loop3A_181 = arith.addi %parallel_loop3A_180, %parallel_loop3A_124 : i32
          %parallel_loop3A_182 = arith.constant 2 : i32
          %parallel_loop3A_183 = arith.addi %parallel_loop3A_181, %parallel_loop3A_182 : i32
          %parallel_loop3A_184 = arith.index_cast %parallel_loop3A_183 : i32 to index
          %parallel_loop3A_185 = memref.load %arg11[%parallel_loop3A_184] : memref<384xi32, #tpu.memory_space<smem>>
          %parallel_loop3A_186 = vector.broadcast %parallel_loop3A_185 : i32 to vector<16xi32>
          %parallel_loop3A_187 = tpu.vector_load_idx %arg6[%add3A_116, %parallel_loop3A_186] : memref<64x520xf32, #tpu.memory_space<vmem>>[vector<16xi32>, vector<16xi32>], vector<16xf32>,
          %parallel_loop3A_188 = arith.subf %parallel_loop3A_179, %parallel_loop3A_187 : vector<16xf32>
          %parallel_loop3A_189 = arith.constant 2 : i32
          %parallel_loop3A_190 = arith.addi %parallel_loop3A_124, %parallel_loop3A_189 : i32
          %parallel_loop3A_191 = arith.index_cast %parallel_loop3A_190 : i32 to index
          %parallel_loop3A_192 = memref.load %arg12[%parallel_loop3A_191] : memref<256xf32, #tpu.memory_space<smem>>
          %parallel_loop3A_193 = vector.broadcast %parallel_loop3A_192 : f32 to vector<16xf32>
          %parallel_loop3A_194 = arith.addf %parallel_loop3A_188, %parallel_loop3A_193 : vector<16xf32>
          %parallel_loop3A_195 = arith.constant 0 : i32
          %parallel_loop3A_196 = arith.addi %parallel_loop3A_195, %parallel_loop3A_124 : i32
          %parallel_loop3A_197 = arith.constant 3 : i32
          %parallel_loop3A_198 = arith.addi %parallel_loop3A_196, %parallel_loop3A_197 : i32
          %parallel_loop3A_199 = arith.index_cast %parallel_loop3A_198 : i32 to index
          %parallel_loop3A_200 = memref.load %arg11[%parallel_loop3A_199] : memref<384xi32, #tpu.memory_space<smem>>
          %parallel_loop3A_201 = vector.broadcast %parallel_loop3A_200 : i32 to vector<16xi32>
          %parallel_loop3A_202 = tpu.vector_load_idx %arg6[%add3A_116, %parallel_loop3A_201] : memref<64x520xf32, #tpu.memory_space<vmem>>[vector<16xi32>, vector<16xi32>], vector<16xf32>,
          %parallel_loop3A_203 = arith.constant 128 : i32
          %parallel_loop3A_204 = arith.addi %parallel_loop3A_203, %parallel_loop3A_124 : i32
          %parallel_loop3A_205 = arith.constant 3 : i32
          %parallel_loop3A_206 = arith.addi %parallel_loop3A_204, %parallel_loop3A_205 : i32
          %parallel_loop3A_207 = arith.index_cast %parallel_loop3A_206 : i32 to index
          %parallel_loop3A_208 = memref.load %arg11[%parallel_loop3A_207] : memref<384xi32, #tpu.memory_space<smem>>
          %parallel_loop3A_209 = vector.broadcast %parallel_loop3A_208 : i32 to vector<16xi32>
          %parallel_loop3A_210 = tpu.vector_load_idx %arg6[%add3A_116, %parallel_loop3A_209] : memref<64x520xf32, #tpu.memory_space<vmem>>[vector<16xi32>, vector<16xi32>], vector<16xf32>,
          %parallel_loop3A_211 = arith.subf %parallel_loop3A_202, %parallel_loop3A_210 : vector<16xf32>
          %parallel_loop3A_212 = arith.constant 3 : i32
          %parallel_loop3A_213 = arith.addi %parallel_loop3A_124, %parallel_loop3A_212 : i32
          %parallel_loop3A_214 = arith.index_cast %parallel_loop3A_213 : i32 to index
          %parallel_loop3A_215 = memref.load %arg12[%parallel_loop3A_214] : memref<256xf32, #tpu.memory_space<smem>>
          %parallel_loop3A_216 = vector.broadcast %parallel_loop3A_215 : f32 to vector<16xf32>
          %parallel_loop3A_217 = arith.addf %parallel_loop3A_211, %parallel_loop3A_216 : vector<16xf32>
          %parallel_loop3A_218 = arith.constant 0 : i32
          %parallel_loop3A_219 = arith.addi %parallel_loop3A_218, %parallel_loop3A_124 : i32
          %parallel_loop3A_220 = arith.constant 4 : i32
          %parallel_loop3A_221 = arith.addi %parallel_loop3A_219, %parallel_loop3A_220 : i32
          %parallel_loop3A_222 = arith.index_cast %parallel_loop3A_221 : i32 to index
          %parallel_loop3A_223 = memref.load %arg11[%parallel_loop3A_222] : memref<384xi32, #tpu.memory_space<smem>>
          %parallel_loop3A_224 = vector.broadcast %parallel_loop3A_223 : i32 to vector<16xi32>
          %parallel_loop3A_225 = tpu.vector_load_idx %arg6[%add3A_116, %parallel_loop3A_224] : memref<64x520xf32, #tpu.memory_space<vmem>>[vector<16xi32>, vector<16xi32>], vector<16xf32>,
          %parallel_loop3A_226 = arith.constant 128 : i32
          %parallel_loop3A_227 = arith.addi %parallel_loop3A_226, %parallel_loop3A_124 : i32
          %parallel_loop3A_228 = arith.constant 4 : i32
          %parallel_loop3A_229 = arith.addi %parallel_loop3A_227, %parallel_loop3A_228 : i32
          %parallel_loop3A_230 = arith.index_cast %parallel_loop3A_229 : i32 to index
          %parallel_loop3A_231 = memref.load %arg11[%parallel_loop3A_230] : memref<384xi32, #tpu.memory_space<smem>>
          %parallel_loop3A_232 = vector.broadcast %parallel_loop3A_231 : i32 to vector<16xi32>
          %parallel_loop3A_233 = tpu.vector_load_idx %arg6[%add3A_116, %parallel_loop3A_232] : memref<64x520xf32, #tpu.memory_space<vmem>>[vector<16xi32>, vector<16xi32>], vector<16xf32>,
          %parallel_loop3A_234 = arith.subf %parallel_loop3A_225, %parallel_loop3A_233 : vector<16xf32>
          %parallel_loop3A_235 = arith.constant 4 : i32
          %parallel_loop3A_236 = arith.addi %parallel_loop3A_124, %parallel_loop3A_235 : i32
          %parallel_loop3A_237 = arith.index_cast %parallel_loop3A_236 : i32 to index
          %parallel_loop3A_238 = memref.load %arg12[%parallel_loop3A_237] : memref<256xf32, #tpu.memory_space<smem>>
          %parallel_loop3A_239 = vector.broadcast %parallel_loop3A_238 : f32 to vector<16xf32>
          %parallel_loop3A_240 = arith.addf %parallel_loop3A_234, %parallel_loop3A_239 : vector<16xf32>
          %parallel_loop3A_241 = arith.constant 0 : i32
          %parallel_loop3A_242 = arith.addi %parallel_loop3A_241, %parallel_loop3A_124 : i32
          %parallel_loop3A_243 = arith.constant 5 : i32
          %parallel_loop3A_244 = arith.addi %parallel_loop3A_242, %parallel_loop3A_243 : i32
          %parallel_loop3A_245 = arith.index_cast %parallel_loop3A_244 : i32 to index
          %parallel_loop3A_246 = memref.load %arg11[%parallel_loop3A_245] : memref<384xi32, #tpu.memory_space<smem>>
          %parallel_loop3A_247 = vector.broadcast %parallel_loop3A_246 : i32 to vector<16xi32>
          %parallel_loop3A_248 = tpu.vector_load_idx %arg6[%add3A_116, %parallel_loop3A_247] : memref<64x520xf32, #tpu.memory_space<vmem>>[vector<16xi32>, vector<16xi32>], vector<16xf32>,
          %parallel_loop3A_249 = arith.constant 128 : i32
          %parallel_loop3A_250 = arith.addi %parallel_loop3A_249, %parallel_loop3A_124 : i32
          %parallel_loop3A_251 = arith.constant 5 : i32
          %parallel_loop3A_252 = arith.addi %parallel_loop3A_250, %parallel_loop3A_251 : i32
          %parallel_loop3A_253 = arith.index_cast %parallel_loop3A_252 : i32 to index
          %parallel_loop3A_254 = memref.load %arg11[%parallel_loop3A_253] : memref<384xi32, #tpu.memory_space<smem>>
          %parallel_loop3A_255 = vector.broadcast %parallel_loop3A_254 : i32 to vector<16xi32>
          %parallel_loop3A_256 = tpu.vector_load_idx %arg6[%add3A_116, %parallel_loop3A_255] : memref<64x520xf32, #tpu.memory_space<vmem>>[vector<16xi32>, vector<16xi32>], vector<16xf32>,
          %parallel_loop3A_257 = arith.subf %parallel_loop3A_248, %parallel_loop3A_256 : vector<16xf32>
          %parallel_loop3A_258 = arith.constant 5 : i32
          %parallel_loop3A_259 = arith.addi %parallel_loop3A_124, %parallel_loop3A_258 : i32
          %parallel_loop3A_260 = arith.index_cast %parallel_loop3A_259 : i32 to index
          %parallel_loop3A_261 = memref.load %arg12[%parallel_loop3A_260] : memref<256xf32, #tpu.memory_space<smem>>
          %parallel_loop3A_262 = vector.broadcast %parallel_loop3A_261 : f32 to vector<16xf32>
          %parallel_loop3A_263 = arith.addf %parallel_loop3A_257, %parallel_loop3A_262 : vector<16xf32>
          %parallel_loop3A_264 = arith.constant 0 : i32
          %parallel_loop3A_265 = arith.addi %parallel_loop3A_264, %parallel_loop3A_124 : i32
          %parallel_loop3A_266 = arith.constant 6 : i32
          %parallel_loop3A_267 = arith.addi %parallel_loop3A_265, %parallel_loop3A_266 : i32
          %parallel_loop3A_268 = arith.index_cast %parallel_loop3A_267 : i32 to index
          %parallel_loop3A_269 = memref.load %arg11[%parallel_loop3A_268] : memref<384xi32, #tpu.memory_space<smem>>
          %parallel_loop3A_270 = vector.broadcast %parallel_loop3A_269 : i32 to vector<16xi32>
          %parallel_loop3A_271 = tpu.vector_load_idx %arg6[%add3A_116, %parallel_loop3A_270] : memref<64x520xf32, #tpu.memory_space<vmem>>[vector<16xi32>, vector<16xi32>], vector<16xf32>,
          %parallel_loop3A_272 = arith.constant 128 : i32
          %parallel_loop3A_273 = arith.addi %parallel_loop3A_272, %parallel_loop3A_124 : i32
          %parallel_loop3A_274 = arith.constant 6 : i32
          %parallel_loop3A_275 = arith.addi %parallel_loop3A_273, %parallel_loop3A_274 : i32
          %parallel_loop3A_276 = arith.index_cast %parallel_loop3A_275 : i32 to index
          %parallel_loop3A_277 = memref.load %arg11[%parallel_loop3A_276] : memref<384xi32, #tpu.memory_space<smem>>
          %parallel_loop3A_278 = vector.broadcast %parallel_loop3A_277 : i32 to vector<16xi32>
          %parallel_loop3A_279 = tpu.vector_load_idx %arg6[%add3A_116, %parallel_loop3A_278] : memref<64x520xf32, #tpu.memory_space<vmem>>[vector<16xi32>, vector<16xi32>], vector<16xf32>,
          %parallel_loop3A_280 = arith.subf %parallel_loop3A_271, %parallel_loop3A_279 : vector<16xf32>
          %parallel_loop3A_281 = arith.constant 6 : i32
          %parallel_loop3A_282 = arith.addi %parallel_loop3A_124, %parallel_loop3A_281 : i32
          %parallel_loop3A_283 = arith.index_cast %parallel_loop3A_282 : i32 to index
          %parallel_loop3A_284 = memref.load %arg12[%parallel_loop3A_283] : memref<256xf32, #tpu.memory_space<smem>>
          %parallel_loop3A_285 = vector.broadcast %parallel_loop3A_284 : f32 to vector<16xf32>
          %parallel_loop3A_286 = arith.addf %parallel_loop3A_280, %parallel_loop3A_285 : vector<16xf32>
          %parallel_loop3A_287 = arith.constant 0 : i32
          %parallel_loop3A_288 = arith.addi %parallel_loop3A_287, %parallel_loop3A_124 : i32
          %parallel_loop3A_289 = arith.constant 7 : i32
          %parallel_loop3A_290 = arith.addi %parallel_loop3A_288, %parallel_loop3A_289 : i32
          %parallel_loop3A_291 = arith.index_cast %parallel_loop3A_290 : i32 to index
          %parallel_loop3A_292 = memref.load %arg11[%parallel_loop3A_291] : memref<384xi32, #tpu.memory_space<smem>>
          %parallel_loop3A_293 = vector.broadcast %parallel_loop3A_292 : i32 to vector<16xi32>
          %parallel_loop3A_294 = tpu.vector_load_idx %arg6[%add3A_116, %parallel_loop3A_293] : memref<64x520xf32, #tpu.memory_space<vmem>>[vector<16xi32>, vector<16xi32>], vector<16xf32>,
          %parallel_loop3A_295 = arith.constant 128 : i32
          %parallel_loop3A_296 = arith.addi %parallel_loop3A_295, %parallel_loop3A_124 : i32
          %parallel_loop3A_297 = arith.constant 7 : i32
          %parallel_loop3A_298 = arith.addi %parallel_loop3A_296, %parallel_loop3A_297 : i32
          %parallel_loop3A_299 = arith.index_cast %parallel_loop3A_298 : i32 to index
          %parallel_loop3A_300 = memref.load %arg11[%parallel_loop3A_299] : memref<384xi32, #tpu.memory_space<smem>>
          %parallel_loop3A_301 = vector.broadcast %parallel_loop3A_300 : i32 to vector<16xi32>
          %parallel_loop3A_302 = tpu.vector_load_idx %arg6[%add3A_116, %parallel_loop3A_301] : memref<64x520xf32, #tpu.memory_space<vmem>>[vector<16xi32>, vector<16xi32>], vector<16xf32>,
          %parallel_loop3A_303 = arith.subf %parallel_loop3A_294, %parallel_loop3A_302 : vector<16xf32>
          %parallel_loop3A_304 = arith.constant 7 : i32
          %parallel_loop3A_305 = arith.addi %parallel_loop3A_124, %parallel_loop3A_304 : i32
          %parallel_loop3A_306 = arith.index_cast %parallel_loop3A_305 : i32 to index
          %parallel_loop3A_307 = memref.load %arg12[%parallel_loop3A_306] : memref<256xf32, #tpu.memory_space<smem>>
          %parallel_loop3A_308 = vector.broadcast %parallel_loop3A_307 : f32 to vector<16xf32>
          %parallel_loop3A_309 = arith.addf %parallel_loop3A_303, %parallel_loop3A_308 : vector<16xf32>
          %parallel_loop3A_310 = arith.mulf %parallel_loop3A_148, %parallel_loop3A_148 : vector<16xf32>
          %parallel_loop3A_311 = arith.mulf %parallel_loop3A_171, %parallel_loop3A_171 : vector<16xf32>
          %parallel_loop3A_312 = arith.mulf %parallel_loop3A_194, %parallel_loop3A_194 : vector<16xf32>
          %parallel_loop3A_313 = arith.mulf %parallel_loop3A_217, %parallel_loop3A_217 : vector<16xf32>
          %parallel_loop3A_314 = arith.mulf %parallel_loop3A_240, %parallel_loop3A_240 : vector<16xf32>
          %parallel_loop3A_315 = arith.mulf %parallel_loop3A_263, %parallel_loop3A_263 : vector<16xf32>
          %parallel_loop3A_316 = arith.mulf %parallel_loop3A_286, %parallel_loop3A_286 : vector<16xf32>
          %parallel_loop3A_317 = arith.mulf %parallel_loop3A_309, %parallel_loop3A_309 : vector<16xf32>
          %parallel_loop3A_318 = arith.addf %parallel_loop3A_310, %parallel_loop3A_311 : vector<16xf32>
          %parallel_loop3A_319 = arith.addf %parallel_loop3A_312, %parallel_loop3A_313 : vector<16xf32>
          %parallel_loop3A_320 = arith.addf %parallel_loop3A_318, %parallel_loop3A_319 : vector<16xf32>
          %parallel_loop3A_321 = arith.addf %parallel_loop3A_314, %parallel_loop3A_315 : vector<16xf32>
          %parallel_loop3A_322 = arith.addf %parallel_loop3A_316, %parallel_loop3A_317 : vector<16xf32>
          %parallel_loop3A_323 = arith.addf %parallel_loop3A_321, %parallel_loop3A_322 : vector<16xf32>
          %parallel_loop3A_324 = arith.addf %parallel_loop3A_320, %parallel_loop3A_323 : vector<16xf32>
          %parallel_loop3A_325 = arith.addf %parallel_loop3A_125, %parallel_loop3A_324 : vector<16xf32>
          scf.yield %parallel_loop3A_325 : vector<16xf32>
        } {sc.loop_unroll_factor = 1 : i64, sc.parallel_access}
        %parallel_loop3A_120 = arith.constant 0 : i32
        %parallel_loop3A_121 = arith.constant 128 : i32
        %parallel_loop3A_122 = arith.constant 8 : i32
        %parallel_loop3A_123 = scf.for %parallel_loop3A_124 = %parallel_loop3A_120 to %parallel_loop3A_121 step %parallel_loop3A_122 iter_args(%parallel_loop3A_125 = %scan3A_112) -> (vector<16xf32>)  : i32 {
          %parallel_loop3A_126 = arith.constant 256 : i32
          %parallel_loop3A_127 = arith.addi %parallel_loop3A_126, %parallel_loop3A_124 : i32
          %parallel_loop3A_128 = arith.constant 0 : i32
          %parallel_loop3A_129 = arith.addi %parallel_loop3A_127, %parallel_loop3A_128 : i32
          %parallel_loop3A_130 = arith.index_cast %parallel_loop3A_129 : i32 to index
          %parallel_loop3A_131 = memref.load %arg11[%parallel_loop3A_130] : memref<384xi32, #tpu.memory_space<smem>>
          %parallel_loop3A_132 = vector.broadcast %parallel_loop3A_131 : i32 to vector<16xi32>
          %parallel_loop3A_133 = tpu.vector_load_idx %arg6[%add3A_116, %parallel_loop3A_132] : memref<64x520xf32, #tpu.memory_space<vmem>>[vector<16xi32>, vector<16xi32>], vector<16xf32>,
          %parallel_loop3A_134 = arith.constant 128 : i32
          %parallel_loop3A_135 = arith.addi %parallel_loop3A_134, %parallel_loop3A_124 : i32
          %parallel_loop3A_136 = arith.constant 0 : i32
          %parallel_loop3A_137 = arith.addi %parallel_loop3A_135, %parallel_loop3A_136 : i32
          %parallel_loop3A_138 = arith.index_cast %parallel_loop3A_137 : i32 to index
          %parallel_loop3A_139 = memref.load %arg12[%parallel_loop3A_138] : memref<256xf32, #tpu.memory_space<smem>>
          %parallel_loop3A_140 = vector.broadcast %parallel_loop3A_139 : f32 to vector<16xf32>
          %parallel_loop3A_141 = arith.subf %parallel_loop3A_133, %parallel_loop3A_140 : vector<16xf32>
          %parallel_loop3A_142 = arith.constant 0.000000e+00 : f32
          %parallel_loop3A_143 = vector.broadcast %parallel_loop3A_142 : f32 to vector<16xf32>
          %parallel_loop3A_144 = arith.maximumf %parallel_loop3A_141, %parallel_loop3A_143 : vector<16xf32>
          %parallel_loop3A_145 = arith.constant 256 : i32
          %parallel_loop3A_146 = arith.addi %parallel_loop3A_145, %parallel_loop3A_124 : i32
          %parallel_loop3A_147 = arith.constant 1 : i32
          %parallel_loop3A_148 = arith.addi %parallel_loop3A_146, %parallel_loop3A_147 : i32
          %parallel_loop3A_149 = arith.index_cast %parallel_loop3A_148 : i32 to index
          %parallel_loop3A_150 = memref.load %arg11[%parallel_loop3A_149] : memref<384xi32, #tpu.memory_space<smem>>
          %parallel_loop3A_151 = vector.broadcast %parallel_loop3A_150 : i32 to vector<16xi32>
          %parallel_loop3A_152 = tpu.vector_load_idx %arg6[%add3A_116, %parallel_loop3A_151] : memref<64x520xf32, #tpu.memory_space<vmem>>[vector<16xi32>, vector<16xi32>], vector<16xf32>,
          %parallel_loop3A_153 = arith.constant 128 : i32
          %parallel_loop3A_154 = arith.addi %parallel_loop3A_153, %parallel_loop3A_124 : i32
          %parallel_loop3A_155 = arith.constant 1 : i32
          %parallel_loop3A_156 = arith.addi %parallel_loop3A_154, %parallel_loop3A_155 : i32
          %parallel_loop3A_157 = arith.index_cast %parallel_loop3A_156 : i32 to index
          %parallel_loop3A_158 = memref.load %arg12[%parallel_loop3A_157] : memref<256xf32, #tpu.memory_space<smem>>
          %parallel_loop3A_159 = vector.broadcast %parallel_loop3A_158 : f32 to vector<16xf32>
          %parallel_loop3A_160 = arith.subf %parallel_loop3A_152, %parallel_loop3A_159 : vector<16xf32>
          %parallel_loop3A_161 = arith.constant 0.000000e+00 : f32
          %parallel_loop3A_162 = vector.broadcast %parallel_loop3A_161 : f32 to vector<16xf32>
          %parallel_loop3A_163 = arith.maximumf %parallel_loop3A_160, %parallel_loop3A_162 : vector<16xf32>
          %parallel_loop3A_164 = arith.constant 256 : i32
          %parallel_loop3A_165 = arith.addi %parallel_loop3A_164, %parallel_loop3A_124 : i32
          %parallel_loop3A_166 = arith.constant 2 : i32
          %parallel_loop3A_167 = arith.addi %parallel_loop3A_165, %parallel_loop3A_166 : i32
          %parallel_loop3A_168 = arith.index_cast %parallel_loop3A_167 : i32 to index
          %parallel_loop3A_169 = memref.load %arg11[%parallel_loop3A_168] : memref<384xi32, #tpu.memory_space<smem>>
          %parallel_loop3A_170 = vector.broadcast %parallel_loop3A_169 : i32 to vector<16xi32>
          %parallel_loop3A_171 = tpu.vector_load_idx %arg6[%add3A_116, %parallel_loop3A_170] : memref<64x520xf32, #tpu.memory_space<vmem>>[vector<16xi32>, vector<16xi32>], vector<16xf32>,
          %parallel_loop3A_172 = arith.constant 128 : i32
          %parallel_loop3A_173 = arith.addi %parallel_loop3A_172, %parallel_loop3A_124 : i32
          %parallel_loop3A_174 = arith.constant 2 : i32
          %parallel_loop3A_175 = arith.addi %parallel_loop3A_173, %parallel_loop3A_174 : i32
          %parallel_loop3A_176 = arith.index_cast %parallel_loop3A_175 : i32 to index
          %parallel_loop3A_177 = memref.load %arg12[%parallel_loop3A_176] : memref<256xf32, #tpu.memory_space<smem>>
          %parallel_loop3A_178 = vector.broadcast %parallel_loop3A_177 : f32 to vector<16xf32>
          %parallel_loop3A_179 = arith.subf %parallel_loop3A_171, %parallel_loop3A_178 : vector<16xf32>
          %parallel_loop3A_180 = arith.constant 0.000000e+00 : f32
          %parallel_loop3A_181 = vector.broadcast %parallel_loop3A_180 : f32 to vector<16xf32>
          %parallel_loop3A_182 = arith.maximumf %parallel_loop3A_179, %parallel_loop3A_181 : vector<16xf32>
          %parallel_loop3A_183 = arith.constant 256 : i32
          %parallel_loop3A_184 = arith.addi %parallel_loop3A_183, %parallel_loop3A_124 : i32
          %parallel_loop3A_185 = arith.constant 3 : i32
          %parallel_loop3A_186 = arith.addi %parallel_loop3A_184, %parallel_loop3A_185 : i32
          %parallel_loop3A_187 = arith.index_cast %parallel_loop3A_186 : i32 to index
          %parallel_loop3A_188 = memref.load %arg11[%parallel_loop3A_187] : memref<384xi32, #tpu.memory_space<smem>>
          %parallel_loop3A_189 = vector.broadcast %parallel_loop3A_188 : i32 to vector<16xi32>
          %parallel_loop3A_190 = tpu.vector_load_idx %arg6[%add3A_116, %parallel_loop3A_189] : memref<64x520xf32, #tpu.memory_space<vmem>>[vector<16xi32>, vector<16xi32>], vector<16xf32>,
          %parallel_loop3A_191 = arith.constant 128 : i32
          %parallel_loop3A_192 = arith.addi %parallel_loop3A_191, %parallel_loop3A_124 : i32
          %parallel_loop3A_193 = arith.constant 3 : i32
          %parallel_loop3A_194 = arith.addi %parallel_loop3A_192, %parallel_loop3A_193 : i32
          %parallel_loop3A_195 = arith.index_cast %parallel_loop3A_194 : i32 to index
          %parallel_loop3A_196 = memref.load %arg12[%parallel_loop3A_195] : memref<256xf32, #tpu.memory_space<smem>>
          %parallel_loop3A_197 = vector.broadcast %parallel_loop3A_196 : f32 to vector<16xf32>
          %parallel_loop3A_198 = arith.subf %parallel_loop3A_190, %parallel_loop3A_197 : vector<16xf32>
          %parallel_loop3A_199 = arith.constant 0.000000e+00 : f32
          %parallel_loop3A_200 = vector.broadcast %parallel_loop3A_199 : f32 to vector<16xf32>
          %parallel_loop3A_201 = arith.maximumf %parallel_loop3A_198, %parallel_loop3A_200 : vector<16xf32>
          %parallel_loop3A_202 = arith.constant 256 : i32
          %parallel_loop3A_203 = arith.addi %parallel_loop3A_202, %parallel_loop3A_124 : i32
          %parallel_loop3A_204 = arith.constant 4 : i32
          %parallel_loop3A_205 = arith.addi %parallel_loop3A_203, %parallel_loop3A_204 : i32
          %parallel_loop3A_206 = arith.index_cast %parallel_loop3A_205 : i32 to index
          %parallel_loop3A_207 = memref.load %arg11[%parallel_loop3A_206] : memref<384xi32, #tpu.memory_space<smem>>
          %parallel_loop3A_208 = vector.broadcast %parallel_loop3A_207 : i32 to vector<16xi32>
          %parallel_loop3A_209 = tpu.vector_load_idx %arg6[%add3A_116, %parallel_loop3A_208] : memref<64x520xf32, #tpu.memory_space<vmem>>[vector<16xi32>, vector<16xi32>], vector<16xf32>,
          %parallel_loop3A_210 = arith.constant 128 : i32
          %parallel_loop3A_211 = arith.addi %parallel_loop3A_210, %parallel_loop3A_124 : i32
          %parallel_loop3A_212 = arith.constant 4 : i32
          %parallel_loop3A_213 = arith.addi %parallel_loop3A_211, %parallel_loop3A_212 : i32
          %parallel_loop3A_214 = arith.index_cast %parallel_loop3A_213 : i32 to index
          %parallel_loop3A_215 = memref.load %arg12[%parallel_loop3A_214] : memref<256xf32, #tpu.memory_space<smem>>
          %parallel_loop3A_216 = vector.broadcast %parallel_loop3A_215 : f32 to vector<16xf32>
          %parallel_loop3A_217 = arith.subf %parallel_loop3A_209, %parallel_loop3A_216 : vector<16xf32>
          %parallel_loop3A_218 = arith.constant 0.000000e+00 : f32
          %parallel_loop3A_219 = vector.broadcast %parallel_loop3A_218 : f32 to vector<16xf32>
          %parallel_loop3A_220 = arith.maximumf %parallel_loop3A_217, %parallel_loop3A_219 : vector<16xf32>
          %parallel_loop3A_221 = arith.constant 256 : i32
          %parallel_loop3A_222 = arith.addi %parallel_loop3A_221, %parallel_loop3A_124 : i32
          %parallel_loop3A_223 = arith.constant 5 : i32
          %parallel_loop3A_224 = arith.addi %parallel_loop3A_222, %parallel_loop3A_223 : i32
          %parallel_loop3A_225 = arith.index_cast %parallel_loop3A_224 : i32 to index
          %parallel_loop3A_226 = memref.load %arg11[%parallel_loop3A_225] : memref<384xi32, #tpu.memory_space<smem>>
          %parallel_loop3A_227 = vector.broadcast %parallel_loop3A_226 : i32 to vector<16xi32>
          %parallel_loop3A_228 = tpu.vector_load_idx %arg6[%add3A_116, %parallel_loop3A_227] : memref<64x520xf32, #tpu.memory_space<vmem>>[vector<16xi32>, vector<16xi32>], vector<16xf32>,
          %parallel_loop3A_229 = arith.constant 128 : i32
          %parallel_loop3A_230 = arith.addi %parallel_loop3A_229, %parallel_loop3A_124 : i32
          %parallel_loop3A_231 = arith.constant 5 : i32
          %parallel_loop3A_232 = arith.addi %parallel_loop3A_230, %parallel_loop3A_231 : i32
          %parallel_loop3A_233 = arith.index_cast %parallel_loop3A_232 : i32 to index
          %parallel_loop3A_234 = memref.load %arg12[%parallel_loop3A_233] : memref<256xf32, #tpu.memory_space<smem>>
          %parallel_loop3A_235 = vector.broadcast %parallel_loop3A_234 : f32 to vector<16xf32>
          %parallel_loop3A_236 = arith.subf %parallel_loop3A_228, %parallel_loop3A_235 : vector<16xf32>
          %parallel_loop3A_237 = arith.constant 0.000000e+00 : f32
          %parallel_loop3A_238 = vector.broadcast %parallel_loop3A_237 : f32 to vector<16xf32>
          %parallel_loop3A_239 = arith.maximumf %parallel_loop3A_236, %parallel_loop3A_238 : vector<16xf32>
          %parallel_loop3A_240 = arith.constant 256 : i32
          %parallel_loop3A_241 = arith.addi %parallel_loop3A_240, %parallel_loop3A_124 : i32
          %parallel_loop3A_242 = arith.constant 6 : i32
          %parallel_loop3A_243 = arith.addi %parallel_loop3A_241, %parallel_loop3A_242 : i32
          %parallel_loop3A_244 = arith.index_cast %parallel_loop3A_243 : i32 to index
          %parallel_loop3A_245 = memref.load %arg11[%parallel_loop3A_244] : memref<384xi32, #tpu.memory_space<smem>>
          %parallel_loop3A_246 = vector.broadcast %parallel_loop3A_245 : i32 to vector<16xi32>
          %parallel_loop3A_247 = tpu.vector_load_idx %arg6[%add3A_116, %parallel_loop3A_246] : memref<64x520xf32, #tpu.memory_space<vmem>>[vector<16xi32>, vector<16xi32>], vector<16xf32>,
          %parallel_loop3A_248 = arith.constant 128 : i32
          %parallel_loop3A_249 = arith.addi %parallel_loop3A_248, %parallel_loop3A_124 : i32
          %parallel_loop3A_250 = arith.constant 6 : i32
          %parallel_loop3A_251 = arith.addi %parallel_loop3A_249, %parallel_loop3A_250 : i32
          %parallel_loop3A_252 = arith.index_cast %parallel_loop3A_251 : i32 to index
          %parallel_loop3A_253 = memref.load %arg12[%parallel_loop3A_252] : memref<256xf32, #tpu.memory_space<smem>>
          %parallel_loop3A_254 = vector.broadcast %parallel_loop3A_253 : f32 to vector<16xf32>
          %parallel_loop3A_255 = arith.subf %parallel_loop3A_247, %parallel_loop3A_254 : vector<16xf32>
          %parallel_loop3A_256 = arith.constant 0.000000e+00 : f32
          %parallel_loop3A_257 = vector.broadcast %parallel_loop3A_256 : f32 to vector<16xf32>
          %parallel_loop3A_258 = arith.maximumf %parallel_loop3A_255, %parallel_loop3A_257 : vector<16xf32>
          %parallel_loop3A_259 = arith.constant 256 : i32
          %parallel_loop3A_260 = arith.addi %parallel_loop3A_259, %parallel_loop3A_124 : i32
          %parallel_loop3A_261 = arith.constant 7 : i32
          %parallel_loop3A_262 = arith.addi %parallel_loop3A_260, %parallel_loop3A_261 : i32
          %parallel_loop3A_263 = arith.index_cast %parallel_loop3A_262 : i32 to index
          %parallel_loop3A_264 = memref.load %arg11[%parallel_loop3A_263] : memref<384xi32, #tpu.memory_space<smem>>
          %parallel_loop3A_265 = vector.broadcast %parallel_loop3A_264 : i32 to vector<16xi32>
          %parallel_loop3A_266 = tpu.vector_load_idx %arg6[%add3A_116, %parallel_loop3A_265] : memref<64x520xf32, #tpu.memory_space<vmem>>[vector<16xi32>, vector<16xi32>], vector<16xf32>,
          %parallel_loop3A_267 = arith.constant 128 : i32
          %parallel_loop3A_268 = arith.addi %parallel_loop3A_267, %parallel_loop3A_124 : i32
          %parallel_loop3A_269 = arith.constant 7 : i32
          %parallel_loop3A_270 = arith.addi %parallel_loop3A_268, %parallel_loop3A_269 : i32
          %parallel_loop3A_271 = arith.index_cast %parallel_loop3A_270 : i32 to index
          %parallel_loop3A_272 = memref.load %arg12[%parallel_loop3A_271] : memref<256xf32, #tpu.memory_space<smem>>
          %parallel_loop3A_273 = vector.broadcast %parallel_loop3A_272 : f32 to vector<16xf32>
          %parallel_loop3A_274 = arith.subf %parallel_loop3A_266, %parallel_loop3A_273 : vector<16xf32>
          %parallel_loop3A_275 = arith.constant 0.000000e+00 : f32
          %parallel_loop3A_276 = vector.broadcast %parallel_loop3A_275 : f32 to vector<16xf32>
          %parallel_loop3A_277 = arith.maximumf %parallel_loop3A_274, %parallel_loop3A_276 : vector<16xf32>
          %parallel_loop3A_278 = arith.mulf %parallel_loop3A_144, %parallel_loop3A_144 : vector<16xf32>
          %parallel_loop3A_279 = arith.mulf %parallel_loop3A_163, %parallel_loop3A_163 : vector<16xf32>
          %parallel_loop3A_280 = arith.mulf %parallel_loop3A_182, %parallel_loop3A_182 : vector<16xf32>
          %parallel_loop3A_281 = arith.mulf %parallel_loop3A_201, %parallel_loop3A_201 : vector<16xf32>
          %parallel_loop3A_282 = arith.mulf %parallel_loop3A_220, %parallel_loop3A_220 : vector<16xf32>
          %parallel_loop3A_283 = arith.mulf %parallel_loop3A_239, %parallel_loop3A_239 : vector<16xf32>
          %parallel_loop3A_284 = arith.mulf %parallel_loop3A_258, %parallel_loop3A_258 : vector<16xf32>
          %parallel_loop3A_285 = arith.mulf %parallel_loop3A_277, %parallel_loop3A_277 : vector<16xf32>
          %parallel_loop3A_286 = arith.addf %parallel_loop3A_278, %parallel_loop3A_279 : vector<16xf32>
          %parallel_loop3A_287 = arith.addf %parallel_loop3A_280, %parallel_loop3A_281 : vector<16xf32>
          %parallel_loop3A_288 = arith.addf %parallel_loop3A_286, %parallel_loop3A_287 : vector<16xf32>
          %parallel_loop3A_289 = arith.addf %parallel_loop3A_282, %parallel_loop3A_283 : vector<16xf32>
          %parallel_loop3A_290 = arith.addf %parallel_loop3A_284, %parallel_loop3A_285 : vector<16xf32>
          %parallel_loop3A_291 = arith.addf %parallel_loop3A_289, %parallel_loop3A_290 : vector<16xf32>
          %parallel_loop3A_292 = arith.addf %parallel_loop3A_288, %parallel_loop3A_291 : vector<16xf32>
          %parallel_loop3A_293 = arith.addf %parallel_loop3A_125, %parallel_loop3A_292 : vector<16xf32>
          scf.yield %parallel_loop3A_293 : vector<16xf32>
        } {sc.loop_unroll_factor = 1 : i64, sc.parallel_access}
        scf.yield %parallel_loop3A_119, %parallel_loop3A_123 : vector<16xf32>, vector<16xf32>
      }
      %scan3A_75 = arith.constant 4 : i32
      %add3A_76 = arith.constant 2 : i32
      %add3A_77 = arith.addi %mul3A_57, %add3A_76 : i32
      %lt3A = arith.constant 16 : i32
      %lt3A_78 = arith.cmpi slt, %add3A_77, %lt3A : i32
      %convert_element_type3A = arith.extui %lt3A_78 : i1 to i32
      %cond3A = arith.constant 0 : i32
      %cond3A_79 = arith.cmpi ne, %convert_element_type3A, %cond3A : i32
      scf.if %cond3A_79 {
        %add3A_110 = arith.constant 2 : i32
        %add3A_111 = arith.addi %mul3A_57, %add3A_110 : i32
        %mul3A_112 = arith.constant 64 : i32
        %mul3A_113 = arith.muli %add3A_111, %mul3A_112 : i32
        %add3A_114 = arith.addi %mul3A_15, %mul3A_113 : i32
        %dma_start3A_115 = arith.constant 0 : i32
        %dma_start3A_116 = arith.constant 0 : i32
        %dma_start3A_117 = tpu.memref_slice %arg6[%dma_start3A_115, %dma_start3A_116] : memref<64x520xf32, #tpu.memory_space<vmem>> -> memref<64x512xf32, #tpu.memory_space<vmem>>
        %dma_start3A_118 = arith.constant 0 : i32
        %dma_start3A_119 = tpu.memref_slice %arg2[%add3A_114, %dma_start3A_118] : memref<32768x512xf32, #tpu.memory_space<hbm>> -> memref<64x512xf32, #tpu.memory_space<hbm>>
        %dma_start3A_120 = arith.constant 0 : i32
        %dma_start3A_121 = arith.constant 0 : i32
        %dma_start3A_122 = tpu.memref_slice %arg6[%dma_start3A_120, %dma_start3A_121] : memref<64x520xf32, #tpu.memory_space<vmem>> -> memref<64x512xf32, #tpu.memory_space<vmem>>
        %dma_start3A_123 = arith.constant 0 : i32
        %dma_start3A_124 = tpu.memref_slice %arg2[%add3A_114, %dma_start3A_123] : memref<32768x512xf32, #tpu.memory_space<hbm>> -> memref<64x512xf32, #tpu.memory_space<hbm>>
        tpu.enqueue_dma source(%dma_start3A_124 : memref<64x512xf32, #tpu.memory_space<hbm>>) target(%dma_start3A_122 : memref<64x512xf32, #tpu.memory_space<vmem>>) target_semaphore(%arg13 : memref<!tpu.dma_semaphore, #tpu.memory_space<semaphore_mem>>)
      } else {
      }
      %add3A_80 = arith.constant 1 : i32
      %add3A_81 = arith.addi %mul3A_57, %add3A_80 : i32
      %mul3A_82 = arith.constant 64 : i32
      %mul3A_83 = arith.muli %add3A_81, %mul3A_82 : i32
      %add3A_84 = arith.addi %mul3A_15, %mul3A_83 : i32
      %dma_wait3A_85 = arith.constant 0 : i32
      %dma_wait3A_86 = arith.constant 0 : i32
      %dma_wait3A_87 = tpu.memref_slice %arg7[%dma_wait3A_85, %dma_wait3A_86] : memref<64x520xf32, #tpu.memory_space<vmem>> -> memref<64x512xf32, #tpu.memory_space<vmem>>
      %dma_wait3A_88 = arith.constant 0 : i32
      %dma_wait3A_89 = tpu.memref_slice %arg2[%add3A_84, %dma_wait3A_88] : memref<32768x512xf32, #tpu.memory_space<hbm>> -> memref<64x512xf32, #tpu.memory_space<hbm>>
      %dma_wait3A_90 = arith.constant 0 : i32
      %dma_wait3A_91 = arith.constant 0 : i32
      %dma_wait3A_92 = tpu.memref_slice %arg7[%dma_wait3A_90, %dma_wait3A_91] : memref<64x520xf32, #tpu.memory_space<vmem>> -> memref<64x512xf32, #tpu.memory_space<vmem>>
      %dma_wait3A_93 = arith.constant 0 : i32
      %dma_wait3A_94 = tpu.memref_slice %arg2[%add3A_84, %dma_wait3A_93] : memref<32768x512xf32, #tpu.memory_space<hbm>> -> memref<64x512xf32, #tpu.memory_space<hbm>>
      tpu.wait_dma2 semaphore(%arg14 : memref<!tpu.dma_semaphore, #tpu.memory_space<semaphore_mem>>) src(%dma_wait3A_94 : memref<64x512xf32, #tpu.memory_space<hbm>>) dst(%dma_wait3A_92 : memref<64x512xf32, #tpu.memory_space<vmem>>)
      %add3A_95 = arith.constant 1 : i32
      %add3A_96 = arith.addi %mul3A_57, %add3A_95 : i32
      %scan3A_97 = arith.constant 0 : i32
      %scan3A_98 = arith.constant 4 : i32
      %scan3A_99 = arith.addi %scan3A_97, %scan3A_98 : i32
      %scan3A_100 = arith.constant 1 : i32
      %scan3A_101:2 = scf.for %scan3A_110 = %scan3A_97 to %scan3A_99 step %scan3A_100 iter_args(%scan3A_111 = %scan3A_74#0, %scan3A_112 = %scan3A_74#1) -> (vector<16xf32>, vector<16xf32>)  : i32 {
        %mul3A_113 = arith.constant 16 : i32
        %mul3A_114 = arith.muli %scan3A_110, %mul3A_113 : i32
        %add3A_115 = vector.broadcast %mul3A_114 : i32 to vector<16xi32>
        %add3A_116 = arith.addi %add3A_115, %iota3A : vector<16xi32>
        %parallel_loop3A = arith.constant 0 : i32
        %parallel_loop3A_117 = arith.constant 128 : i32
        %parallel_loop3A_118 = arith.constant 8 : i32
        %parallel_loop3A_119 = scf.for %parallel_loop3A_124 = %parallel_loop3A to %parallel_loop3A_117 step %parallel_loop3A_118 iter_args(%parallel_loop3A_125 = %scan3A_111) -> (vector<16xf32>)  : i32 {
          %parallel_loop3A_126 = arith.constant 0 : i32
          %parallel_loop3A_127 = arith.addi %parallel_loop3A_126, %parallel_loop3A_124 : i32
          %parallel_loop3A_128 = arith.constant 0 : i32
          %parallel_loop3A_129 = arith.addi %parallel_loop3A_127, %parallel_loop3A_128 : i32
          %parallel_loop3A_130 = arith.index_cast %parallel_loop3A_129 : i32 to index
          %parallel_loop3A_131 = memref.load %arg11[%parallel_loop3A_130] : memref<384xi32, #tpu.memory_space<smem>>
          %parallel_loop3A_132 = vector.broadcast %parallel_loop3A_131 : i32 to vector<16xi32>
          %parallel_loop3A_133 = tpu.vector_load_idx %arg7[%add3A_116, %parallel_loop3A_132] : memref<64x520xf32, #tpu.memory_space<vmem>>[vector<16xi32>, vector<16xi32>], vector<16xf32>,
          %parallel_loop3A_134 = arith.constant 128 : i32
          %parallel_loop3A_135 = arith.addi %parallel_loop3A_134, %parallel_loop3A_124 : i32
          %parallel_loop3A_136 = arith.constant 0 : i32
          %parallel_loop3A_137 = arith.addi %parallel_loop3A_135, %parallel_loop3A_136 : i32
          %parallel_loop3A_138 = arith.index_cast %parallel_loop3A_137 : i32 to index
          %parallel_loop3A_139 = memref.load %arg11[%parallel_loop3A_138] : memref<384xi32, #tpu.memory_space<smem>>
          %parallel_loop3A_140 = vector.broadcast %parallel_loop3A_139 : i32 to vector<16xi32>
          %parallel_loop3A_141 = tpu.vector_load_idx %arg7[%add3A_116, %parallel_loop3A_140] : memref<64x520xf32, #tpu.memory_space<vmem>>[vector<16xi32>, vector<16xi32>], vector<16xf32>,
          %parallel_loop3A_142 = arith.subf %parallel_loop3A_133, %parallel_loop3A_141 : vector<16xf32>
          %parallel_loop3A_143 = arith.constant 0 : i32
          %parallel_loop3A_144 = arith.addi %parallel_loop3A_124, %parallel_loop3A_143 : i32
          %parallel_loop3A_145 = arith.index_cast %parallel_loop3A_144 : i32 to index
          %parallel_loop3A_146 = memref.load %arg12[%parallel_loop3A_145] : memref<256xf32, #tpu.memory_space<smem>>
          %parallel_loop3A_147 = vector.broadcast %parallel_loop3A_146 : f32 to vector<16xf32>
          %parallel_loop3A_148 = arith.addf %parallel_loop3A_142, %parallel_loop3A_147 : vector<16xf32>
          %parallel_loop3A_149 = arith.constant 0 : i32
          %parallel_loop3A_150 = arith.addi %parallel_loop3A_149, %parallel_loop3A_124 : i32
          %parallel_loop3A_151 = arith.constant 1 : i32
          %parallel_loop3A_152 = arith.addi %parallel_loop3A_150, %parallel_loop3A_151 : i32
          %parallel_loop3A_153 = arith.index_cast %parallel_loop3A_152 : i32 to index
          %parallel_loop3A_154 = memref.load %arg11[%parallel_loop3A_153] : memref<384xi32, #tpu.memory_space<smem>>
          %parallel_loop3A_155 = vector.broadcast %parallel_loop3A_154 : i32 to vector<16xi32>
          %parallel_loop3A_156 = tpu.vector_load_idx %arg7[%add3A_116, %parallel_loop3A_155] : memref<64x520xf32, #tpu.memory_space<vmem>>[vector<16xi32>, vector<16xi32>], vector<16xf32>,
          %parallel_loop3A_157 = arith.constant 128 : i32
          %parallel_loop3A_158 = arith.addi %parallel_loop3A_157, %parallel_loop3A_124 : i32
          %parallel_loop3A_159 = arith.constant 1 : i32
          %parallel_loop3A_160 = arith.addi %parallel_loop3A_158, %parallel_loop3A_159 : i32
          %parallel_loop3A_161 = arith.index_cast %parallel_loop3A_160 : i32 to index
          %parallel_loop3A_162 = memref.load %arg11[%parallel_loop3A_161] : memref<384xi32, #tpu.memory_space<smem>>
          %parallel_loop3A_163 = vector.broadcast %parallel_loop3A_162 : i32 to vector<16xi32>
          %parallel_loop3A_164 = tpu.vector_load_idx %arg7[%add3A_116, %parallel_loop3A_163] : memref<64x520xf32, #tpu.memory_space<vmem>>[vector<16xi32>, vector<16xi32>], vector<16xf32>,
          %parallel_loop3A_165 = arith.subf %parallel_loop3A_156, %parallel_loop3A_164 : vector<16xf32>
          %parallel_loop3A_166 = arith.constant 1 : i32
          %parallel_loop3A_167 = arith.addi %parallel_loop3A_124, %parallel_loop3A_166 : i32
          %parallel_loop3A_168 = arith.index_cast %parallel_loop3A_167 : i32 to index
          %parallel_loop3A_169 = memref.load %arg12[%parallel_loop3A_168] : memref<256xf32, #tpu.memory_space<smem>>
          %parallel_loop3A_170 = vector.broadcast %parallel_loop3A_169 : f32 to vector<16xf32>
          %parallel_loop3A_171 = arith.addf %parallel_loop3A_165, %parallel_loop3A_170 : vector<16xf32>
          %parallel_loop3A_172 = arith.constant 0 : i32
          %parallel_loop3A_173 = arith.addi %parallel_loop3A_172, %parallel_loop3A_124 : i32
          %parallel_loop3A_174 = arith.constant 2 : i32
          %parallel_loop3A_175 = arith.addi %parallel_loop3A_173, %parallel_loop3A_174 : i32
          %parallel_loop3A_176 = arith.index_cast %parallel_loop3A_175 : i32 to index
          %parallel_loop3A_177 = memref.load %arg11[%parallel_loop3A_176] : memref<384xi32, #tpu.memory_space<smem>>
          %parallel_loop3A_178 = vector.broadcast %parallel_loop3A_177 : i32 to vector<16xi32>
          %parallel_loop3A_179 = tpu.vector_load_idx %arg7[%add3A_116, %parallel_loop3A_178] : memref<64x520xf32, #tpu.memory_space<vmem>>[vector<16xi32>, vector<16xi32>], vector<16xf32>,
          %parallel_loop3A_180 = arith.constant 128 : i32
          %parallel_loop3A_181 = arith.addi %parallel_loop3A_180, %parallel_loop3A_124 : i32
          %parallel_loop3A_182 = arith.constant 2 : i32
          %parallel_loop3A_183 = arith.addi %parallel_loop3A_181, %parallel_loop3A_182 : i32
          %parallel_loop3A_184 = arith.index_cast %parallel_loop3A_183 : i32 to index
          %parallel_loop3A_185 = memref.load %arg11[%parallel_loop3A_184] : memref<384xi32, #tpu.memory_space<smem>>
          %parallel_loop3A_186 = vector.broadcast %parallel_loop3A_185 : i32 to vector<16xi32>
          %parallel_loop3A_187 = tpu.vector_load_idx %arg7[%add3A_116, %parallel_loop3A_186] : memref<64x520xf32, #tpu.memory_space<vmem>>[vector<16xi32>, vector<16xi32>], vector<16xf32>,
          %parallel_loop3A_188 = arith.subf %parallel_loop3A_179, %parallel_loop3A_187 : vector<16xf32>
          %parallel_loop3A_189 = arith.constant 2 : i32
          %parallel_loop3A_190 = arith.addi %parallel_loop3A_124, %parallel_loop3A_189 : i32
          %parallel_loop3A_191 = arith.index_cast %parallel_loop3A_190 : i32 to index
          %parallel_loop3A_192 = memref.load %arg12[%parallel_loop3A_191] : memref<256xf32, #tpu.memory_space<smem>>
          %parallel_loop3A_193 = vector.broadcast %parallel_loop3A_192 : f32 to vector<16xf32>
          %parallel_loop3A_194 = arith.addf %parallel_loop3A_188, %parallel_loop3A_193 : vector<16xf32>
          %parallel_loop3A_195 = arith.constant 0 : i32
          %parallel_loop3A_196 = arith.addi %parallel_loop3A_195, %parallel_loop3A_124 : i32
          %parallel_loop3A_197 = arith.constant 3 : i32
          %parallel_loop3A_198 = arith.addi %parallel_loop3A_196, %parallel_loop3A_197 : i32
          %parallel_loop3A_199 = arith.index_cast %parallel_loop3A_198 : i32 to index
          %parallel_loop3A_200 = memref.load %arg11[%parallel_loop3A_199] : memref<384xi32, #tpu.memory_space<smem>>
          %parallel_loop3A_201 = vector.broadcast %parallel_loop3A_200 : i32 to vector<16xi32>
          %parallel_loop3A_202 = tpu.vector_load_idx %arg7[%add3A_116, %parallel_loop3A_201] : memref<64x520xf32, #tpu.memory_space<vmem>>[vector<16xi32>, vector<16xi32>], vector<16xf32>,
          %parallel_loop3A_203 = arith.constant 128 : i32
          %parallel_loop3A_204 = arith.addi %parallel_loop3A_203, %parallel_loop3A_124 : i32
          %parallel_loop3A_205 = arith.constant 3 : i32
          %parallel_loop3A_206 = arith.addi %parallel_loop3A_204, %parallel_loop3A_205 : i32
          %parallel_loop3A_207 = arith.index_cast %parallel_loop3A_206 : i32 to index
          %parallel_loop3A_208 = memref.load %arg11[%parallel_loop3A_207] : memref<384xi32, #tpu.memory_space<smem>>
          %parallel_loop3A_209 = vector.broadcast %parallel_loop3A_208 : i32 to vector<16xi32>
          %parallel_loop3A_210 = tpu.vector_load_idx %arg7[%add3A_116, %parallel_loop3A_209] : memref<64x520xf32, #tpu.memory_space<vmem>>[vector<16xi32>, vector<16xi32>], vector<16xf32>,
          %parallel_loop3A_211 = arith.subf %parallel_loop3A_202, %parallel_loop3A_210 : vector<16xf32>
          %parallel_loop3A_212 = arith.constant 3 : i32
          %parallel_loop3A_213 = arith.addi %parallel_loop3A_124, %parallel_loop3A_212 : i32
          %parallel_loop3A_214 = arith.index_cast %parallel_loop3A_213 : i32 to index
          %parallel_loop3A_215 = memref.load %arg12[%parallel_loop3A_214] : memref<256xf32, #tpu.memory_space<smem>>
          %parallel_loop3A_216 = vector.broadcast %parallel_loop3A_215 : f32 to vector<16xf32>
          %parallel_loop3A_217 = arith.addf %parallel_loop3A_211, %parallel_loop3A_216 : vector<16xf32>
          %parallel_loop3A_218 = arith.constant 0 : i32
          %parallel_loop3A_219 = arith.addi %parallel_loop3A_218, %parallel_loop3A_124 : i32
          %parallel_loop3A_220 = arith.constant 4 : i32
          %parallel_loop3A_221 = arith.addi %parallel_loop3A_219, %parallel_loop3A_220 : i32
          %parallel_loop3A_222 = arith.index_cast %parallel_loop3A_221 : i32 to index
          %parallel_loop3A_223 = memref.load %arg11[%parallel_loop3A_222] : memref<384xi32, #tpu.memory_space<smem>>
          %parallel_loop3A_224 = vector.broadcast %parallel_loop3A_223 : i32 to vector<16xi32>
          %parallel_loop3A_225 = tpu.vector_load_idx %arg7[%add3A_116, %parallel_loop3A_224] : memref<64x520xf32, #tpu.memory_space<vmem>>[vector<16xi32>, vector<16xi32>], vector<16xf32>,
          %parallel_loop3A_226 = arith.constant 128 : i32
          %parallel_loop3A_227 = arith.addi %parallel_loop3A_226, %parallel_loop3A_124 : i32
          %parallel_loop3A_228 = arith.constant 4 : i32
          %parallel_loop3A_229 = arith.addi %parallel_loop3A_227, %parallel_loop3A_228 : i32
          %parallel_loop3A_230 = arith.index_cast %parallel_loop3A_229 : i32 to index
          %parallel_loop3A_231 = memref.load %arg11[%parallel_loop3A_230] : memref<384xi32, #tpu.memory_space<smem>>
          %parallel_loop3A_232 = vector.broadcast %parallel_loop3A_231 : i32 to vector<16xi32>
          %parallel_loop3A_233 = tpu.vector_load_idx %arg7[%add3A_116, %parallel_loop3A_232] : memref<64x520xf32, #tpu.memory_space<vmem>>[vector<16xi32>, vector<16xi32>], vector<16xf32>,
          %parallel_loop3A_234 = arith.subf %parallel_loop3A_225, %parallel_loop3A_233 : vector<16xf32>
          %parallel_loop3A_235 = arith.constant 4 : i32
          %parallel_loop3A_236 = arith.addi %parallel_loop3A_124, %parallel_loop3A_235 : i32
          %parallel_loop3A_237 = arith.index_cast %parallel_loop3A_236 : i32 to index
          %parallel_loop3A_238 = memref.load %arg12[%parallel_loop3A_237] : memref<256xf32, #tpu.memory_space<smem>>
          %parallel_loop3A_239 = vector.broadcast %parallel_loop3A_238 : f32 to vector<16xf32>
          %parallel_loop3A_240 = arith.addf %parallel_loop3A_234, %parallel_loop3A_239 : vector<16xf32>
          %parallel_loop3A_241 = arith.constant 0 : i32
          %parallel_loop3A_242 = arith.addi %parallel_loop3A_241, %parallel_loop3A_124 : i32
          %parallel_loop3A_243 = arith.constant 5 : i32
          %parallel_loop3A_244 = arith.addi %parallel_loop3A_242, %parallel_loop3A_243 : i32
          %parallel_loop3A_245 = arith.index_cast %parallel_loop3A_244 : i32 to index
          %parallel_loop3A_246 = memref.load %arg11[%parallel_loop3A_245] : memref<384xi32, #tpu.memory_space<smem>>
          %parallel_loop3A_247 = vector.broadcast %parallel_loop3A_246 : i32 to vector<16xi32>
          %parallel_loop3A_248 = tpu.vector_load_idx %arg7[%add3A_116, %parallel_loop3A_247] : memref<64x520xf32, #tpu.memory_space<vmem>>[vector<16xi32>, vector<16xi32>], vector<16xf32>,
          %parallel_loop3A_249 = arith.constant 128 : i32
          %parallel_loop3A_250 = arith.addi %parallel_loop3A_249, %parallel_loop3A_124 : i32
          %parallel_loop3A_251 = arith.constant 5 : i32
          %parallel_loop3A_252 = arith.addi %parallel_loop3A_250, %parallel_loop3A_251 : i32
          %parallel_loop3A_253 = arith.index_cast %parallel_loop3A_252 : i32 to index
          %parallel_loop3A_254 = memref.load %arg11[%parallel_loop3A_253] : memref<384xi32, #tpu.memory_space<smem>>
          %parallel_loop3A_255 = vector.broadcast %parallel_loop3A_254 : i32 to vector<16xi32>
          %parallel_loop3A_256 = tpu.vector_load_idx %arg7[%add3A_116, %parallel_loop3A_255] : memref<64x520xf32, #tpu.memory_space<vmem>>[vector<16xi32>, vector<16xi32>], vector<16xf32>,
          %parallel_loop3A_257 = arith.subf %parallel_loop3A_248, %parallel_loop3A_256 : vector<16xf32>
          %parallel_loop3A_258 = arith.constant 5 : i32
          %parallel_loop3A_259 = arith.addi %parallel_loop3A_124, %parallel_loop3A_258 : i32
          %parallel_loop3A_260 = arith.index_cast %parallel_loop3A_259 : i32 to index
          %parallel_loop3A_261 = memref.load %arg12[%parallel_loop3A_260] : memref<256xf32, #tpu.memory_space<smem>>
          %parallel_loop3A_262 = vector.broadcast %parallel_loop3A_261 : f32 to vector<16xf32>
          %parallel_loop3A_263 = arith.addf %parallel_loop3A_257, %parallel_loop3A_262 : vector<16xf32>
          %parallel_loop3A_264 = arith.constant 0 : i32
          %parallel_loop3A_265 = arith.addi %parallel_loop3A_264, %parallel_loop3A_124 : i32
          %parallel_loop3A_266 = arith.constant 6 : i32
          %parallel_loop3A_267 = arith.addi %parallel_loop3A_265, %parallel_loop3A_266 : i32
          %parallel_loop3A_268 = arith.index_cast %parallel_loop3A_267 : i32 to index
          %parallel_loop3A_269 = memref.load %arg11[%parallel_loop3A_268] : memref<384xi32, #tpu.memory_space<smem>>
          %parallel_loop3A_270 = vector.broadcast %parallel_loop3A_269 : i32 to vector<16xi32>
          %parallel_loop3A_271 = tpu.vector_load_idx %arg7[%add3A_116, %parallel_loop3A_270] : memref<64x520xf32, #tpu.memory_space<vmem>>[vector<16xi32>, vector<16xi32>], vector<16xf32>,
          %parallel_loop3A_272 = arith.constant 128 : i32
          %parallel_loop3A_273 = arith.addi %parallel_loop3A_272, %parallel_loop3A_124 : i32
          %parallel_loop3A_274 = arith.constant 6 : i32
          %parallel_loop3A_275 = arith.addi %parallel_loop3A_273, %parallel_loop3A_274 : i32
          %parallel_loop3A_276 = arith.index_cast %parallel_loop3A_275 : i32 to index
          %parallel_loop3A_277 = memref.load %arg11[%parallel_loop3A_276] : memref<384xi32, #tpu.memory_space<smem>>
          %parallel_loop3A_278 = vector.broadcast %parallel_loop3A_277 : i32 to vector<16xi32>
          %parallel_loop3A_279 = tpu.vector_load_idx %arg7[%add3A_116, %parallel_loop3A_278] : memref<64x520xf32, #tpu.memory_space<vmem>>[vector<16xi32>, vector<16xi32>], vector<16xf32>,
          %parallel_loop3A_280 = arith.subf %parallel_loop3A_271, %parallel_loop3A_279 : vector<16xf32>
          %parallel_loop3A_281 = arith.constant 6 : i32
          %parallel_loop3A_282 = arith.addi %parallel_loop3A_124, %parallel_loop3A_281 : i32
          %parallel_loop3A_283 = arith.index_cast %parallel_loop3A_282 : i32 to index
          %parallel_loop3A_284 = memref.load %arg12[%parallel_loop3A_283] : memref<256xf32, #tpu.memory_space<smem>>
          %parallel_loop3A_285 = vector.broadcast %parallel_loop3A_284 : f32 to vector<16xf32>
          %parallel_loop3A_286 = arith.addf %parallel_loop3A_280, %parallel_loop3A_285 : vector<16xf32>
          %parallel_loop3A_287 = arith.constant 0 : i32
          %parallel_loop3A_288 = arith.addi %parallel_loop3A_287, %parallel_loop3A_124 : i32
          %parallel_loop3A_289 = arith.constant 7 : i32
          %parallel_loop3A_290 = arith.addi %parallel_loop3A_288, %parallel_loop3A_289 : i32
          %parallel_loop3A_291 = arith.index_cast %parallel_loop3A_290 : i32 to index
          %parallel_loop3A_292 = memref.load %arg11[%parallel_loop3A_291] : memref<384xi32, #tpu.memory_space<smem>>
          %parallel_loop3A_293 = vector.broadcast %parallel_loop3A_292 : i32 to vector<16xi32>
          %parallel_loop3A_294 = tpu.vector_load_idx %arg7[%add3A_116, %parallel_loop3A_293] : memref<64x520xf32, #tpu.memory_space<vmem>>[vector<16xi32>, vector<16xi32>], vector<16xf32>,
          %parallel_loop3A_295 = arith.constant 128 : i32
          %parallel_loop3A_296 = arith.addi %parallel_loop3A_295, %parallel_loop3A_124 : i32
          %parallel_loop3A_297 = arith.constant 7 : i32
          %parallel_loop3A_298 = arith.addi %parallel_loop3A_296, %parallel_loop3A_297 : i32
          %parallel_loop3A_299 = arith.index_cast %parallel_loop3A_298 : i32 to index
          %parallel_loop3A_300 = memref.load %arg11[%parallel_loop3A_299] : memref<384xi32, #tpu.memory_space<smem>>
          %parallel_loop3A_301 = vector.broadcast %parallel_loop3A_300 : i32 to vector<16xi32>
          %parallel_loop3A_302 = tpu.vector_load_idx %arg7[%add3A_116, %parallel_loop3A_301] : memref<64x520xf32, #tpu.memory_space<vmem>>[vector<16xi32>, vector<16xi32>], vector<16xf32>,
          %parallel_loop3A_303 = arith.subf %parallel_loop3A_294, %parallel_loop3A_302 : vector<16xf32>
          %parallel_loop3A_304 = arith.constant 7 : i32
          %parallel_loop3A_305 = arith.addi %parallel_loop3A_124, %parallel_loop3A_304 : i32
          %parallel_loop3A_306 = arith.index_cast %parallel_loop3A_305 : i32 to index
          %parallel_loop3A_307 = memref.load %arg12[%parallel_loop3A_306] : memref<256xf32, #tpu.memory_space<smem>>
          %parallel_loop3A_308 = vector.broadcast %parallel_loop3A_307 : f32 to vector<16xf32>
          %parallel_loop3A_309 = arith.addf %parallel_loop3A_303, %parallel_loop3A_308 : vector<16xf32>
          %parallel_loop3A_310 = arith.mulf %parallel_loop3A_148, %parallel_loop3A_148 : vector<16xf32>
          %parallel_loop3A_311 = arith.mulf %parallel_loop3A_171, %parallel_loop3A_171 : vector<16xf32>
          %parallel_loop3A_312 = arith.mulf %parallel_loop3A_194, %parallel_loop3A_194 : vector<16xf32>
          %parallel_loop3A_313 = arith.mulf %parallel_loop3A_217, %parallel_loop3A_217 : vector<16xf32>
          %parallel_loop3A_314 = arith.mulf %parallel_loop3A_240, %parallel_loop3A_240 : vector<16xf32>
          %parallel_loop3A_315 = arith.mulf %parallel_loop3A_263, %parallel_loop3A_263 : vector<16xf32>
          %parallel_loop3A_316 = arith.mulf %parallel_loop3A_286, %parallel_loop3A_286 : vector<16xf32>
          %parallel_loop3A_317 = arith.mulf %parallel_loop3A_309, %parallel_loop3A_309 : vector<16xf32>
          %parallel_loop3A_318 = arith.addf %parallel_loop3A_310, %parallel_loop3A_311 : vector<16xf32>
          %parallel_loop3A_319 = arith.addf %parallel_loop3A_312, %parallel_loop3A_313 : vector<16xf32>
          %parallel_loop3A_320 = arith.addf %parallel_loop3A_318, %parallel_loop3A_319 : vector<16xf32>
          %parallel_loop3A_321 = arith.addf %parallel_loop3A_314, %parallel_loop3A_315 : vector<16xf32>
          %parallel_loop3A_322 = arith.addf %parallel_loop3A_316, %parallel_loop3A_317 : vector<16xf32>
          %parallel_loop3A_323 = arith.addf %parallel_loop3A_321, %parallel_loop3A_322 : vector<16xf32>
          %parallel_loop3A_324 = arith.addf %parallel_loop3A_320, %parallel_loop3A_323 : vector<16xf32>
          %parallel_loop3A_325 = arith.addf %parallel_loop3A_125, %parallel_loop3A_324 : vector<16xf32>
          scf.yield %parallel_loop3A_325 : vector<16xf32>
        } {sc.loop_unroll_factor = 1 : i64, sc.parallel_access}
        %parallel_loop3A_120 = arith.constant 0 : i32
        %parallel_loop3A_121 = arith.constant 128 : i32
        %parallel_loop3A_122 = arith.constant 8 : i32
        %parallel_loop3A_123 = scf.for %parallel_loop3A_124 = %parallel_loop3A_120 to %parallel_loop3A_121 step %parallel_loop3A_122 iter_args(%parallel_loop3A_125 = %scan3A_112) -> (vector<16xf32>)  : i32 {
          %parallel_loop3A_126 = arith.constant 256 : i32
          %parallel_loop3A_127 = arith.addi %parallel_loop3A_126, %parallel_loop3A_124 : i32
          %parallel_loop3A_128 = arith.constant 0 : i32
          %parallel_loop3A_129 = arith.addi %parallel_loop3A_127, %parallel_loop3A_128 : i32
          %parallel_loop3A_130 = arith.index_cast %parallel_loop3A_129 : i32 to index
          %parallel_loop3A_131 = memref.load %arg11[%parallel_loop3A_130] : memref<384xi32, #tpu.memory_space<smem>>
          %parallel_loop3A_132 = vector.broadcast %parallel_loop3A_131 : i32 to vector<16xi32>
          %parallel_loop3A_133 = tpu.vector_load_idx %arg7[%add3A_116, %parallel_loop3A_132] : memref<64x520xf32, #tpu.memory_space<vmem>>[vector<16xi32>, vector<16xi32>], vector<16xf32>,
          %parallel_loop3A_134 = arith.constant 128 : i32
          %parallel_loop3A_135 = arith.addi %parallel_loop3A_134, %parallel_loop3A_124 : i32
          %parallel_loop3A_136 = arith.constant 0 : i32
          %parallel_loop3A_137 = arith.addi %parallel_loop3A_135, %parallel_loop3A_136 : i32
          %parallel_loop3A_138 = arith.index_cast %parallel_loop3A_137 : i32 to index
          %parallel_loop3A_139 = memref.load %arg12[%parallel_loop3A_138] : memref<256xf32, #tpu.memory_space<smem>>
          %parallel_loop3A_140 = vector.broadcast %parallel_loop3A_139 : f32 to vector<16xf32>
          %parallel_loop3A_141 = arith.subf %parallel_loop3A_133, %parallel_loop3A_140 : vector<16xf32>
          %parallel_loop3A_142 = arith.constant 0.000000e+00 : f32
          %parallel_loop3A_143 = vector.broadcast %parallel_loop3A_142 : f32 to vector<16xf32>
          %parallel_loop3A_144 = arith.maximumf %parallel_loop3A_141, %parallel_loop3A_143 : vector<16xf32>
          %parallel_loop3A_145 = arith.constant 256 : i32
          %parallel_loop3A_146 = arith.addi %parallel_loop3A_145, %parallel_loop3A_124 : i32
          %parallel_loop3A_147 = arith.constant 1 : i32
          %parallel_loop3A_148 = arith.addi %parallel_loop3A_146, %parallel_loop3A_147 : i32
          %parallel_loop3A_149 = arith.index_cast %parallel_loop3A_148 : i32 to index
          %parallel_loop3A_150 = memref.load %arg11[%parallel_loop3A_149] : memref<384xi32, #tpu.memory_space<smem>>
          %parallel_loop3A_151 = vector.broadcast %parallel_loop3A_150 : i32 to vector<16xi32>
          %parallel_loop3A_152 = tpu.vector_load_idx %arg7[%add3A_116, %parallel_loop3A_151] : memref<64x520xf32, #tpu.memory_space<vmem>>[vector<16xi32>, vector<16xi32>], vector<16xf32>,
          %parallel_loop3A_153 = arith.constant 128 : i32
          %parallel_loop3A_154 = arith.addi %parallel_loop3A_153, %parallel_loop3A_124 : i32
          %parallel_loop3A_155 = arith.constant 1 : i32
          %parallel_loop3A_156 = arith.addi %parallel_loop3A_154, %parallel_loop3A_155 : i32
          %parallel_loop3A_157 = arith.index_cast %parallel_loop3A_156 : i32 to index
          %parallel_loop3A_158 = memref.load %arg12[%parallel_loop3A_157] : memref<256xf32, #tpu.memory_space<smem>>
          %parallel_loop3A_159 = vector.broadcast %parallel_loop3A_158 : f32 to vector<16xf32>
          %parallel_loop3A_160 = arith.subf %parallel_loop3A_152, %parallel_loop3A_159 : vector<16xf32>
          %parallel_loop3A_161 = arith.constant 0.000000e+00 : f32
          %parallel_loop3A_162 = vector.broadcast %parallel_loop3A_161 : f32 to vector<16xf32>
          %parallel_loop3A_163 = arith.maximumf %parallel_loop3A_160, %parallel_loop3A_162 : vector<16xf32>
          %parallel_loop3A_164 = arith.constant 256 : i32
          %parallel_loop3A_165 = arith.addi %parallel_loop3A_164, %parallel_loop3A_124 : i32
          %parallel_loop3A_166 = arith.constant 2 : i32
          %parallel_loop3A_167 = arith.addi %parallel_loop3A_165, %parallel_loop3A_166 : i32
          %parallel_loop3A_168 = arith.index_cast %parallel_loop3A_167 : i32 to index
          %parallel_loop3A_169 = memref.load %arg11[%parallel_loop3A_168] : memref<384xi32, #tpu.memory_space<smem>>
          %parallel_loop3A_170 = vector.broadcast %parallel_loop3A_169 : i32 to vector<16xi32>
          %parallel_loop3A_171 = tpu.vector_load_idx %arg7[%add3A_116, %parallel_loop3A_170] : memref<64x520xf32, #tpu.memory_space<vmem>>[vector<16xi32>, vector<16xi32>], vector<16xf32>,
          %parallel_loop3A_172 = arith.constant 128 : i32
          %parallel_loop3A_173 = arith.addi %parallel_loop3A_172, %parallel_loop3A_124 : i32
          %parallel_loop3A_174 = arith.constant 2 : i32
          %parallel_loop3A_175 = arith.addi %parallel_loop3A_173, %parallel_loop3A_174 : i32
          %parallel_loop3A_176 = arith.index_cast %parallel_loop3A_175 : i32 to index
          %parallel_loop3A_177 = memref.load %arg12[%parallel_loop3A_176] : memref<256xf32, #tpu.memory_space<smem>>
          %parallel_loop3A_178 = vector.broadcast %parallel_loop3A_177 : f32 to vector<16xf32>
          %parallel_loop3A_179 = arith.subf %parallel_loop3A_171, %parallel_loop3A_178 : vector<16xf32>
          %parallel_loop3A_180 = arith.constant 0.000000e+00 : f32
          %parallel_loop3A_181 = vector.broadcast %parallel_loop3A_180 : f32 to vector<16xf32>
          %parallel_loop3A_182 = arith.maximumf %parallel_loop3A_179, %parallel_loop3A_181 : vector<16xf32>
          %parallel_loop3A_183 = arith.constant 256 : i32
          %parallel_loop3A_184 = arith.addi %parallel_loop3A_183, %parallel_loop3A_124 : i32
          %parallel_loop3A_185 = arith.constant 3 : i32
          %parallel_loop3A_186 = arith.addi %parallel_loop3A_184, %parallel_loop3A_185 : i32
          %parallel_loop3A_187 = arith.index_cast %parallel_loop3A_186 : i32 to index
          %parallel_loop3A_188 = memref.load %arg11[%parallel_loop3A_187] : memref<384xi32, #tpu.memory_space<smem>>
          %parallel_loop3A_189 = vector.broadcast %parallel_loop3A_188 : i32 to vector<16xi32>
          %parallel_loop3A_190 = tpu.vector_load_idx %arg7[%add3A_116, %parallel_loop3A_189] : memref<64x520xf32, #tpu.memory_space<vmem>>[vector<16xi32>, vector<16xi32>], vector<16xf32>,
          %parallel_loop3A_191 = arith.constant 128 : i32
          %parallel_loop3A_192 = arith.addi %parallel_loop3A_191, %parallel_loop3A_124 : i32
          %parallel_loop3A_193 = arith.constant 3 : i32
          %parallel_loop3A_194 = arith.addi %parallel_loop3A_192, %parallel_loop3A_193 : i32
          %parallel_loop3A_195 = arith.index_cast %parallel_loop3A_194 : i32 to index
          %parallel_loop3A_196 = memref.load %arg12[%parallel_loop3A_195] : memref<256xf32, #tpu.memory_space<smem>>
          %parallel_loop3A_197 = vector.broadcast %parallel_loop3A_196 : f32 to vector<16xf32>
          %parallel_loop3A_198 = arith.subf %parallel_loop3A_190, %parallel_loop3A_197 : vector<16xf32>
          %parallel_loop3A_199 = arith.constant 0.000000e+00 : f32
          %parallel_loop3A_200 = vector.broadcast %parallel_loop3A_199 : f32 to vector<16xf32>
          %parallel_loop3A_201 = arith.maximumf %parallel_loop3A_198, %parallel_loop3A_200 : vector<16xf32>
          %parallel_loop3A_202 = arith.constant 256 : i32
          %parallel_loop3A_203 = arith.addi %parallel_loop3A_202, %parallel_loop3A_124 : i32
          %parallel_loop3A_204 = arith.constant 4 : i32
          %parallel_loop3A_205 = arith.addi %parallel_loop3A_203, %parallel_loop3A_204 : i32
          %parallel_loop3A_206 = arith.index_cast %parallel_loop3A_205 : i32 to index
          %parallel_loop3A_207 = memref.load %arg11[%parallel_loop3A_206] : memref<384xi32, #tpu.memory_space<smem>>
          %parallel_loop3A_208 = vector.broadcast %parallel_loop3A_207 : i32 to vector<16xi32>
          %parallel_loop3A_209 = tpu.vector_load_idx %arg7[%add3A_116, %parallel_loop3A_208] : memref<64x520xf32, #tpu.memory_space<vmem>>[vector<16xi32>, vector<16xi32>], vector<16xf32>,
          %parallel_loop3A_210 = arith.constant 128 : i32
          %parallel_loop3A_211 = arith.addi %parallel_loop3A_210, %parallel_loop3A_124 : i32
          %parallel_loop3A_212 = arith.constant 4 : i32
          %parallel_loop3A_213 = arith.addi %parallel_loop3A_211, %parallel_loop3A_212 : i32
          %parallel_loop3A_214 = arith.index_cast %parallel_loop3A_213 : i32 to index
          %parallel_loop3A_215 = memref.load %arg12[%parallel_loop3A_214] : memref<256xf32, #tpu.memory_space<smem>>
          %parallel_loop3A_216 = vector.broadcast %parallel_loop3A_215 : f32 to vector<16xf32>
          %parallel_loop3A_217 = arith.subf %parallel_loop3A_209, %parallel_loop3A_216 : vector<16xf32>
          %parallel_loop3A_218 = arith.constant 0.000000e+00 : f32
          %parallel_loop3A_219 = vector.broadcast %parallel_loop3A_218 : f32 to vector<16xf32>
          %parallel_loop3A_220 = arith.maximumf %parallel_loop3A_217, %parallel_loop3A_219 : vector<16xf32>
          %parallel_loop3A_221 = arith.constant 256 : i32
          %parallel_loop3A_222 = arith.addi %parallel_loop3A_221, %parallel_loop3A_124 : i32
          %parallel_loop3A_223 = arith.constant 5 : i32
          %parallel_loop3A_224 = arith.addi %parallel_loop3A_222, %parallel_loop3A_223 : i32
          %parallel_loop3A_225 = arith.index_cast %parallel_loop3A_224 : i32 to index
          %parallel_loop3A_226 = memref.load %arg11[%parallel_loop3A_225] : memref<384xi32, #tpu.memory_space<smem>>
          %parallel_loop3A_227 = vector.broadcast %parallel_loop3A_226 : i32 to vector<16xi32>
          %parallel_loop3A_228 = tpu.vector_load_idx %arg7[%add3A_116, %parallel_loop3A_227] : memref<64x520xf32, #tpu.memory_space<vmem>>[vector<16xi32>, vector<16xi32>], vector<16xf32>,
          %parallel_loop3A_229 = arith.constant 128 : i32
          %parallel_loop3A_230 = arith.addi %parallel_loop3A_229, %parallel_loop3A_124 : i32
          %parallel_loop3A_231 = arith.constant 5 : i32
          %parallel_loop3A_232 = arith.addi %parallel_loop3A_230, %parallel_loop3A_231 : i32
          %parallel_loop3A_233 = arith.index_cast %parallel_loop3A_232 : i32 to index
          %parallel_loop3A_234 = memref.load %arg12[%parallel_loop3A_233] : memref<256xf32, #tpu.memory_space<smem>>
          %parallel_loop3A_235 = vector.broadcast %parallel_loop3A_234 : f32 to vector<16xf32>
          %parallel_loop3A_236 = arith.subf %parallel_loop3A_228, %parallel_loop3A_235 : vector<16xf32>
          %parallel_loop3A_237 = arith.constant 0.000000e+00 : f32
          %parallel_loop3A_238 = vector.broadcast %parallel_loop3A_237 : f32 to vector<16xf32>
          %parallel_loop3A_239 = arith.maximumf %parallel_loop3A_236, %parallel_loop3A_238 : vector<16xf32>
          %parallel_loop3A_240 = arith.constant 256 : i32
          %parallel_loop3A_241 = arith.addi %parallel_loop3A_240, %parallel_loop3A_124 : i32
          %parallel_loop3A_242 = arith.constant 6 : i32
          %parallel_loop3A_243 = arith.addi %parallel_loop3A_241, %parallel_loop3A_242 : i32
          %parallel_loop3A_244 = arith.index_cast %parallel_loop3A_243 : i32 to index
          %parallel_loop3A_245 = memref.load %arg11[%parallel_loop3A_244] : memref<384xi32, #tpu.memory_space<smem>>
          %parallel_loop3A_246 = vector.broadcast %parallel_loop3A_245 : i32 to vector<16xi32>
          %parallel_loop3A_247 = tpu.vector_load_idx %arg7[%add3A_116, %parallel_loop3A_246] : memref<64x520xf32, #tpu.memory_space<vmem>>[vector<16xi32>, vector<16xi32>], vector<16xf32>,
          %parallel_loop3A_248 = arith.constant 128 : i32
          %parallel_loop3A_249 = arith.addi %parallel_loop3A_248, %parallel_loop3A_124 : i32
          %parallel_loop3A_250 = arith.constant 6 : i32
          %parallel_loop3A_251 = arith.addi %parallel_loop3A_249, %parallel_loop3A_250 : i32
          %parallel_loop3A_252 = arith.index_cast %parallel_loop3A_251 : i32 to index
          %parallel_loop3A_253 = memref.load %arg12[%parallel_loop3A_252] : memref<256xf32, #tpu.memory_space<smem>>
          %parallel_loop3A_254 = vector.broadcast %parallel_loop3A_253 : f32 to vector<16xf32>
          %parallel_loop3A_255 = arith.subf %parallel_loop3A_247, %parallel_loop3A_254 : vector<16xf32>
          %parallel_loop3A_256 = arith.constant 0.000000e+00 : f32
          %parallel_loop3A_257 = vector.broadcast %parallel_loop3A_256 : f32 to vector<16xf32>
          %parallel_loop3A_258 = arith.maximumf %parallel_loop3A_255, %parallel_loop3A_257 : vector<16xf32>
          %parallel_loop3A_259 = arith.constant 256 : i32
          %parallel_loop3A_260 = arith.addi %parallel_loop3A_259, %parallel_loop3A_124 : i32
          %parallel_loop3A_261 = arith.constant 7 : i32
          %parallel_loop3A_262 = arith.addi %parallel_loop3A_260, %parallel_loop3A_261 : i32
          %parallel_loop3A_263 = arith.index_cast %parallel_loop3A_262 : i32 to index
          %parallel_loop3A_264 = memref.load %arg11[%parallel_loop3A_263] : memref<384xi32, #tpu.memory_space<smem>>
          %parallel_loop3A_265 = vector.broadcast %parallel_loop3A_264 : i32 to vector<16xi32>
          %parallel_loop3A_266 = tpu.vector_load_idx %arg7[%add3A_116, %parallel_loop3A_265] : memref<64x520xf32, #tpu.memory_space<vmem>>[vector<16xi32>, vector<16xi32>], vector<16xf32>,
          %parallel_loop3A_267 = arith.constant 128 : i32
          %parallel_loop3A_268 = arith.addi %parallel_loop3A_267, %parallel_loop3A_124 : i32
          %parallel_loop3A_269 = arith.constant 7 : i32
          %parallel_loop3A_270 = arith.addi %parallel_loop3A_268, %parallel_loop3A_269 : i32
          %parallel_loop3A_271 = arith.index_cast %parallel_loop3A_270 : i32 to index
          %parallel_loop3A_272 = memref.load %arg12[%parallel_loop3A_271] : memref<256xf32, #tpu.memory_space<smem>>
          %parallel_loop3A_273 = vector.broadcast %parallel_loop3A_272 : f32 to vector<16xf32>
          %parallel_loop3A_274 = arith.subf %parallel_loop3A_266, %parallel_loop3A_273 : vector<16xf32>
          %parallel_loop3A_275 = arith.constant 0.000000e+00 : f32
          %parallel_loop3A_276 = vector.broadcast %parallel_loop3A_275 : f32 to vector<16xf32>
          %parallel_loop3A_277 = arith.maximumf %parallel_loop3A_274, %parallel_loop3A_276 : vector<16xf32>
          %parallel_loop3A_278 = arith.mulf %parallel_loop3A_144, %parallel_loop3A_144 : vector<16xf32>
          %parallel_loop3A_279 = arith.mulf %parallel_loop3A_163, %parallel_loop3A_163 : vector<16xf32>
          %parallel_loop3A_280 = arith.mulf %parallel_loop3A_182, %parallel_loop3A_182 : vector<16xf32>
          %parallel_loop3A_281 = arith.mulf %parallel_loop3A_201, %parallel_loop3A_201 : vector<16xf32>
          %parallel_loop3A_282 = arith.mulf %parallel_loop3A_220, %parallel_loop3A_220 : vector<16xf32>
          %parallel_loop3A_283 = arith.mulf %parallel_loop3A_239, %parallel_loop3A_239 : vector<16xf32>
          %parallel_loop3A_284 = arith.mulf %parallel_loop3A_258, %parallel_loop3A_258 : vector<16xf32>
          %parallel_loop3A_285 = arith.mulf %parallel_loop3A_277, %parallel_loop3A_277 : vector<16xf32>
          %parallel_loop3A_286 = arith.addf %parallel_loop3A_278, %parallel_loop3A_279 : vector<16xf32>
          %parallel_loop3A_287 = arith.addf %parallel_loop3A_280, %parallel_loop3A_281 : vector<16xf32>
          %parallel_loop3A_288 = arith.addf %parallel_loop3A_286, %parallel_loop3A_287 : vector<16xf32>
          %parallel_loop3A_289 = arith.addf %parallel_loop3A_282, %parallel_loop3A_283 : vector<16xf32>
          %parallel_loop3A_290 = arith.addf %parallel_loop3A_284, %parallel_loop3A_285 : vector<16xf32>
          %parallel_loop3A_291 = arith.addf %parallel_loop3A_289, %parallel_loop3A_290 : vector<16xf32>
          %parallel_loop3A_292 = arith.addf %parallel_loop3A_288, %parallel_loop3A_291 : vector<16xf32>
          %parallel_loop3A_293 = arith.addf %parallel_loop3A_125, %parallel_loop3A_292 : vector<16xf32>
          scf.yield %parallel_loop3A_293 : vector<16xf32>
        } {sc.loop_unroll_factor = 1 : i64, sc.parallel_access}
        scf.yield %parallel_loop3A_119, %parallel_loop3A_123 : vector<16xf32>, vector<16xf32>
      }
      %scan3A_102 = arith.constant 4 : i32
      %add3A_103 = arith.constant 3 : i32
      %add3A_104 = arith.addi %mul3A_57, %add3A_103 : i32
      %lt3A_105 = arith.constant 16 : i32
      %lt3A_106 = arith.cmpi slt, %add3A_104, %lt3A_105 : i32
      %convert_element_type3A_107 = arith.extui %lt3A_106 : i1 to i32
      %cond3A_108 = arith.constant 0 : i32
      %cond3A_109 = arith.cmpi ne, %convert_element_type3A_107, %cond3A_108 : i32
      scf.if %cond3A_109 {
        %add3A_110 = arith.constant 3 : i32
        %add3A_111 = arith.addi %mul3A_57, %add3A_110 : i32
        %mul3A_112 = arith.constant 64 : i32
        %mul3A_113 = arith.muli %add3A_111, %mul3A_112 : i32
        %add3A_114 = arith.addi %mul3A_15, %mul3A_113 : i32
        %dma_start3A_115 = arith.constant 0 : i32
        %dma_start3A_116 = arith.constant 0 : i32
        %dma_start3A_117 = tpu.memref_slice %arg7[%dma_start3A_115, %dma_start3A_116] : memref<64x520xf32, #tpu.memory_space<vmem>> -> memref<64x512xf32, #tpu.memory_space<vmem>>
        %dma_start3A_118 = arith.constant 0 : i32
        %dma_start3A_119 = tpu.memref_slice %arg2[%add3A_114, %dma_start3A_118] : memref<32768x512xf32, #tpu.memory_space<hbm>> -> memref<64x512xf32, #tpu.memory_space<hbm>>
        %dma_start3A_120 = arith.constant 0 : i32
        %dma_start3A_121 = arith.constant 0 : i32
        %dma_start3A_122 = tpu.memref_slice %arg7[%dma_start3A_120, %dma_start3A_121] : memref<64x520xf32, #tpu.memory_space<vmem>> -> memref<64x512xf32, #tpu.memory_space<vmem>>
        %dma_start3A_123 = arith.constant 0 : i32
        %dma_start3A_124 = tpu.memref_slice %arg2[%add3A_114, %dma_start3A_123] : memref<32768x512xf32, #tpu.memory_space<hbm>> -> memref<64x512xf32, #tpu.memory_space<hbm>>
        tpu.enqueue_dma source(%dma_start3A_124 : memref<64x512xf32, #tpu.memory_space<hbm>>) target(%dma_start3A_122 : memref<64x512xf32, #tpu.memory_space<vmem>>) target_semaphore(%arg14 : memref<!tpu.dma_semaphore, #tpu.memory_space<semaphore_mem>>)
      } else {
      }
      scf.yield %scan3A_101#0, %scan3A_101#1 : vector<16xf32>, vector<16xf32>
    }
    %scan3A_45 = arith.constant 8 : i32
    %swap3A = arith.constant 0 : i32
    %swap3A_46 = arith.index_cast %swap3A : i32 to index
    %swap3A_47 = arith.constant 0 : index
    %swap3A_48 = tpu.vector_load %arg10[%swap3A_46, %swap3A_47] {strides = array<i32>} : memref<2x16xf32, #tpu.memory_space<vmem>>, vector<16xf32>,
    tpu.vector_store %arg10[%swap3A_46, %swap3A_47], %scan3A_44#0 {strides = array<i32>} : memref<2x16xf32, #tpu.memory_space<vmem>>, vector<16xf32>,
    %swap3A_49 = arith.constant 1 : i32
    %swap3A_50 = arith.index_cast %swap3A_49 : i32 to index
    %swap3A_51 = arith.constant 0 : index
    %swap3A_52 = tpu.vector_load %arg10[%swap3A_50, %swap3A_51] {strides = array<i32>} : memref<2x16xf32, #tpu.memory_space<vmem>>, vector<16xf32>,
    tpu.vector_store %arg10[%swap3A_50, %swap3A_51], %scan3A_44#1 {strides = array<i32>} : memref<2x16xf32, #tpu.memory_space<vmem>>, vector<16xf32>,
    "tpu.region"() ({
      %run_scoped3A = tpu.sem_alloc : memref<!tpu.dma_semaphore, #tpu.memory_space<semaphore_mem>>
      %dma_start3A_53 = arith.constant 0 : i32
      %dma_start3A_54 = arith.constant 0 : i32
      %dma_start3A_55 = tpu.memref_slice %arg5[%add3A, %dma_start3A_53, %dma_start3A_54] : memref<32x2x16xf32, #tpu.memory_space<hbm>> -> memref<1x2x16xf32, #tpu.memory_space<hbm>>
      %dma_start3A_56 = tpu.memref_squeeze %dma_start3A_55 : memref<1x2x16xf32, #tpu.memory_space<hbm>> -> memref<2x16xf32, #tpu.memory_space<hbm>>
      %dma_start3A_57 = arith.constant 0 : i32
      %dma_start3A_58 = arith.constant 0 : i32
      %dma_start3A_59 = tpu.memref_slice %arg5[%add3A, %dma_start3A_57, %dma_start3A_58] : memref<32x2x16xf32, #tpu.memory_space<hbm>> -> memref<1x2x16xf32, #tpu.memory_space<hbm>>
      %dma_start3A_60 = tpu.memref_squeeze %dma_start3A_59 : memref<1x2x16xf32, #tpu.memory_space<hbm>> -> memref<2x16xf32, #tpu.memory_space<hbm>>
      tpu.enqueue_dma source(%arg10 : memref<2x16xf32, #tpu.memory_space<vmem>>) target(%dma_start3A_60 : memref<2x16xf32, #tpu.memory_space<hbm>>) target_semaphore(%run_scoped3A : memref<!tpu.dma_semaphore, #tpu.memory_space<semaphore_mem>>)
      %dma_wait3A = arith.constant 0 : i32
      %dma_wait3A_61 = arith.constant 0 : i32
      %dma_wait3A_62 = tpu.memref_slice %arg5[%add3A, %dma_wait3A, %dma_wait3A_61] : memref<32x2x16xf32, #tpu.memory_space<hbm>> -> memref<1x2x16xf32, #tpu.memory_space<hbm>>
      %dma_wait3A_63 = tpu.memref_squeeze %dma_wait3A_62 : memref<1x2x16xf32, #tpu.memory_space<hbm>> -> memref<2x16xf32, #tpu.memory_space<hbm>>
      %dma_wait3A_64 = arith.constant 0 : i32
      %dma_wait3A_65 = arith.constant 0 : i32
      %dma_wait3A_66 = tpu.memref_slice %arg5[%add3A, %dma_wait3A_64, %dma_wait3A_65] : memref<32x2x16xf32, #tpu.memory_space<hbm>> -> memref<1x2x16xf32, #tpu.memory_space<hbm>>
      %dma_wait3A_67 = tpu.memref_squeeze %dma_wait3A_66 : memref<1x2x16xf32, #tpu.memory_space<hbm>> -> memref<2x16xf32, #tpu.memory_space<hbm>>
      tpu.wait_dma2 semaphore(%run_scoped3A : memref<!tpu.dma_semaphore, #tpu.memory_space<semaphore_mem>>) src(%arg10 : memref<2x16xf32, #tpu.memory_space<vmem>>) dst(%dma_wait3A_67 : memref<2x16xf32, #tpu.memory_space<hbm>>)
      tpu.yield
    }) : () -> ()
    return
  }
}

module attributes {stable_mosaic.version = 14 : i64} {
  func.func @body(%arg0: i32, %arg1: memref<512x512xf32, #tpu.memory_space<vmem>>, %arg2: memref<512x64xf32, #tpu.memory_space<vmem>>, %arg3: memref<1x64xf32, #tpu.memory_space<vmem>>, %arg4: memref<1x64xf32, #tpu.memory_space<vmem>>, %arg5: memref<1x1xf32, #tpu.memory_space<vmem>>) attributes {dimension_semantics = [#tpu.dimension_semantics<arbitrary>], iteration_bounds = array<i64: 64>, scalar_prefetch = 0 : i64, scratch_operands = 2 : i64, tpu.core_type = #tpu.core_type<tc>, window_params = [{transform_indices = @transform_0, window_bounds = array<i64: 512, 512>}, {pipeline_mode = #tpu.pipeline_mode<synchronous>, transform_indices = @transform_1, window_bounds = array<i64: 512, 64>}, {pipeline_mode = #tpu.pipeline_mode<synchronous>, transform_indices = @transform_2, window_bounds = array<i64: 1, 64>}]} {
    %eq3A = arith.constant 0 : i32
    %eq3A_0 = arith.cmpi eq, %arg0, %eq3A : i32
    %convert_element_type3A = arith.extui %eq3A_0 : i1 to i32
    %cond3A = arith.constant 0 : i32
    %cond3A_1 = arith.cmpi ne, %convert_element_type3A, %cond3A : i32
    scf.if %cond3A_1 {
      %broadcast_in_dim3A_77 = arith.constant 0.000000e+00 : f32
      %broadcast_in_dim3A_78 = vector.broadcast %broadcast_in_dim3A_77 : f32 to vector<1x64xf32>
      %swap3A_79 = arith.constant 0 : index
      %swap3A_80 = arith.constant 0 : index
      %swap3A_81 = vector.load %arg4[%swap3A_79, %swap3A_80] : memref<1x64xf32, #tpu.memory_space<vmem>>, vector<1x64xf32>
      tpu.vector_store %arg4[%swap3A_79, %swap3A_80], %broadcast_in_dim3A_78 {strides = array<i32>} : memref<1x64xf32, #tpu.memory_space<vmem>>, vector<1x64xf32>,
    } else {
    }
    %get3A = arith.constant 0 : index
    %get3A_2 = arith.constant 0 : index
    %get3A_3 = vector.load %arg1[%get3A, %get3A_2] : memref<512x512xf32, #tpu.memory_space<vmem>>, vector<512x512xf32>
    %get3A_4 = arith.constant 0 : index
    %get3A_5 = arith.constant 0 : index
    %get3A_6 = vector.load %arg2[%get3A_4, %get3A_5] : memref<512x64xf32, #tpu.memory_space<vmem>>, vector<512x64xf32>
    %dot_general3A = arith.constant dense<0.000000e+00> : vector<512x64xf32>
    %dot_general3A_7 = tpu.matmul %get3A_3, %get3A_6, %dot_general3A {dimension_numbers = #tpu.dot_dimension_numbers<[1], [0], [0], [1], [0, 0, 1, 1], [], []>, transpose_lhs_hint = false} : vector<512x512xf32>, vector<512x64xf32>, vector<512x64xf32> -> vector<512x64xf32>
    %iota3A = tpu.iota {dimensions = array<i32: 1>} : vector<1x64xi32>
    %ge3A = arith.constant 0 : i32
    %ge3A_8 = vector.broadcast %ge3A : i32 to vector<1x64xi32>
    %ge3A_9 = arith.cmpi sge, %iota3A, %ge3A_8 : vector<1x64xi32>
    %lt3A = arith.constant 33 : i32
    %lt3A_10 = vector.broadcast %lt3A : i32 to vector<1x64xi32>
    %lt3A_11 = arith.cmpi slt, %iota3A, %lt3A_10 : vector<1x64xi32>
    %and3A = arith.andi %ge3A_9, %lt3A_11 : vector<1x64xi1>
    %convert_element_type3A_12 = arith.extui %and3A : vector<1x64xi1> to vector<1x64xi32>
    %convert_element_type3A_13 = arith.sitofp %convert_element_type3A_12 : vector<1x64xi32> to vector<1x64xf32>
    %slice3A = vector.extract_strided_slice %dot_general3A_7 {offsets = [0, 33], sizes = [512, 1], strides = [1, 1]} : vector<512x64xf32> to vector<512x1xf32>
    %slice3A_14 = vector.extract_strided_slice %dot_general3A_7 {offsets = [0, 34], sizes = [512, 1], strides = [1, 1]} : vector<512x64xf32> to vector<512x1xf32>
    %get3A_15 = arith.constant 0 : index
    %get3A_16 = arith.constant 0 : index
    %get3A_17 = vector.load %arg5[%get3A_15, %get3A_16] : memref<1x1xf32, #tpu.memory_space<vmem>>, vector<1x1xf32>
    %slice3A_18 = vector.extract_strided_slice %slice3A_14 {offsets = [0, 0], sizes = [511, 1], strides = [1, 1]} : vector<512x1xf32> to vector<511x1xf32>
    %concatenate3A = tpu.concatenate %get3A_17, %slice3A_18 in 0 : vector<1x1xf32>, vector<511x1xf32> -> vector<512x1xf32>
    %mul3A = arith.constant 512 : i32
    %mul3A_19 = arith.muli %arg0, %mul3A : i32
    %iota3A_20 = tpu.iota {dimensions = array<i32: 0>} : vector<512x1xi32>
    %add3A = vector.broadcast %mul3A_19 : i32 to vector<512x1xi32>
    %add3A_21 = arith.addi %add3A, %iota3A_20 : vector<512x1xi32>
    %jit3A = arith.constant 2048 : i32
    %eq3A_22 = arith.constant 0 : i32
    %eq3A_23 = arith.cmpi eq, %jit3A, %eq3A_22 : i32
    %jit3A_24 = arith.constant 1 : i32
    %select_n3A = arith.select %eq3A_23, %jit3A_24, %jit3A : i32
    %rem3A = vector.broadcast %select_n3A : i32 to vector<512x1xi32>
    %rem3A_25 = arith.remsi %add3A_21, %rem3A : vector<512x1xi32>
    %ne3A = arith.constant 0 : i32
    %ne3A_26 = vector.broadcast %ne3A : i32 to vector<512x1xi32>
    %ne3A_27 = arith.cmpi ne, %rem3A_25, %ne3A_26 : vector<512x1xi32>
    %lt3A_28 = arith.constant 0 : i32
    %lt3A_29 = vector.broadcast %lt3A_28 : i32 to vector<512x1xi32>
    %lt3A_30 = arith.cmpi slt, %rem3A_25, %lt3A_29 : vector<512x1xi32>
    %lt3A_31 = arith.constant 0 : i32
    %lt3A_32 = arith.cmpi slt, %select_n3A, %lt3A_31 : i32
    %ne3A_33 = vector.broadcast %lt3A_32 : i1 to vector<512x1xi1>
    %ne3A_34 = vector.broadcast %ne3A_33 : vector<512x1xi1> to vector<512x1xi1>
    %ne3A_35 = arith.xori %lt3A_30, %ne3A_34 : vector<512x1xi1>
    %and3A_36 = arith.andi %ne3A_35, %ne3A_27 : vector<512x1xi1>
    %add3A_37 = vector.broadcast %select_n3A : i32 to vector<512x1xi32>
    %add3A_38 = arith.addi %rem3A_25, %add3A_37 : vector<512x1xi32>
    %select_n3A_39 = arith.select %and3A_36, %add3A_38, %rem3A_25 : vector<512x1xi1>, vector<512x1xi32>
    %eq3A_40 = arith.constant 0 : i32
    %eq3A_41 = vector.broadcast %eq3A_40 : i32 to vector<512x1xi32>
    %eq3A_42 = arith.cmpi eq, %select_n3A_39, %eq3A_41 : vector<512x1xi32>
    %select_n3A_43 = arith.select %eq3A_42, %slice3A_14, %concatenate3A : vector<512x1xi1>, vector<512x1xf32>
    %add3A_44 = arith.addf %slice3A, %select_n3A_43 : vector<512x1xf32>
    %slice3A_45 = vector.extract_strided_slice %slice3A_14 {offsets = [511, 0], sizes = [1, 1], strides = [1, 1]} : vector<512x1xf32> to vector<1x1xf32>
    %swap3A = arith.constant 0 : index
    %swap3A_46 = arith.constant 0 : index
    %swap3A_47 = vector.load %arg5[%swap3A, %swap3A_46] : memref<1x1xf32, #tpu.memory_space<vmem>>, vector<1x1xf32>
    tpu.vector_store %arg5[%swap3A, %swap3A_46], %slice3A_45 {strides = array<i32>} : memref<1x1xf32, #tpu.memory_space<vmem>>, vector<1x1xf32>,
    %eq3A_48 = arith.constant 33 : i32
    %eq3A_49 = vector.broadcast %eq3A_48 : i32 to vector<1x64xi32>
    %eq3A_50 = arith.cmpi eq, %iota3A, %eq3A_49 : vector<1x64xi32>
    %convert_element_type3A_51 = arith.extui %eq3A_50 : vector<1x64xi1> to vector<1x64xi32>
    %convert_element_type3A_52 = arith.sitofp %convert_element_type3A_51 : vector<1x64xi32> to vector<1x64xf32>
    %get3A_53 = arith.constant 0 : index
    %get3A_54 = arith.constant 0 : index
    %get3A_55 = vector.load %arg4[%get3A_53, %get3A_54] : memref<1x64xf32, #tpu.memory_space<vmem>>, vector<1x64xf32>
    %mul3A_56 = arith.mulf %dot_general3A_7, %dot_general3A_7 : vector<512x64xf32>
    %reduce_sum3A = arith.constant dense<0.000000e+00> : vector<64xf32>
    %reduce_sum3A_57 = vector.multi_reduction <add>, %mul3A_56, %reduce_sum3A [0] : vector<512x64xf32> to vector<64xf32>
    %broadcast_in_dim3A = vector.shape_cast %reduce_sum3A_57 : vector<64xf32> to vector<1x64xf32>
    %mul3A_58 = arith.mulf %broadcast_in_dim3A, %convert_element_type3A_13 : vector<1x64xf32>
    %mul3A_59 = arith.mulf %add3A_44, %add3A_44 : vector<512x1xf32>
    %reduce_sum3A_60 = vector.shape_cast %mul3A_59 : vector<512x1xf32> to vector<1x512x1xf32>
    %reduce_sum3A_61 = arith.constant dense<0.000000e+00> : vector<1xf32>
    %reduce_sum3A_62 = vector.multi_reduction <add>, %reduce_sum3A_60, %reduce_sum3A_61 [1, 2] : vector<1x512x1xf32> to vector<1xf32>
    %reduce_sum3A_63 = vector.shape_cast %reduce_sum3A_62 : vector<1xf32> to vector<1x1x1xf32>
    %reduce_sum3A_64 = vector.extract %reduce_sum3A_63[0, 0, 0] : f32 from vector<1x1x1xf32>
    %mul3A_65 = vector.broadcast %reduce_sum3A_64 : f32 to vector<1x64xf32>
    %mul3A_66 = arith.mulf %mul3A_65, %convert_element_type3A_52 : vector<1x64xf32>
    %add3A_67 = arith.addf %mul3A_58, %mul3A_66 : vector<1x64xf32>
    %add3A_68 = arith.addf %get3A_55, %add3A_67 : vector<1x64xf32>
    %swap3A_69 = arith.constant 0 : index
    %swap3A_70 = arith.constant 0 : index
    %swap3A_71 = vector.load %arg4[%swap3A_69, %swap3A_70] : memref<1x64xf32, #tpu.memory_space<vmem>>, vector<1x64xf32>
    tpu.vector_store %arg4[%swap3A_69, %swap3A_70], %add3A_68 {strides = array<i32>} : memref<1x64xf32, #tpu.memory_space<vmem>>, vector<1x64xf32>,
    %eq3A_72 = arith.constant 63 : i32
    %eq3A_73 = arith.cmpi eq, %arg0, %eq3A_72 : i32
    %convert_element_type3A_74 = arith.extui %eq3A_73 : i1 to i32
    %cond3A_75 = arith.constant 0 : i32
    %cond3A_76 = arith.cmpi ne, %convert_element_type3A_74, %cond3A_75 : i32
    scf.if %cond3A_76 {
      %get3A_77 = arith.constant 0 : index
      %get3A_78 = arith.constant 0 : index
      %get3A_79 = vector.load %arg4[%get3A_77, %get3A_78] : memref<1x64xf32, #tpu.memory_space<vmem>>, vector<1x64xf32>
      %swap3A_80 = arith.constant 0 : index
      %swap3A_81 = arith.constant 0 : index
      %swap3A_82 = vector.load %arg3[%swap3A_80, %swap3A_81] : memref<1x64xf32, #tpu.memory_space<vmem>>, vector<1x64xf32>
      tpu.vector_store %arg3[%swap3A_80, %swap3A_81], %get3A_79 {strides = array<i32>} : memref<1x64xf32, #tpu.memory_space<vmem>>, vector<1x64xf32>,
    } else {
    }
    return
  }
  func.func @transform_0(%arg0: i32) -> (i32, i32) {
    %c0_i32 = arith.constant 0 : i32
    %c0_i32_0 = arith.constant 0 : i32
    return %arg0, %c0_i32 : i32, i32
  }
  func.func @transform_1(%arg0: i32) -> (i32, i32) {
    %c0_i32 = arith.constant 0 : i32
    %c0_i32_0 = arith.constant 0 : i32
    %c0_i32_1 = arith.constant 0 : i32
    return %c0_i32, %c0_i32_0 : i32, i32
  }
  func.func @transform_2(%arg0: i32) -> (i32, i32) {
    %c0_i32 = arith.constant 0 : i32
    %c0_i32_0 = arith.constant 0 : i32
    %c0_i32_1 = arith.constant 0 : i32
    return %c0_i32, %c0_i32_0 : i32, i32
  }
}

</mosaic_0001>

<sc_bundles>
// kernel: kernel.4.cloned.1.call-start
scs
__scs_entry_jumppad:
0x0: {  	(pc) =	sbr.rel $0x88, $3  }
0x1: {  	(tag) =	ssettag $0x0;
	lr =	simm.s32 $0x1  }
0x2: {  	[smem:$0x3F94] =	sst lr;
	_ =	strace $0xD0000000  }
0x3: {  	_ = 	snop  }
0x4: {  	_ = 	snop  }
0x5: {  	_ = 	snop  }
0x6: {  	_ = 	snop  }
0x7: {  	_ = 	snop  }
__scs_overlays_trampoline_lowered:
0x8: {  	[smem:$0x3FA3] =	sst s0  }
0x9: {  	[smem:$0x3FA4] =	sst s1  }
0xa: {  	[smem:$0x3FA5] =	sst s2  }
0xb: {  	[smem:$0x3FA6] =	sst s3  }
0xc: {  	[smem:$0x3FA7] =	sst s4  }
0xd: {  	[smem:$0x3FA8] =	sst s5  }
0xe: {  	[smem:$0x3FA9] =	sst s6  }
0xf: {  	[smem:$0x3FAA] =	sst s7  }
0x10: {  	[smem:$0x3FAB] =	sst s8  }
0x11: {  	[smem:$0x3FAC] =	sst s9;
	s0 =	simm.s32 @!p0 $0x0  }
0x12: {  	s1 =	sld [smem:$0x3F92];
	s0 =	simm.s32 @p0 $0x1  }
0x13: {  	[smem:$0x3FAD] =	sst s0;
	s0 =	simm.s32 @!p1 $0x0  }
0x14: {  	s2 =	sld [smem:$0x3F91];
	s0 =	simm.s32 @p1 $0x1  }
0x15: {  	[smem:$0x3FAE] =	sst s0;
	s0 =	simm.s32 @!p2 $0x0  }
0x16: {  	s3 =	sld [smem:$0x3FDB];
	s0 =	simm.s32 @p2 $0x1  }
0x17: {  	s4 =	simm.s32 $0x1BF5;
	[smem:$0x3FB0] =	sst s0  }
0x18: {  	s0 =	sld [smem:$0x3F93];
	_ =	swait.ge [sflag:s4], $0x0  }
0x19: {  	s7 =	sld [smem:$0x3F94]  }
0x1a: {  	s8 =	sadd.s32 $0xFFFFE003, lr  }
0x1b: {  	s9 =	sadd.s32 $0xFFFFFEF7, lr;
	s5 =	simm.s32 $0xFFFFFFFF;
	p2 =	slt.u32 s8, $0xFFFFF086  }
0x1c: {  	p1 =	slt.u32 s9, $0xF7A;
	s5 =	simm.s32 @!p2 $0x0  }
0x1d: {  	s5 =	simm.s32 @p1 $0x1;
	p0 =	seq.s32 s7, s2  }
0x1e: {  	s7 =	smul.u32 @!p0 $0xF7A, s2;
	p2 =	seq.s32 @!p0 s5, $0x0  }
0x1f: {  	s9 =	smul.u32 $0xF7A, s1;
	s8 =	simm.s32 @!p0 $0x1BF5;
	p2 =	por !p2, p0  }
0x20: {  	[sflag:s8] =	ssyncset.s32 @!p0 $0xFFFFF086;
	s6 =	sadd.s32 @!p0 s3, s7;
	s7 =	simm.s32 @!p0 $0x108  }
0x21: {  	s3 =	sadd.s32 s3, s9;
	s6 =	sadd.s32 @!p0 $0x88, s6;
	s7 =	simm.s32 @p2 $0x1082  }
0x22: {  	[simem:s7], [sflag:s8] =	dma.local @!p0 [hbm:s6], $0xF7A  }
0x23: {  	s9 =	sor.u32 $0xD0000000, s2;
	s6 =	simm.s32 $0x108;
	_ =	swait.ge @!p0 [sflag:s8], $0x0  }
0x24: {  	s3 =	sadd.s32 $0x88, s3;
	s6 =	simm.s32 @!p1 $0x1082;
	[sflag:s4] =	ssyncset.s32 $0xFFFFF086  }
0x25: {  	[simem:s6], [sflag:s4] =	dma.local [hbm:s3], $0xF7A  }
0x26: {  	[smem:$0x3F94] =	sst s1;
	(tag) =	ssettag s2;
	_ =	strace s9  }
0x27: {  	s1 =	sld [smem:$0x3FA4]  }
0x28: {  	s2 =	sld [smem:$0x3FA5]  }
0x29: {  	s4 =	sld [smem:$0x3FA7]  }
0x2a: {  	p0 =	seq.s32 s5, $0x0;
	s5 =	sld [smem:$0x3FA8]  }
0x2b: {  	s6 =	sld [smem:$0x3FA9]  }
0x2c: {  	s7 =	sld [smem:$0x3FAA]  }
0x2d: {  	s3 =	simm.s32 $0x108;
	s8 =	sld [smem:$0x3FAB]  }
0x2e: {  	s3 =	simm.s32 @!p0 $0x1082;
	s9 =	sld [smem:$0x3FAC]  }
0x2f: {  	lr =	sadd.s32 s0, s3;
	s0 =	sld [smem:$0x3FA3]  }
0x30: {  	s3 =	sld [smem:$0x3FA6]  }
0x31: {  	[smem:$0x3FAF] =	sst s10  }
0x32: {  	s10 =	sld [smem:$0x3FAD];
	_ =	sdelay $0x3  }
0x33: {  	p0 =	seq.s32 s10, $0x1;
	s10 =	sld [smem:$0x3FAF];
	_ =	sdelay $0x3  }
0x34: {  	[smem:$0x3FAF] =	sst s10  }
0x35: {  	s10 =	sld [smem:$0x3FAE];
	_ =	sdelay $0x3  }
0x36: {  	p1 =	seq.s32 s10, $0x1;
	s10 =	sld [smem:$0x3FAF];
	_ =	sdelay $0x3  }
0x37: {  	[smem:$0x3FAF] =	sst s10  }
0x38: {  	s10 =	sld [smem:$0x3FB0]  }
0x39: {  	_ = 	snop;
	(pc) =	sbr.ind lr, $3  }
0x3a: {  	_ = 	snop  }
0x3b: {  	_ = 	snop  }
0x3c: {  	p2 =	seq.s32 s10, $0x1;
	s10 =	sld [smem:$0x3FAF]  }
0x3d: {  	_ =	shalt  }
0x3e: {  	_ =	shalt  }
0x3f: {  	_ =	shalt  }
0x40: {  	_ =	shalt  }
0x41: {  	_ =	shalt  }
0x42: {  	_ =	shalt  }
0x43: {  	_ =	shalt  }
0x44: {  	_ =	shalt  }
0x45: {  	_ =	shalt  }
0x46: {  	_ =	shalt  }
0x47: {  	_ =	shalt  }
0x48: {  	_ =	shalt  }
0x49: {  	_ =	shalt  }
0x4a: {  	_ =	shalt  }
0x4b: {  	_ =	shalt  }
0x4c: {  	_ =	shalt  }
0x4d: {  	_ =	shalt  }
0x4e: {  	_ =	shalt  }
0x4f: {  	_ =	shalt  }
0x50: {  	_ =	shalt  }
0x51: {  	_ =	shalt  }
0x52: {  	_ =	shalt  }
0x53: {  	_ =	shalt  }
0x54: {  	_ =	shalt  }
0x55: {  	_ =	shalt  }
0x56: {  	_ =	shalt  }
0x57: {  	_ =	shalt  }
0x58: {  	_ =	shalt  }
0x59: {  	_ =	shalt  }
0x5a: {  	_ =	shalt  }
0x5b: {  	_ =	shalt  }
0x5c: {  	_ =	shalt  }
0x5d: {  	_ =	shalt  }
0x5e: {  	_ =	shalt  }
0x5f: {  	_ =	shalt  }
0x60: {  	_ =	shalt  }
0x61: {  	_ =	shalt  }
0x62: {  	_ =	shalt  }
0x63: {  	_ =	shalt  }
0x64: {  	_ =	shalt  }
0x65: {  	_ =	shalt  }
0x66: {  	_ =	shalt  }
0x67: {  	_ =	shalt  }
0x68: {  	_ =	shalt  }
0x69: {  	_ =	shalt  }
0x6a: {  	_ =	shalt  }
0x6b: {  	_ =	shalt  }
0x6c: {  	_ =	shalt  }
0x6d: {  	_ =	shalt  }
0x6e: {  	_ =	shalt  }
0x6f: {  	_ =	shalt  }
0x70: {  	_ =	shalt  }
0x71: {  	_ =	shalt  }
0x72: {  	_ =	shalt  }
0x73: {  	_ =	shalt  }
0x74: {  	_ =	shalt  }
0x75: {  	_ =	shalt  }
0x76: {  	_ =	shalt  }
0x77: {  	_ =	shalt  }
0x78: {  	_ =	shalt  }
0x79: {  	_ =	shalt  }
0x7a: {  	_ =	shalt  }
0x7b: {  	_ =	shalt  }
0x7c: {  	_ =	shalt  }
0x7d: {  	_ =	shalt  }
0x7e: {  	_ =	shalt  }
0x7f: {  	_ =	shalt  }
0x80: {  	_ =	shalt  }
0x81: {  	_ =	shalt  }
0x82: {  	_ =	shalt  }
0x83: {  	_ =	shalt  }
0x84: {  	_ =	shalt  }
0x85: {  	_ =	shalt  }
0x86: {  	_ =	shalt  }
0x87: {  	_ =	shalt  }
.Lfunc_end0:
.L_simem_size_0:
called_computation.1_lowered:
.L_overlay_start_0:
0x88: {  	s2 =	sld [smem:$0x3FD9]  }
0x89: {  	s3 =	sld [smem:$0x3FFE];
	_ =	sdelay $0x1  }
0x8a: {  	s1 =	srdreg.scid  }
0x8b: {  	s0 =	sand.u32 $0x1, s1  }
0x8c: {  	s16 =	sshll.u32 s0, $0xA;
	s2 =	sadd.s32 s3, s2  }
0x8d: {  	s2 =	sadd.s32 s2, s16  }
0x8e: {  	[smem:$0x3FBB] =	sst s2  }
0x8f: {  	_ = 	snop  }
0x90: {  	(tm) =	ssettm $0x1  }
0x91: {  	s17 =	sld [smem:$0x3FFB];
	_ =	sdelay $0x3  }
0x92: {  	_ =	strace s17  }
0x93: {  	s2 =	sld [smem:$0x3FFC];
	_ =	sdelay $0x3  }
0x94: {  	_ =	strace s2  }
0x95: {  	s2 =	sld [smem:$0x3FFD];
	_ =	sdelay $0x3  }
0x96: {  	_ =	strace s2  }
0x97: {  	_ =	strace $0x8FFFFFFF  }
0x98: {  	s18 =	sld [smem:$0x3FDB];
	_ =	sdelay $0x1  }
0x99: {  	s19 =	simm.s32 $_scs_section_size  }
0x9a: {  	s4 =	simm.s32 $_size__tile_overlayer_lowered;
	s5 =	simm.s32 $_tile_overlayer_lowered  }
0x9b: {  	s22 =	simm.s32 $0x1BFF;
	s21 =	sshll.u32 s5, $0x1;
	s2 =	sadd.s32 s19, s18  }
0x9c: {  	s6 =	simm.s32 $0x0;
	s20 =	sshll.u32 s4, $0x1;
	s4 =	sadd.s32 s21, s2  }
0x9d: {  	[timem:s6], [sflag:s22] =	dma.local [hbm:s4], s20  }
0x9e: {  	_ =	swait.ge [sflag:s22], s20  }
0x9f: {  	s3 =	ssub.s32 $0x0, s20;
	[sflag:s22] =	ssyncset.done $0x0  }
0xa0: {  	[sflag:s22] =	ssyncadd.s32 s3;
	_ =	sdelay $0x1  }
0xa1: {  	s23 =	simm.s32 $0x1B8B  }
0xa2: {  	_ =	swait.ge [sflag:s23], $0x1  }
0xa3: {  	[sflag:s23] =	ssyncset.done $0x0  }
0xa4: {  	s25 =	simm.s32 $0x1B8E;
	s24 =	sld [smem:$0x3FFE];
	[sflag:s23] =	ssyncadd.s32 $0xFFFFFFFF  }
0xa5: {  	s26 =	simm.s32 $execute0_lowered;
	[smem:$0x3FD2] =	sst s25  }
0xa6: {  	s4 =	sshll.u32 s26, $0x1;
	_ =	strace $0x80000049;
	[dreg:$0x1] =	wrdreg $0xFFFFFFFF  }
0xa7: {  	s28 =	simm.s32 $_size_execute0_lowered;
	s2 =	sadd.s32 s2, s4;
	[dreg:$0x0] =	wrdreg $0x0  }
0xa8: {  	s4 =	sshll.u32 s28, $0x1;
	[dreg:$0x2] =	wrdreg s2  }
0xa9: {  	[dreg:$0x3] =	wrdreg s4  }
0xaa: {  	[dreg:$0x4] =	wrdreg $0xC0  }
0xab: {  	_ =	task [dreg:s6], $0x5FFFF  }
0xac: {  	[dreg:$0x1] =	wrdreg $0xFFFFFFFF  }
0xad: {  	[dreg:$0x0] =	wrdreg $0x60  }
0xae: {  	[dreg:$0x2] =	wrdreg s24  }
0xaf: {  	[dreg:$0x3] =	wrdreg $0x9  }
0xb0: {  	_ =	task.clear_ibuf [dreg:s6], $0x4FFFF;
	_ =	strace $0x90000049  }
0xb1: {  	s29 =	simm.s32 $0x9;
	_ =	strace $0x8000004B  }
0xb2: {  	_ =	swait.ge [sflag:s29], $0x1  }
0xb3: {  	[sflag:s29] =	ssyncadd.s32 $0xFFFFFFFF  }
0xb4: {  	_ =	strace $0x9000004B  }
0xb5: {  	_ =	sfence  }
0xb6: {  	s30 =	sld [smem:$0x0];
	_ =	sdelay $0x2  }
0xb7: {  	s31 =	sshll.u32 s1, $0xD;
	s1 =	sshrl.u32 s1, $0x2  }
0xb8: {  	s3 =	sand.u32 $0x4000, s31;
	s1 =	sadd.s32 s1, s30  }
0xb9: {  	s0 =	sor.u32 s3, s0;
	s1 =	sshll.u32 s1, $0x11  }
0xba: {  	s0 =	sor.u32 s1, s0  }
0xbb: {  	s0 =	sadd.s32 $0x8F2B, s0  }
0xbc: {  	[sflag:s0] =	ssyncadd.remote.s32 $0x1  }
0xbd: {  	_ =	sfence.sel $0xFFFF  }
0xbe: {  	[dreg:$0x0] =	wrdreg $0xFFFFFFFF;
	(pc) =	sbr.abs _section_cstart, $3  }
0xbf: {  	[dreg:$0x1] =	wrdreg $0xFFFFFFFF  }
0xc0: {  	_ =	task.clear_ibuf [dreg:s6], $0x2FFFF;
	_ =	strace $0x9FFFFFFF  }
0xc1: {  	(tm) =	ssettm $0x7FFFFFFF  }
tec
execute0_lowered:
.L_overlay_start_1:
0x0: {  	(tag) =	ssettag $0x1  }
0x1: {  	s1 =	srdreg.scid  }
0x2: {  	s0 =	stileid.u32;
	s5 =	rddreg [dreg:$0x0];
	s2 =	simm.s32 $0x0  }
0x3: {  	s12 =	simm.s32 $0x3;
	s14 =	simm.s32 $0x1;
	s15 =	simm.s32 $0x2  }
0x4: {  	s16 =	simm.s32 $0x8200;
	s17 =	simm.s32 $0x10680;
	s18 =	simm.s32 $0x0  }
0x5: {  	s4 =	sand.u32 $0x1, s1;
	s3 =	sshll.u32 s0, $0x1;
	[smem:$0x7FF] =	sst s2  }
0x6: {  	s6 =	sor.u32 s4, s3;
	_ =	strace $0x8000004A;
	s7 =	ssub.s32 $0x2, s4  }
.Ltmp0:
0x7: {  	s4 =	sadd.s32 $0x201C00, s5;
	s3 =	sshll.u32 s6, $0x10;
	(pc) =	sbr.rel .LBB2_1-.Ltmp0, $4  }
0x8: {  	s6 =	sshll.u32 s6, $0x2;
	s31 =	sshrl.u32 s7, $0x1;
	s8 =	sadd.s32 s3, s5  }
0x9: {  	s3 =	sadd.s32 $0x201E00, s5;
	s9 =	sadd.s32 s6, s5;
	s10 =	ssub.s32 s7, s31  }
0xa: {  	v0 =	vlaneseq.u32;
	s5 =	sadd.s32 $0x1C00, s8;
	s6 =	sadd.s32 $0x2C00, s8;
	s7 =	sadd.s32 $0x3C00, s8  }
0xb: {  	v0 =	vmul.u32 $0x208, v0;
	s8 =	sadd.s32 $0x4C00, s8;
	s9 =	sadd.s32 $0x202000, s9;
	s10 =	smax.u32 s10, $0x1  }
.LBB2_30:
0xc: {  	s18 =	sadd.s32 $0x1, s18  }
0xd: {  	[tilespmem:$0x10680] =	vst v2;
	p0 =	sne.s32 s18, s10  }
.Ltmp1:
0xe: {  	[tilespmem:$0x10690] =	vst v1;
	(pc) =	sbr.rel @!p0 .LBB2_31-.Ltmp1, $4  }
0xf: {  	[hbm4b:s9+s2] =	stream.linear.scatter [tilespmem:s17], [sflag:$0x3], $0x20, $0x38;
	[tilespmem:$0x106A0] =	vst v63  }
0x10: {  	_ =	swait.ge [sflag:s12], $0x20  }
0x11: {  	[sflag:s12] =	ssyncset.done $0x0  }
0x12: {  	[sflag:s12] =	ssyncadd.s32 $0xFFFFFFE0  }
.LBB2_1:
0x13: {  	s0 =	simm.s32 $0x10400  }
0x14: {  	[tilespmem:s0], [sflag:$0x3] =	stream.linear.gather [hbm4b:s3+s2], $0x180, $0x38;
	[tilespmem:$0x106A0] =	vst v63  }
0x15: {  	_ =	swait.ge [sflag:s12], $0x180  }
0x16: {  	[sflag:s12] =	ssyncset.done $0x0  }
0x17: {  	s30 =	simm.s32 $0x10580;
	[sflag:s12] =	ssyncadd.s32 $0xFFFFFE80  }
0x18: {  	[tilespmem:s30], [sflag:$0x3] =	stream.linear.gather [hbm4b:s4+s2], $0x100, $0x38;
	[tilespmem:$0x106A0] =	vst v63  }
0x19: {  	_ =	swait.ge [sflag:s12], $0x100  }
0x1a: {  	[sflag:s12] =	ssyncset.done $0x0  }
0x1b: {  	s20 =	simm.s32 $0x0;
	[sflag:s12] =	ssyncadd.s32 $0xFFFFFF00  }
0x1c: {  	v2 =	vld [tilespmem:s20+$0x10400];
	_ =	sdelay $0x4  }
0x1d: {  	(v2sf) =	vpush v2, $0x0  }
0x1e: {  	(v2sf) =	vpush v2, $0x1;
	_ =	sdelay $0x1  }
0x1f: {  	(v2sf) =	vpush v2, $0x2  }
0x20: {  	(v2sf) =	vpush v2, $0x3  }
0x21: {  	(v2sf) =	vpush v2, $0x4  }
0x22: {  	(v2sf) =	vpush v2, $0x5  }
0x23: {  	(v2sf) =	vpush v2, $0x6  }
0x24: {  	(v2sf) =	vpush v2, $0x7  }
0x25: {  	(v2sf) =	vpush v2, $0x8  }
0x26: {  	(v2sf) =	vpush v2, $0x9  }
0x27: {  	s19 =	simm.s32 $0x10;
	(v2sf) =	vpush v2, $0xA  }
0x28: {  	v1 =	vld [tilespmem:s19+$0x10400];
	(v2sf) =	vpush v2, $0xB  }
0x29: {  	(v2sf) =	vpush v2, $0xC  }
0x2a: {  	(v2sf) =	vpush v2, $0xD  }
0x2b: {  	(v2sf) =	vpush v2, $0xE;
	s21 =	spop (v2sf)  }
0x2c: {  	(v2sf) =	vpush v2, $0xF;
	[smem:s20] =	sst s21;
	s31 =	spop (v2sf)  }
0x2d: {  	(v2sf) =	vpush v1, $0x0;
	[smem:$0x1] =	sst s31  }
0x2e: {  	s21 =	spop (v2sf)  }
0x2f: {  	(v2sf) =	vpush v1, $0x1;
	[smem:$0x2] =	sst s21  }
0x30: {  	s21 =	spop (v2sf)  }
0x31: {  	(v2sf) =	vpush v1, $0x2;
	[smem:$0x3] =	sst s21  }
0x32: {  	s21 =	spop (v2sf)  }
0x33: {  	(v2sf) =	vpush v1, $0x3;
	[smem:$0x4] =	sst s21  }
0x34: {  	s21 =	spop (v2sf)  }
0x35: {  	(v2sf) =	vpush v1, $0x4;
	[smem:$0x5] =	sst s21  }
0x36: {  	s21 =	spop (v2sf)  }
0x37: {  	(v2sf) =	vpush v1, $0x5;
	[smem:$0x6] =	sst s21  }
0x38: {  	s21 =	spop (v2sf)  }
0x39: {  	(v2sf) =	vpush v1, $0x6;
	[smem:$0x7] =	sst s21  }
0x3a: {  	s21 =	spop (v2sf)  }
0x3b: {  	(v2sf) =	vpush v1, $0x7;
	[smem:$0x8] =	sst s21  }
0x3c: {  	s21 =	spop (v2sf)  }
0x3d: {  	(v2sf) =	vpush v1, $0x8;
	[smem:$0x9] =	sst s21  }
0x3e: {  	s21 =	spop (v2sf)  }
0x3f: {  	(v2sf) =	vpush v1, $0x9;
	[smem:$0xA] =	sst s21  }
0x40: {  	s21 =	spop (v2sf)  }
0x41: {  	(v2sf) =	vpush v1, $0xA;
	[smem:$0xB] =	sst s21  }
0x42: {  	s22 =	spop (v2sf)  }
0x43: {  	(v2sf) =	vpush v1, $0xB;
	[smem:$0xC] =	sst s22  }
0x44: {  	s21 =	simm.s32 $0x20;
	s22 =	spop (v2sf)  }
0x45: {  	v2 =	vld [tilespmem:s21+$0x10400];
	(v2sf) =	vpush v1, $0xC;
	[smem:$0xD] =	sst s22  }
0x46: {  	s22 =	spop (v2sf)  }
0x47: {  	(v2sf) =	vpush v1, $0xD;
	[smem:$0xE] =	sst s22  }
0x48: {  	s22 =	simm.s32 $0xC0;
	s23 =	spop (v2sf)  }
.LBB2_2:
0x49: {  	p0 =	sne.s32 s22, $0x5C0;
	[smem:s20+$0xF] =	sst s23;
	s23 =	smov.u32 s22  }
0x4a: {  	(v2sf) =	vpush v1, $0xE;
	s22 =	sadd.s32 $0x40, s22;
	s20 =	smov.u32 s19;
	s19 =	smov.u32 s21  }
0x4b: {  	s21 =	spop (v2sf);
	(v2sf) =	vpush v1, $0xF  }
0x4c: {  	[smem:s20] =	sst s21;
	s21 =	spop (v2sf)  }
0x4d: {  	(v2sf) =	vpush v2, $0x0;
	[smem:s20+$0x1] =	sst s21;
	s21 =	spop (v2sf);
	v1 =	vmov v2  }
0x4e: {  	(v2sf) =	vpush v1, $0x1;
	[smem:s20+$0x2] =	sst s21;
	s21 =	spop (v2sf)  }
0x4f: {  	(v2sf) =	vpush v1, $0x2;
	[smem:s20+$0x3] =	sst s21;
	s21 =	spop (v2sf)  }
0x50: {  	(v2sf) =	vpush v1, $0x3;
	[smem:s20+$0x4] =	sst s21;
	s21 =	spop (v2sf)  }
0x51: {  	(v2sf) =	vpush v1, $0x4;
	[smem:s20+$0x5] =	sst s21;
	s21 =	spop (v2sf)  }
0x52: {  	(v2sf) =	vpush v1, $0x5;
	[smem:s20+$0x6] =	sst s21;
	s21 =	spop (v2sf)  }
0x53: {  	(v2sf) =	vpush v1, $0x6;
	[smem:s20+$0x7] =	sst s21;
	s21 =	spop (v2sf)  }
0x54: {  	(v2sf) =	vpush v1, $0x7;
	[smem:s20+$0x8] =	sst s21;
	s21 =	spop (v2sf)  }
0x55: {  	(v2sf) =	vpush v1, $0x8;
	[smem:s20+$0x9] =	sst s21;
	s21 =	spop (v2sf)  }
0x56: {  	[smem:s20+$0xA] =	sst s21  }
.Ltmp2:
0x57: {  	(v2sf) =	vpush v1, $0x9;
	s21 =	spop (v2sf);
	(pc) =	sbr.rel @p0 .LBB2_2-.Ltmp2, $4  }
0x58: {  	(v2sf) =	vpush v1, $0xA;
	[smem:s20+$0xB] =	sst s21;
	s24 =	spop (v2sf)  }
0x59: {  	s21 =	sshra.s32 s23, $0x2;
	(v2sf) =	vpush v1, $0xB;
	[smem:s20+$0xC] =	sst s24;
	s23 =	spop (v2sf)  }
0x5a: {  	v2 =	vld [tilespmem:s21+$0x10400];
	(v2sf) =	vpush v1, $0xC;
	[smem:s20+$0xD] =	sst s23;
	s23 =	spop (v2sf)  }
0x5b: {  	(v2sf) =	vpush v1, $0xD;
	[smem:s20+$0xE] =	sst s23;
	s23 =	spop (v2sf)  }
0x5c: {  	_ = 	snop  }
0x5d: {  	(v2sf) =	vpush v1, $0xE  }
0x5e: {  	s11 =	spop (v2sf);
	(v2sf) =	vpush v1, $0xF  }
0x5f: {  	[smem:s20+$0xF] =	sst s23;
	s13 =	spop (v2sf);
	(v2sf) =	vpush v2, $0x0  }
0x60: {  	[smem:s19] =	sst s11;
	s22 =	spop (v2sf);
	(v2sf) =	vpush v2, $0x1  }
0x61: {  	[smem:s19+$0x1] =	sst s13;
	s23 =	spop (v2sf);
	(v2sf) =	vpush v2, $0x2  }
0x62: {  	[smem:s19+$0x2] =	sst s22;
	s24 =	spop (v2sf);
	(v2sf) =	vpush v2, $0x3  }
0x63: {  	[smem:s19+$0x3] =	sst s23;
	s25 =	spop (v2sf);
	(v2sf) =	vpush v2, $0x4  }
0x64: {  	[smem:s19+$0x4] =	sst s24;
	s26 =	spop (v2sf);
	(v2sf) =	vpush v2, $0x5  }
0x65: {  	[smem:s19+$0x5] =	sst s25;
	s28 =	spop (v2sf);
	(v2sf) =	vpush v2, $0x6  }
0x66: {  	[smem:s19+$0x6] =	sst s26;
	s29 =	spop (v2sf);
	(v2sf) =	vpush v2, $0x7  }
0x67: {  	[smem:s19+$0x7] =	sst s28;
	s30 =	spop (v2sf);
	(v2sf) =	vpush v2, $0x8  }
0x68: {  	[smem:s19+$0x8] =	sst s29;
	s31 =	spop (v2sf);
	(v2sf) =	vpush v2, $0x9  }
0x69: {  	[smem:s19+$0x9] =	sst s30;
	s0 =	spop (v2sf);
	(v2sf) =	vpush v2, $0xA  }
0x6a: {  	s22 =	simm.s32 $0x0;
	[smem:s19+$0xA] =	sst s31;
	s1 =	spop (v2sf);
	(v2sf) =	vpush v2, $0xB  }
0x6b: {  	v3 =	vld [tilespmem:s22+$0x10580];
	[smem:s19+$0xB] =	sst s0;
	s11 =	spop (v2sf);
	(v2sf) =	vpush v2, $0xC  }
0x6c: {  	[smem:s19+$0xC] =	sst s1;
	s13 =	spop (v2sf)  }
0x6d: {  	[smem:s19+$0xD] =	sst s11;
	(v2sf) =	vpush v2, $0xD;
	s22 =	spop (v2sf)  }
0x6e: {  	[smem:s19+$0xE] =	sst s13;
	(v2sf) =	vpush v2, $0xE;
	s23 =	spop (v2sf)  }
0x6f: {  	[smem:s19+$0xF] =	sst s22;
	(v2sf) =	vpush v2, $0xF;
	s24 =	spop (v2sf)  }
0x70: {  	[smem:s21] =	sst s23;
	s25 =	spop (v2sf);
	(v2sf) =	vpush v3, $0x0  }
0x71: {  	[smem:s21+$0x1] =	sst s24;
	s26 =	spop (v2sf);
	(v2sf) =	vpush v3, $0x1  }
0x72: {  	[smem:s21+$0x2] =	sst s25;
	s28 =	spop (v2sf);
	(v2sf) =	vpush v3, $0x2  }
0x73: {  	[smem:s21+$0x3] =	sst s26;
	s29 =	spop (v2sf);
	(v2sf) =	vpush v3, $0x3  }
0x74: {  	[smem:s21+$0x4] =	sst s28;
	s30 =	spop (v2sf);
	(v2sf) =	vpush v3, $0x4  }
0x75: {  	[smem:s21+$0x5] =	sst s29;
	s31 =	spop (v2sf);
	(v2sf) =	vpush v3, $0x5  }
0x76: {  	[smem:s21+$0x6] =	sst s30;
	s0 =	spop (v2sf);
	(v2sf) =	vpush v3, $0x6  }
0x77: {  	[smem:s21+$0x7] =	sst s31;
	s1 =	spop (v2sf);
	(v2sf) =	vpush v3, $0x7  }
0x78: {  	[smem:s21+$0x8] =	sst s0;
	s11 =	spop (v2sf);
	(v2sf) =	vpush v3, $0x8  }
0x79: {  	[smem:s21+$0x9] =	sst s1;
	s13 =	spop (v2sf);
	(v2sf) =	vpush v3, $0x9  }
0x7a: {  	[smem:s21+$0xA] =	sst s11;
	s20 =	spop (v2sf);
	(v2sf) =	vpush v3, $0xA  }
0x7b: {  	s19 =	simm.s32 $0x10;
	[smem:s21+$0xB] =	sst s13;
	(v2sf) =	vpush v3, $0xB  }
0x7c: {  	v1 =	vld [tilespmem:s19+$0x10580];
	[smem:s21+$0xC] =	sst s20;
	s22 =	spop (v2sf);
	(v2sf) =	vpush v3, $0xC  }
0x7d: {  	s25 =	simm.s32 $0x180;
	[smem:s21+$0xD] =	sst s22;
	s23 =	spop (v2sf);
	(v2sf) =	vpush v3, $0xD  }
0x7e: {  	s28 =	simm.s32 $0x181;
	[smem:s21+$0xE] =	sst s23;
	s24 =	spop (v2sf);
	(v2sf) =	vpush v3, $0xE  }
0x7f: {  	s30 =	simm.s32 $0x182;
	[smem:s21+$0xF] =	sst s24;
	s26 =	spop (v2sf);
	(v2sf) =	vpush v3, $0xF  }
0x80: {  	s0 =	simm.s32 $0x183;
	[smem:s25] =	sst s26;
	s29 =	spop (v2sf)  }
0x81: {  	s11 =	simm.s32 $0x184;
	(v2sf) =	vpush v1, $0x0;
	[smem:s28] =	sst s29;
	s31 =	spop (v2sf)  }
0x82: {  	s20 =	simm.s32 $0xC0;
	(v2sf) =	vpush v1, $0x1;
	[smem:s30] =	sst s31;
	s1 =	spop (v2sf)  }
0x83: {  	s22 =	simm.s32 $0x18D;
	(v2sf) =	vpush v1, $0x2;
	[smem:s0] =	sst s1;
	s13 =	spop (v2sf)  }
0x84: {  	s24 =	simm.s32 $0x185;
	(v2sf) =	vpush v1, $0x3;
	[smem:s11] =	sst s13;
	s25 =	spop (v2sf)  }
0x85: {  	s26 =	simm.s32 $0x186;
	(v2sf) =	vpush v1, $0x4;
	[smem:s24] =	sst s25;
	s28 =	spop (v2sf)  }
0x86: {  	s29 =	simm.s32 $0x187;
	(v2sf) =	vpush v1, $0x5;
	[smem:s26] =	sst s28;
	s30 =	spop (v2sf)  }
0x87: {  	s24 =	simm.s32 $0x188;
	(v2sf) =	vpush v1, $0x6;
	[smem:s29] =	sst s30;
	s31 =	spop (v2sf)  }
0x88: {  	s0 =	simm.s32 $0x189;
	(v2sf) =	vpush v1, $0x7;
	[smem:s24] =	sst s31;
	s1 =	spop (v2sf)  }
0x89: {  	s11 =	simm.s32 $0x18A;
	(v2sf) =	vpush v1, $0x8;
	[smem:s0] =	sst s1;
	s13 =	spop (v2sf)  }
0x8a: {  	s24 =	simm.s32 $0x18B;
	(v2sf) =	vpush v1, $0x9;
	[smem:s11] =	sst s13;
	s25 =	spop (v2sf)  }
0x8b: {  	s26 =	simm.s32 $0x18C;
	(v2sf) =	vpush v1, $0xA;
	[smem:s24] =	sst s25;
	s28 =	spop (v2sf)  }
0x8c: {  	s21 =	simm.s32 $0x20;
	(v2sf) =	vpush v1, $0xB;
	[smem:s26] =	sst s28;
	s29 =	spop (v2sf)  }
0x8d: {  	s30 =	simm.s32 $0x18E;
	(v2sf) =	vpush v1, $0xC;
	[smem:s22] =	sst s29;
	s31 =	spop (v2sf)  }
0x8e: {  	v2 =	vld [tilespmem:s21+$0x10580];
	(v2sf) =	vpush v1, $0xD;
	s22 =	simm.s32 $0x18F;
	[smem:s30] =	sst s31;
	s23 =	spop (v2sf)  }
.LBB2_4:
0x8f: {  	p0 =	sne.s32 s20, $0x3C0;
	[smem:s22] =	sst s23;
	s24 =	smov.u32 s20  }
0x90: {  	(v2sf) =	vpush v1, $0xE;
	s20 =	sadd.s32 $0x40, s20;
	s22 =	smov.u32 s19;
	s19 =	smov.u32 s21  }
0x91: {  	s21 =	sadd.s32 $0x180, s22;
	s23 =	sadd.s32 $0x18D, s22;
	s25 =	spop (v2sf);
	(v2sf) =	vpush v1, $0xF  }
0x92: {  	[smem:s21] =	sst s25;
	s21 =	sadd.s32 $0x181, s22;
	s25 =	spop (v2sf)  }
0x93: {  	(v2sf) =	vpush v2, $0x0;
	[smem:s21] =	sst s25;
	s21 =	sadd.s32 $0x182, s22;
	s25 =	spop (v2sf);
	v1 =	vmov v2  }
0x94: {  	(v2sf) =	vpush v1, $0x1;
	[smem:s21] =	sst s25;
	s21 =	sadd.s32 $0x183, s22;
	s25 =	spop (v2sf)  }
0x95: {  	(v2sf) =	vpush v1, $0x2;
	[smem:s21] =	sst s25;
	s21 =	sadd.s32 $0x184, s22;
	s25 =	spop (v2sf)  }
0x96: {  	(v2sf) =	vpush v1, $0x3;
	[smem:s21] =	sst s25;
	s21 =	sadd.s32 $0x185, s22;
	s25 =	spop (v2sf)  }
0x97: {  	(v2sf) =	vpush v1, $0x4;
	[smem:s21] =	sst s25;
	s21 =	sadd.s32 $0x186, s22;
	s25 =	spop (v2sf)  }
0x98: {  	(v2sf) =	vpush v1, $0x5;
	[smem:s21] =	sst s25;
	s21 =	sadd.s32 $0x187, s22;
	s25 =	spop (v2sf)  }
0x99: {  	s26 =	sadd.s32 $0x188, s22;
	(v2sf) =	vpush v1, $0x6;
	[smem:s21] =	sst s25;
	s21 =	spop (v2sf)  }
0x9a: {  	(v2sf) =	vpush v1, $0x7;
	[smem:s26] =	sst s21;
	s21 =	sadd.s32 $0x189, s22;
	s25 =	spop (v2sf)  }
0x9b: {  	(v2sf) =	vpush v1, $0x8;
	[smem:s21] =	sst s25;
	s21 =	sadd.s32 $0x18A, s22;
	s25 =	spop (v2sf)  }
0x9c: {  	[smem:s21] =	sst s25  }
.Ltmp3:
0x9d: {  	(v2sf) =	vpush v1, $0x9;
	s21 =	sadd.s32 $0x18B, s22;
	s25 =	spop (v2sf);
	(pc) =	sbr.rel @p0 .LBB2_4-.Ltmp3, $4  }
0x9e: {  	(v2sf) =	vpush v1, $0xA;
	[smem:s21] =	sst s25;
	s25 =	sadd.s32 $0x18C, s22;
	s26 =	spop (v2sf)  }
0x9f: {  	s21 =	sshra.s32 s24, $0x2;
	(v2sf) =	vpush v1, $0xB;
	[smem:s25] =	sst s26;
	s24 =	spop (v2sf)  }
0xa0: {  	v2 =	vld [tilespmem:s21+$0x10580];
	(v2sf) =	vpush v1, $0xC;
	[smem:s23] =	sst s24;
	s23 =	sadd.s32 $0x18E, s22;
	s24 =	spop (v2sf)  }
0xa1: {  	s22 =	sadd.s32 $0x18F, s22;
	(v2sf) =	vpush v1, $0xD;
	[smem:s23] =	sst s24;
	s23 =	spop (v2sf)  }
0xa2: {  	_ = 	snop  }
0xa3: {  	(v2sf) =	vpush v1, $0xE;
	[smem:s22] =	sst s23;
	s20 =	sadd.s32 $0x180, s19  }
0xa4: {  	s13 =	spop (v2sf);
	s23 =	sadd.s32 $0x181, s19;
	s25 =	sadd.s32 $0x182, s19;
	(v2sf) =	vpush v1, $0xF  }
0xa5: {  	s28 =	sadd.s32 $0x183, s19;
	[smem:s20] =	sst s13;
	s24 =	spop (v2sf);
	(v2sf) =	vpush v2, $0x0  }
0xa6: {  	s30 =	sadd.s32 $0x184, s19;
	[smem:s23] =	sst s24;
	s26 =	spop (v2sf);
	(v2sf) =	vpush v2, $0x1  }
0xa7: {  	s0 =	sadd.s32 $0x185, s19;
	[smem:s25] =	sst s26;
	s29 =	spop (v2sf);
	(v2sf) =	vpush v2, $0x2  }
0xa8: {  	s11 =	sadd.s32 $0x186, s19;
	[smem:s28] =	sst s29;
	s31 =	spop (v2sf);
	(v2sf) =	vpush v2, $0x3  }
0xa9: {  	s22 =	sadd.s32 $0x187, s19;
	[smem:s30] =	sst s31;
	s1 =	spop (v2sf);
	(v2sf) =	vpush v2, $0x4  }
0xaa: {  	s20 =	sadd.s32 $0x184, s21;
	[smem:s0] =	sst s1;
	s13 =	spop (v2sf);
	(v2sf) =	vpush v2, $0x5  }
0xab: {  	s24 =	sadd.s32 $0x188, s19;
	[smem:s11] =	sst s13;
	s23 =	spop (v2sf);
	(v2sf) =	vpush v2, $0x6  }
0xac: {  	s26 =	sadd.s32 $0x189, s19;
	[smem:s22] =	sst s23;
	s25 =	spop (v2sf);
	(v2sf) =	vpush v2, $0x7  }
0xad: {  	s29 =	sadd.s32 $0x18A, s19;
	[smem:s24] =	sst s25;
	s28 =	spop (v2sf);
	(v2sf) =	vpush v2, $0x8  }
0xae: {  	s31 =	sadd.s32 $0x18B, s19;
	[smem:s26] =	sst s28;
	s30 =	spop (v2sf);
	(v2sf) =	vpush v2, $0x9  }
0xaf: {  	s1 =	sadd.s32 $0x18C, s19;
	[smem:s29] =	sst s30;
	s0 =	spop (v2sf);
	(v2sf) =	vpush v2, $0xA  }
0xb0: {  	s13 =	sadd.s32 $0x18D, s19;
	[smem:s31] =	sst s0;
	s11 =	spop (v2sf);
	(v2sf) =	vpush v2, $0xB  }
0xb1: {  	s23 =	sadd.s32 $0x18E, s19;
	[smem:s1] =	sst s11;
	s22 =	spop (v2sf);
	(v2sf) =	vpush v2, $0xC  }
0xb2: {  	s25 =	sadd.s32 $0x18F, s19;
	[smem:s13] =	sst s22;
	s24 =	spop (v2sf);
	(v2sf) =	vpush v2, $0xD  }
0xb3: {  	s19 =	simm.s32 $0x0;
	[smem:s23] =	sst s24;
	s26 =	spop (v2sf);
	(v2sf) =	vpush v2, $0xE  }
0xb4: {  	s28 =	sadd.s32 $0x180, s21;
	[smem:s25] =	sst s26;
	s29 =	spop (v2sf);
	(v2sf) =	vpush v2, $0xF  }
0xb5: {  	s30 =	sadd.s32 $0x181, s21;
	[smem:s28] =	sst s29;
	s31 =	spop (v2sf)  }
0xb6: {  	s0 =	sadd.s32 $0x182, s21;
	[smem:s30] =	sst s31;
	s1 =	spop (v2sf)  }
0xb7: {  	s11 =	sadd.s32 $0x183, s21;
	[smem:s0] =	sst s1;
	s13 =	spop (v2sf)  }
0xb8: {  	s23 =	sadd.s32 $0x185, s21;
	[smem:s11] =	sst s13;
	s22 =	spop (v2sf)  }
0xb9: {  	s25 =	sadd.s32 $0x186, s21;
	[smem:s20] =	sst s22;
	s24 =	spop (v2sf)  }
0xba: {  	s28 =	sadd.s32 $0x187, s21;
	[smem:s23] =	sst s24;
	s26 =	spop (v2sf)  }
0xbb: {  	s30 =	sadd.s32 $0x188, s21;
	[smem:s25] =	sst s26;
	s29 =	spop (v2sf)  }
0xbc: {  	s0 =	sadd.s32 $0x189, s21;
	[smem:s28] =	sst s29;
	s31 =	spop (v2sf)  }
0xbd: {  	s11 =	sadd.s32 $0x18A, s21;
	[smem:s30] =	sst s31;
	s1 =	spop (v2sf)  }
0xbe: {  	s20 =	sadd.s32 $0x18B, s21;
	[smem:s0] =	sst s1;
	s13 =	spop (v2sf)  }
0xbf: {  	s23 =	sadd.s32 $0x18C, s21;
	[smem:s11] =	sst s13;
	s22 =	spop (v2sf)  }
0xc0: {  	s25 =	sadd.s32 $0x18D, s21;
	[smem:s20] =	sst s22;
	s24 =	spop (v2sf)  }
0xc1: {  	s28 =	sadd.s32 $0x18E, s21;
	[smem:s23] =	sst s24;
	s26 =	spop (v2sf)  }
0xc2: {  	s30 =	sadd.s32 $0x18F, s21;
	[smem:s25] =	sst s26;
	s29 =	spop (v2sf)  }
0xc3: {  	s21 =	simm.s32 $0x208;
	[smem:s28] =	sst s29;
	s31 =	spop (v2sf)  }
0xc4: {  	s20 =	simm.s32 $0x40;
	s22 =	sadd.s32 $0x0, s5;
	[smem:s30] =	sst s31  }
.LBB2_6:
0xc5: {  	[tilespmem:s19], [sflag:$0x1] =	stream.linear.gather [hbm4b:s22+s2], $0x200, $0x38;
	[tilespmem:$0x106A0] =	vst v63  }
0xc6: {  	s22 =	smov.u32 s20;
	s19 =	smov.u32 s21;
	p0 =	sne.s32 s20, $0xFC0  }
.Ltmp4:
0xc7: {  	s20 =	sadd.s32 $0x40, s20;
	(pc) =	sbr.rel @p0 .LBB2_6-.Ltmp4, $2  }
0xc8: {  	_ =	sdelay $0x2  }
0xc9: {  	s21 =	sadd.s32 $0x208, s21;
	s22 =	sadd.s32 s22, s5  }
0xca: {  	[tilespmem:s19], [sflag:$0x1] =	stream.linear.gather [hbm4b:s22+s2], $0x200, $0x38;
	[tilespmem:$0x106A0] =	vst v63  }
0xcb: {  	s19 =	simm.s32 $0x0;
	s20 =	simm.s32 $0x8200;
	s21 =	simm.s32 $0x0  }
.LBB2_8:
0xcc: {  	p0 =	sne.s32 s21, $0xFC0  }
.Ltmp5:
0xcd: {  	_ = 	snop;
	(pc) =	sbr.rel @p0 .LBB2_8-.Ltmp5, $4  }
0xce: {  	_ = 	snop  }
0xcf: {  	s22 =	sadd.s32 s21, s6  }
0xd0: {  	[tilespmem:s20], [sflag:$0x2] =	stream.linear.gather [hbm4b:s22+s19], $0x200, $0x38;
	[tilespmem:$0x106A0] =	vst v63  }
0xd1: {  	s21 =	sadd.s32 $0x40, s21;
	s20 =	sadd.s32 $0x208, s20  }
0xd2: {  	v1 =	vimm.f32 $0.0e+00;
	v2 =	vimm.f32 $0.0e+00  }
.LBB2_10:
0xd3: {  	_ =	swait.ge [sflag:s14], $0x8000  }
0xd4: {  	[sflag:s14] =	ssyncset.done $0x0  }
0xd5: {  	s20 =	simm.s32 $0x0;
	[sflag:s14] =	ssyncadd.s32 $0xFFFF8000  }
.LBB2_11:
0xd6: {  	s26 =	sld [smem:$0x1]  }
0xd7: {  	s21 =	sshll.u32 s20, $0x4;
	s23 =	sld [smem:$0x86]  }
0xd8: {  	v3 =	vmov s21;
	s11 =	sld [smem:$0x0]  }
0xd9: {  	v3 =	vmul.u32 $0x208, v3;
	s24 =	sld [smem:$0x80]  }
0xda: {  	s25 =	sld [smem:$0x87]  }
0xdb: {  	v3 =	vbroadcast v3, $0x0  }
0xdc: {  	v5 =	vmov s23;
	s29 =	sld [smem:$0x7];
	v4 =	vmov s11  }
0xdd: {  	v7 =	vand.u32 $0xFFFFFFF8, v5;
	s28 =	sld [smem:$0x85];
	v3 =	vadd.s32 v0, v3;
	v6 =	vmov s25  }
0xde: {  	v5 =	vand.u32 $0x7, v5;
	v7 =	vadd.s32 v3, v7;
	v8 =	vand.u32 $0x7, v6  }
0xdf: {  	s22 =	sld [smem:$0x2];
	v10 =	vmov s29;
	v6 =	vand.u32 $0xFFFFFFF8, v6;
	v5 =	vor.u32 v5, v7  }
0xe0: {  	s13 =	sld [smem:$0x82];
	v9 =	vmov s28;
	v12 =	vand.u32 $0xFFFFFFF8, v10;
	v6 =	vadd.s32 v3, v6  }
0xe1: {  	s28 =	sld [smem:$0x84];
	v10 =	vand.u32 $0x7, v10;
	v11 =	vand.u32 $0xFFFFFFF8, v9;
	v6 =	vor.u32 v8, v6  }
0xe2: {  	s29 =	sld [smem:$0x83];
	v8 =	vadd.s32 v3, v12;
	v9 =	vand.u32 $0x7, v9;
	v22 =	vmov s22  }
0xe3: {  	s30 =	sld [smem:$0x3];
	v7 =	vadd.s32 v3, v11;
	v11 =	vand.u32 $0xFFFFFFF8, v4;
	v8 =	vor.u32 v10, v8  }
0xe4: {  	v4 =	vand.u32 $0x7, v4;
	v10 =	vmov s24;
	v18 =	vmov s13;
	s23 =	sld [smem:$0x5]  }
0xe5: {  	v7 =	vor.u32 v9, v7;
	v9 =	vadd.s32 v3, v11;
	v21 =	vand.u32 $0xFFFFFFF8, v18;
	s31 =	sld [smem:$0x6]  }
0xe6: {  	v4 =	vor.u32 v4, v9;
	v9 =	vand.u32 $0xFFFFFFF8, v10;
	v16 =	vmov s29;
	s1 =	sld [smem:$0x4]  }
0xe7: {  	v10 =	vand.u32 $0x7, v10;
	v9 =	vadd.s32 v3, v9;
	v17 =	vand.u32 $0xFFFFFFF8, v16;
	s24 =	sld [smem:$0x81]  }
0xe8: {  	v16 =	vand.u32 $0x7, v16;
	v11 =	vmov s23;
	v9 =	vor.u32 v10, v9  }
0xe9: {  	v5 =	vld.idx.msk [tilespmem:v5+s2+$0x0], $0xffff;
	v17 =	vadd.s32 v3, v17;
	v10 =	vand.u32 $0xFFFFFFF8, v11;
	v11 =	vand.u32 $0x7, v11  }
0xea: {  	v6 =	vld.idx.msk [tilespmem:v6+s2+$0x0], $0xffff;
	v13 =	vmov s31;
	v10 =	vadd.s32 v3, v10;
	v12 =	vmov s24  }
0xeb: {  	v8 =	vld.idx.msk [tilespmem:v8+s2+$0x0], $0xffff;
	v14 =	vand.u32 $0xFFFFFFF8, v13;
	v10 =	vor.u32 v11, v10;
	v11 =	vand.u32 $0xFFFFFFF8, v12  }
0xec: {  	v7 =	vld.idx.msk [tilespmem:v7+s2+$0x0], $0xffff;
	v13 =	vand.u32 $0x7, v13;
	v12 =	vand.u32 $0x7, v12;
	v11 =	vadd.s32 v3, v11  }
0xed: {  	v4 =	vld.idx.msk [tilespmem:v4+s2+$0x0], $0xffff;
	s21 =	sld [smem:$0x181];
	v14 =	vadd.s32 v3, v14;
	v11 =	vor.u32 v12, v11;
	v12 =	vmov s26  }
0xee: {  	v16 =	vor.u32 v16, v17;
	s23 =	sld [smem:$0x186];
	v13 =	vor.u32 v13, v14;
	v9 =	vld.idx.msk [tilespmem:v9+s2+$0x0], $0xffff;
	v15 =	vand.u32 $0xFFFFFFF8, v12  }
0xef: {  	v14 =	vmov s30;
	s24 =	sld [smem:$0x183];
	v12 =	vand.u32 $0x7, v12;
	v15 =	vadd.s32 v3, v15  }
0xf0: {  	v20 =	vmov s1;
	s26 =	sld [smem:$0x180];
	v10 =	vld.idx.msk [tilespmem:v10+s2+$0x0], $0xffff;
	v12 =	vor.u32 v12, v15;
	v15 =	vand.u32 $0xFFFFFFF8, v14  }
0xf1: {  	v6 =	vsub.f32 v8, v6;
	s30 =	sld [smem:$0x187];
	v14 =	vand.u32 $0x7, v14;
	v15 =	vadd.s32 v3, v15  }
0xf2: {  	v8 =	vand.u32 $0x7, v18;
	v14 =	vor.u32 v14, v15;
	v15 =	vmov s28  }
0xf3: {  	v18 =	vand.u32 $0x7, v22;
	s31 =	sld [smem:$0x9];
	v4 =	vsub.f32 v4, v9;
	v19 =	vand.u32 $0xFFFFFFF8, v15  }
0xf4: {  	v11 =	vld.idx.msk [tilespmem:v11+s2+$0x0], $0xffff;
	s29 =	sld [smem:$0x8E];
	v6 =	vadd.f32 s30, v6;
	v15 =	vand.u32 $0x7, v15;
	v17 =	vadd.s32 v3, v19  }
0xf5: {  	v13 =	vld.idx.msk [tilespmem:v13+s2+$0x0], $0xffff;
	s0 =	sld [smem:$0x8];
	v19 =	vand.u32 $0xFFFFFFF8, v20;
	v20 =	vand.u32 $0x7, v20;
	v10 =	vsub.f32 v10, v7  }
0xf6: {  	v23 =	vmul.f32 v6, v6;
	v19 =	vadd.s32 v3, v19;
	v15 =	vor.u32 v15, v17  }
0xf7: {  	v6 =	vmov s29;
	v19 =	vor.u32 v20, v19;
	v20 =	vadd.s32 v3, v21  }
0xf8: {  	v21 =	vand.u32 $0xFFFFFFF8, v22;
	v17 =	vmov s0;
	v22 =	vadd.f32 s26, v4  }
0xf9: {  	v12 =	vld.idx.msk [tilespmem:v12+s2+$0x0], $0xffff;
	s11 =	sld [smem:$0x88];
	v4 =	vand.u32 $0xFFFFFFF8, v6;
	v6 =	vand.u32 $0x7, v6;
	v21 =	vadd.s32 v3, v21  }
0xfa: {  	v8 =	vor.u32 v8, v20;
	v20 =	vmov s31;
	v5 =	vsub.f32 v13, v5  }
0xfb: {  	v14 =	vld.idx.msk [tilespmem:v14+s2+$0x0], $0xffff;
	s13 =	sld [smem:$0x8F];
	v13 =	vand.u32 $0x7, v17;
	v28 =	vadd.s32 v3, v4;
	v17 =	vand.u32 $0xFFFFFFF8, v17  }
0xfc: {  	s28 =	sld [smem:$0xF];
	v18 =	vor.u32 v18, v21;
	v7 =	vmov s11;
	v28 =	vor.u32 v6, v28  }
0xfd: {  	v16 =	vld.idx.msk [tilespmem:v16+s2+$0x0], $0xffff;
	v17 =	vadd.s32 v3, v17;
	s30 =	sld [smem:$0x8D];
	v26 =	vand.u32 $0x7, v7;
	v30 =	vadd.f32 s23, v5  }
0xfe: {  	v5 =	vand.u32 $0xFFFFFFF8, v7;
	v58 =	vor.u32 v13, v17;
	s25 =	sld [smem:$0xA];
	v9 =	vmov s13  }
0xff: {  	v11 =	vsub.f32 v12, v11;
	s0 =	sld [smem:$0x8A];
	v21 =	vand.u32 $0x7, v9;
	v24 =	vmov s28  }
0x100: {  	v9 =	vand.u32 $0xFFFFFFF8, v9;
	s11 =	sld [smem:$0x8C];
	v12 =	vmov s30;
	v27 =	vand.u32 $0xFFFFFFF8, v24  }
0x101: {  	v8 =	vld.idx.msk [tilespmem:v8+s2+$0x0], $0xffff;
	v24 =	vand.u32 $0x7, v24;
	v31 =	vadd.s32 v3, v9;
	v32 =	vadd.f32 s21, v11;
	s13 =	sld [smem:$0x8B]  }
0x102: {  	v25 =	vand.u32 $0xFFFFFFF8, v12;
	v14 =	vsub.f32 v14, v16;
	v12 =	vand.u32 $0x7, v12;
	s28 =	sld [smem:$0xB]  }
0x103: {  	v9 =	vmov s25;
	v16 =	vld.idx.msk [tilespmem:v19+s2+$0x0], $0xffff;
	v4 =	vmov s0;
	v25 =	vadd.s32 v3, v25;
	s31 =	sld [smem:$0xD]  }
0x104: {  	v19 =	vmov s11;
	v18 =	vld.idx.msk [tilespmem:v18+s2+$0x0], $0xffff;
	v29 =	vadd.f32 s24, v14;
	v12 =	vor.u32 v12, v25;
	s0 =	sld [smem:$0xE]  }
0x105: {  	v25 =	vadd.s32 v3, v5;
	v63 =	vand.u32 $0xFFFFFFF8, v4;
	v7 =	vand.u32 $0xFFFFFFF8, v19  }
0x106: {  	v14 =	vmov s13;
	v25 =	vor.u32 v26, v25;
	v26 =	vmul.f32 v30, v30;
	s11 =	sld [smem:$0xC]  }
0x107: {  	v11 =	vand.u32 $0x7, v14;
	v6 =	vadd.s32 v3, v7;
	v7 =	vmov s0  }
0x108: {  	v62 =	vmul.f32 v29, v29;
	s13 =	sld [smem:$0x89];
	v33 =	vand.u32 $0xFFFFFFF8, v7;
	v34 =	vand.u32 $0x7, v7  }
0x109: {  	v15 =	vld.idx.msk [tilespmem:v15+s2+$0x0], $0xffff;
	s24 =	sld [smem:$0x185];
	v18 =	vsub.f32 v18, v8;
	v8 =	vand.u32 $0xFFFFFFF8, v14;
	v35 =	vmov s11  }
0x10a: {  	v7 =	vand.u32 $0x7, v19;
	v19 =	vor.u32 v21, v31;
	v21 =	vmov s28  }
0x10b: {  	v14 =	vmov s13;
	v8 =	vadd.s32 v3, v8;
	v59 =	vand.u32 $0x7, v35  }
0x10c: {  	v8 =	vor.u32 v11, v8;
	v11 =	vadd.s32 v3, v27;
	v10 =	vadd.f32 s24, v10  }
0x10d: {  	v27 =	vand.u32 $0xFFFFFFF8, v14;
	v24 =	vor.u32 v24, v11;
	v11 =	vand.u32 $0xFFFFFFF8, v20  }
0x10e: {  	v5 =	vld.idx.msk [tilespmem:v28+s2+$0x0], $0xffff;
	v20 =	vand.u32 $0x7, v20;
	v15 =	vsub.f32 v16, v15;
	v11 =	vadd.s32 v3, v11  }
0x10f: {  	v10 =	vmul.f32 v10, v10;
	v13 =	vld.idx.msk [tilespmem:v19+s2+$0x0], $0xffff;
	v11 =	vor.u32 v20, v11;
	s26 =	sld [smem:$0x184];
	v19 =	vadd.s32 v3, v27  }
0x110: {  	v20 =	vand.u32 $0x7, v14;
	v14 =	vmov s31;
	v27 =	vand.u32 $0x7, v21;
	s31 =	sld [smem:$0x182]  }
0x111: {  	v21 =	vand.u32 $0xFFFFFFF8, v21;
	v16 =	vand.u32 $0xFFFFFFF8, v14;
	v20 =	vor.u32 v20, v19  }
0x112: {  	v16 =	vadd.s32 v3, v16;
	v17 =	vld.idx.msk [tilespmem:v24+s2+$0x0], $0xffff;
	v24 =	vand.u32 $0x7, v14;
	v15 =	vadd.f32 s26, v15  }
0x113: {  	v14 =	vld.idx.msk [tilespmem:v12+s2+$0x0], $0xffff;
	v12 =	vor.u32 v24, v16;
	v24 =	vand.u32 $0xFFFFFFF8, v35;
	v60 =	vadd.f32 s31, v18  }
0x114: {  	v16 =	vld.idx.msk [tilespmem:v58+s2+$0x0], $0xffff;
	s25 =	sld [smem:$0x189];
	v18 =	vadd.s32 v3, v21;
	v21 =	vadd.s32 v3, v33;
	v61 =	vmul.f32 v15, v15  }
0x115: {  	s28 =	sld [smem:$0x18E];
	v15 =	vadd.s32 v3, v24;
	v21 =	vor.u32 v34, v21;
	v24 =	vmul.f32 v32, v32  }
0x116: {  	v18 =	vor.u32 v27, v18;
	v19 =	vld.idx.msk [tilespmem:v25+s2+$0x0], $0xffff;
	v27 =	vmul.f32 v22, v22;
	v25 =	vmul.f32 v60, v60;
	s26 =	sld [smem:$0x18B]  }
0x117: {  	s22 =	simm.s32 $0x8;
	s23 =	simm.s32 $0x18C;
	v23 =	vadd.f32 v23, v26;
	v15 =	vor.u32 v59, v15;
	s29 =	sld [smem:$0x188];
	v22 =	vadd.f32 v10, v61  }
0x118: {  	s21 =	simm.s32 $0x18C;
	s24 =	simm.s32 $0x90;
	v10 =	vadd.s32 v3, v63;
	v24 =	vadd.f32 v24, v27;
	v25 =	vadd.f32 v62, v25;
	v12 =	vld.idx.msk [tilespmem:v12+s2+$0x0], $0xffff;
	s30 =	sld [smem:$0x18F]  }
.LBB2_12:
0x119: {  	s1 =	sld [smem:s24+$0xFFFFFF81];
	s22 =	sadd.s32 $0x8, s22;
	v20 =	vld.idx.msk [tilespmem:v20+s2+$0x0], $0xffff;
	v26 =	vand.u32 $0xFFFFFFF8, v9;
	v13 =	vsub.f32 v17, v13;
	s23 =	sadd.s32 $0x8, s23;
	v17 =	vadd.f32 v23, v22  }
0x11a: {  	v9 =	vand.u32 $0x7, v9;
	s31 =	sld [smem:s24+$0x6];
	p0 =	slt.u32 s22, $0x78;
	v22 =	vadd.s32 v3, v26;
	v21 =	vld.idx.msk [tilespmem:v21+s2+$0x0], $0xffff;
	v23 =	vadd.f32 v25, v24  }
0x11b: {  	v7 =	vor.u32 v7, v6;
	s0 =	sld [smem:s24+$0xFFFFFF80];
	v11 =	vld.idx.msk [tilespmem:v11+s2+$0x0], $0xffff;
	v9 =	vor.u32 v9, v22;
	v6 =	vadd.f32 s30, v13  }
0x11c: {  	v4 =	vand.u32 $0x7, v4;
	v13 =	vsub.f32 v16, v19;
	s30 =	sld [smem:s24+$0x0];
	v16 =	vld.idx.msk [tilespmem:v18+s2+$0x0], $0xffff;
	v17 =	vadd.f32 v17, v23  }
0x11d: {  	v4 =	vor.u32 v4, v10;
	s11 =	sld [smem:s24+$0x7]  }
0x11e: {  	v14 =	vsub.f32 v12, v14;
	v18 =	vmov s0;
	s0 =	sld [smem:s24+$0xFFFFFF87];
	v8 =	vld.idx.msk [tilespmem:v8+s2+$0x0], $0xffff;
	v2 =	vadd.f32 v17, v2  }
0x11f: {  	v19 =	vmov s1;
	v10 =	vmul.f32 v6, v6;
	v17 =	vmov s30;
	s1 =	sld [smem:s24+$0x5]  }
0x120: {  	v6 =	vmov s31;
	v12 =	vadd.f32 s29, v13;
	s30 =	sld [smem:s24+$0xFFFFFF82];
	v22 =	vmov s11  }
0x121: {  	v13 =	vand.u32 $0xFFFFFFF8, v6;
	v11 =	vsub.f32 v11, v20;
	s11 =	sld [smem:s24+$0x2];
	v23 =	vand.u32 $0x7, v22  }
0x122: {  	v24 =	vmov s0;
	s29 =	sld [smem:s24+$0x4];
	v20 =	vmov s1;
	v25 =	vld.idx.msk [tilespmem:v4+s2+$0x0], $0xffff;
	v4 =	vsub.f32 v21, v5  }
0x123: {  	v22 =	vand.u32 $0xFFFFFFF8, v22;
	v21 =	vand.u32 $0x7, v18;
	s0 =	sld [smem:s24+$0x3];
	v5 =	vand.u32 $0xFFFFFFF8, v20  }
0x124: {  	v26 =	vand.u32 $0x7, v17;
	v27 =	vand.u32 $0xFFFFFFF8, v24;
	v8 =	vsub.f32 v16, v8;
	s1 =	sld [smem:s24+$0xFFFFFF83];
	v15 =	vld.idx.msk [tilespmem:v15+s2+$0x0], $0xffff  }
0x125: {  	v13 =	vadd.s32 v3, v13;
	v24 =	vand.u32 $0x7, v24;
	v16 =	vmov s29;
	s29 =	sld [smem:s24+$0xFFFFFF85];
	v9 =	vld.idx.msk [tilespmem:v9+s2+$0x0], $0xffff  }
0x126: {  	v6 =	vand.u32 $0x7, v6;
	v29 =	vadd.f32 s28, v4;
	v28 =	vadd.f32 s26, v8  }
0x127: {  	v17 =	vand.u32 $0xFFFFFFF8, v17;
	v4 =	vmov s11;
	v8 =	vand.u32 $0xFFFFFFF8, v16;
	s11 =	sld [smem:s24+$0xFFFFFF86]  }
0x128: {  	v22 =	vadd.s32 v3, v22;
	v31 =	vadd.f32 s25, v11;
	v30 =	vmov s0  }
0x129: {  	v13 =	vor.u32 v6, v13;
	v5 =	vadd.s32 v3, v5;
	v11 =	vand.u32 $0x7, v30;
	s0 =	sld [smem:s24+$0xFFFFFF84]  }
0x12a: {  	v6 =	vadd.s32 v3, v8;
	v8 =	vand.u32 $0x7, v20;
	s25 =	sld [smem:s24+$0x1];
	v20 =	vmov s11  }
0x12b: {  	v32 =	vand.u32 $0xFFFFFFF8, v20;
	v33 =	vand.u32 $0x7, v20;
	v20 =	vsub.f32 v9, v25;
	v25 =	vld.idx.msk [tilespmem:v7+s2+$0x0], $0xffff  }
0x12c: {  	v30 =	vand.u32 $0xFFFFFFF8, v30;
	v7 =	vand.u32 $0x7, v16;
	v34 =	vmov s0;
	s0 =	sld [smem:s21+$0x1]  }
0x12d: {  	v22 =	vor.u32 v23, v22;
	v9 =	vmov s30;
	v16 =	vmov s25  }
0x12e: {  	v23 =	vmov s1;
	v30 =	vadd.s32 v3, v30;
	v35 =	vor.u32 v8, v5;
	v5 =	vld.idx.msk [tilespmem:v13+s2+$0x0], $0xffff  }
0x12f: {  	v8 =	vor.u32 v11, v30;
	v13 =	vadd.s32 v3, v27;
	v14 =	vadd.f32 s0, v14  }
0x130: {  	v17 =	vadd.s32 v3, v17;
	v11 =	vand.u32 $0xFFFFFFF8, v19;
	v27 =	vand.u32 $0xFFFFFFF8, v16  }
0x131: {  	v19 =	vand.u32 $0x7, v19;
	v11 =	vadd.s32 v3, v11;
	v15 =	vsub.f32 v15, v25  }
0x132: {  	v18 =	vand.u32 $0xFFFFFFF8, v18;
	v11 =	vor.u32 v19, v11;
	v25 =	vmul.f32 v14, v14  }
0x133: {  	v19 =	vor.u32 v24, v13;
	v14 =	vadd.s32 v3, v18;
	v18 =	vadd.s32 v3, v27  }
0x134: {  	v21 =	vor.u32 v21, v14;
	v14 =	vand.u32 $0x7, v16;
	v16 =	vmov s29;
	v13 =	vld.idx.msk [tilespmem:v22+s2+$0x0], $0xffff;
	s0 =	sld [smem:s21+$0x0]  }
0x135: {  	v24 =	vand.u32 $0xFFFFFFF8, v16;
	v16 =	vand.u32 $0x7, v16;
	v22 =	vand.u32 $0x7, v23;
	s1 =	sld [smem:s21+$0xFFFFFFFE];
	s21 =	smov.u32 s23  }
0x136: {  	v27 =	vmul.f32 v29, v29;
	v23 =	vand.u32 $0xFFFFFFF8, v23;
	v24 =	vadd.s32 v3, v24  }
0x137: {  	v26 =	vor.u32 v26, v17;
	v24 =	vor.u32 v16, v24;
	v15 =	vadd.f32 s0, v15  }
0x138: {  	v30 =	vand.u32 $0x7, v34;
	v29 =	vand.u32 $0xFFFFFFF8, v34;
	v17 =	vld.idx.msk [tilespmem:v19+s2+$0x0], $0xffff;
	v19 =	vadd.f32 s1, v20  }
0x139: {  	v20 =	vor.u32 v14, v18;
	v18 =	vadd.s32 v3, v23;
	v14 =	vld.idx.msk [tilespmem:v35+s2+$0x0], $0xffff;
	v23 =	vmul.f32 v15, v15  }
.Ltmp6:
0x13a: {  	v18 =	vor.u32 v22, v18;
	v15 =	vadd.s32 v3, v29;
	v16 =	vld.idx.msk [tilespmem:v21+s2+$0x0], $0xffff;
	s25 =	sld [smem:s23+$0xFFFFFFFD];
	v21 =	vadd.s32 v3, v32;
	(pc) =	sbr.rel @p0 .LBB2_12-.Ltmp6, $4  }
0x13b: {  	v29 =	vmul.f32 v31, v31;
	v31 =	vmul.f32 v19, v19;
	v21 =	vor.u32 v33, v21;
	s28 =	sld [smem:s23+$0x2]  }
0x13c: {  	v28 =	vmul.f32 v28, v28;
	v15 =	vor.u32 v30, v15;
	v19 =	vld.idx.msk [tilespmem:v26+s2+$0x0], $0xffff;
	s26 =	sld [smem:s23+$0xFFFFFFFF];
	v26 =	vmul.f32 v12, v12  }
0x13d: {  	v30 =	vand.u32 $0xFFFFFFF8, v4;
	v22 =	vadd.f32 v25, v23;
	v23 =	vadd.f32 v10, v27;
	s29 =	sld [smem:s23+$0xFFFFFFFC];
	v12 =	vld.idx.msk [tilespmem:v24+s2+$0x0], $0xffff  }
0x13e: {  	s24 =	sadd.s32 $0x8, s24;
	v10 =	vadd.s32 v3, v30;
	v25 =	vadd.f32 v28, v31;
	s30 =	sld [smem:s23+$0x3];
	v24 =	vadd.f32 v29, v26  }
0x13f: {  	_ =	sdelay $0x3  }
0x140: {  	v4 =	vand.u32 $0x7, v4;
	v20 =	vld.idx.msk [tilespmem:v20+s2+$0x0], $0xffff  }
0x141: {  	v21 =	vld.idx.msk [tilespmem:v21+s2+$0x0], $0xffff;
	v6 =	vor.u32 v7, v6;
	v4 =	vor.u32 v4, v10;
	v10 =	vand.u32 $0xFFFFFFF8, v9  }
0x142: {  	v11 =	vld.idx.msk [tilespmem:v11+s2+$0x0], $0xffff;
	v9 =	vand.u32 $0x7, v9;
	v10 =	vadd.s32 v3, v10  }
0x143: {  	v8 =	vld.idx.msk [tilespmem:v8+s2+$0x0], $0xffff;
	v7 =	vor.u32 v9, v10  }
0x144: {  	v9 =	vld.idx.msk [tilespmem:v18+s2+$0x0], $0xffff  }
0x145: {  	v16 =	vsub.f32 v16, v19;
	v10 =	vsub.f32 v17, v13;
	v13 =	vld.idx.msk [tilespmem:v15+s2+$0x0], $0xffff  }
0x146: {  	v15 =	vadd.f32 v23, v22;
	v17 =	vadd.f32 v25, v24;
	v6 =	vld.idx.msk [tilespmem:v6+s2+$0x0], $0xffff  }
0x147: {  	v12 =	vsub.f32 v12, v14;
	v14 =	vadd.f32 s29, v16;
	v4 =	vld.idx.msk [tilespmem:v4+s2+$0x0], $0xffff  }
0x148: {  	v10 =	vadd.f32 s30, v10;
	v5 =	vsub.f32 v21, v5;
	v7 =	vld.idx.msk [tilespmem:v7+s2+$0x0], $0xffff  }
0x149: {  	s0 =	sld [smem:s21+$0x1];
	v15 =	vadd.f32 v15, v17;
	v11 =	vsub.f32 v11, v20  }
0x14a: {  	s1 =	sld [smem:s21+$0x0];
	v5 =	vadd.f32 s28, v5;
	v8 =	vsub.f32 v9, v8  }
0x14b: {  	s11 =	sld [smem:s21+$0xFFFFFFFE];
	v2 =	vadd.f32 v15, v2;
	v9 =	vmul.f32 v10, v10;
	v10 =	vadd.f32 s25, v11  }
0x14c: {  	s22 =	sld [smem:$0x101];
	v6 =	vsub.f32 v13, v6;
	v8 =	vadd.f32 s26, v8  }
0x14d: {  	v4 =	vsub.f32 v7, v4;
	v7 =	vadd.f32 s0, v12;
	s0 =	sld [smem:$0x204]  }
0x14e: {  	v11 =	vmul.f32 v14, v14;
	v5 =	vmul.f32 v5, v5;
	v6 =	vadd.f32 s1, v6;
	s31 =	sld [smem:$0x107]  }
0x14f: {  	v10 =	vmul.f32 v10, v10;
	v8 =	vmul.f32 v8, v8;
	v4 =	vadd.f32 s11, v4;
	s13 =	sld [smem:$0x106]  }
0x150: {  	v5 =	vadd.f32 v9, v5;
	v6 =	vmul.f32 v6, v6;
	v7 =	vmul.f32 v7, v7;
	s23 =	sld [smem:$0x105]  }
0x151: {  	v10 =	vadd.f32 v10, v11;
	v4 =	vmul.f32 v4, v4;
	v12 =	vmov s31  }
0x152: {  	v6 =	vadd.f32 v7, v6;
	s21 =	sld [smem:$0x100];
	v7 =	vand.u32 $0xFFFFFFF8, v12;
	v12 =	vand.u32 $0x7, v12  }
0x153: {  	s25 =	sld [smem:$0x102];
	v13 =	vmov s23;
	v7 =	vadd.s32 v3, v7;
	v4 =	vadd.f32 v8, v4  }
0x154: {  	s26 =	sld [smem:$0x104];
	v8 =	vmov s22;
	v5 =	vadd.f32 v5, v6;
	v9 =	vand.u32 $0xFFFFFFF8, v13  }
0x155: {  	v7 =	vor.u32 v12, v7;
	v11 =	vand.u32 $0x7, v13;
	v9 =	vadd.s32 v3, v9  }
0x156: {  	v6 =	vand.u32 $0xFFFFFFF8, v8;
	v8 =	vand.u32 $0x7, v8;
	v9 =	vor.u32 v11, v9  }
0x157: {  	s28 =	sld [smem:$0x103];
	v6 =	vadd.s32 v3, v6;
	v4 =	vadd.f32 v4, v10;
	v11 =	vmov s26  }
0x158: {  	s29 =	sld [smem:$0x202];
	v10 =	vmov s13;
	v6 =	vor.u32 v8, v6;
	v12 =	vand.u32 $0xFFFFFFF8, v11  }
0x159: {  	s24 =	sld [smem:$0x201];
	v11 =	vand.u32 $0x7, v11;
	v4 =	vadd.f32 v5, v4;
	v8 =	vadd.s32 v3, v12  }
0x15a: {  	v5 =	vand.u32 $0x7, v10;
	v7 =	vld.idx.msk [tilespmem:v7+s2+$0x0], $0xffff;
	v8 =	vor.u32 v11, v8;
	s30 =	sld [smem:$0x206];
	v11 =	vand.u32 $0xFFFFFFF8, v10  }
0x15b: {  	v15 =	vmov s29;
	v2 =	vadd.f32 v4, v2;
	v10 =	vadd.s32 v3, v11;
	v9 =	vld.idx.msk [tilespmem:v9+s2+$0x0], $0xffff;
	s31 =	sld [smem:$0x207]  }
0x15c: {  	v4 =	vmov s28;
	v14 =	vmov s24;
	v5 =	vor.u32 v5, v10;
	s13 =	sld [smem:$0x205]  }
0x15d: {  	v11 =	vmov s0;
	v13 =	vand.u32 $0xFFFFFFF8, v4;
	v10 =	vmov s25  }
0x15e: {  	v4 =	vand.u32 $0x7, v4;
	v6 =	vld.idx.msk [tilespmem:v6+s2+$0x0], $0xffff;
	v12 =	vand.u32 $0x7, v10;
	v16 =	vmov s31  }
0x15f: {  	v10 =	vand.u32 $0xFFFFFFF8, v10;
	v8 =	vld.idx.msk [tilespmem:v8+s2+$0x0], $0xffff;
	s25 =	sld [smem:$0x203];
	v17 =	vmov s13;
	v7 =	vsub.f32 v7, v16  }
0x160: {  	v13 =	vadd.s32 v3, v13;
	v10 =	vadd.s32 v3, v10;
	s26 =	sld [smem:$0x200];
	v9 =	vsub.f32 v9, v17  }
0x161: {  	v4 =	vor.u32 v4, v13;
	v10 =	vor.u32 v12, v10;
	v5 =	vld.idx.msk [tilespmem:v5+s2+$0x0], $0xffff;
	s28 =	sld [smem:$0x109];
	v7 =	vmax.f32 v7, $0.0e+00  }
0x162: {  	v16 =	vmov s30;
	v12 =	vmul.f32 v7, v7;
	v7 =	vmax.f32 v9, $0.0e+00  }
0x163: {  	v6 =	vsub.f32 v6, v14;
	s29 =	sld [smem:$0x20C];
	v13 =	vmov s26;
	v9 =	vmul.f32 v7, v7  }
0x164: {  	s30 =	sld [smem:$0x10F];
	v7 =	vsub.f32 v8, v11;
	v8 =	vmov s21;
	v17 =	vmov s28  }
0x165: {  	v11 =	vmov s25;
	s31 =	sld [smem:$0x10E];
	v6 =	vmax.f32 v6, $0.0e+00;
	v18 =	vand.u32 $0xFFFFFFF8, v17  }
0x166: {  	v19 =	vmov s29;
	v56 =	vmul.f32 v6, v6;
	v14 =	vmax.f32 v7, $0.0e+00  }
0x167: {  	s13 =	sld [smem:$0x10D];
	v7 =	vand.u32 $0xFFFFFFF8, v8;
	v8 =	vand.u32 $0x7, v8;
	v18 =	vadd.s32 v3, v18  }
0x168: {  	v5 =	vsub.f32 v5, v16;
	v7 =	vadd.s32 v3, v7;
	v53 =	vmov s31  }
0x169: {  	v14 =	vmul.f32 v14, v14;
	v7 =	vor.u32 v8, v7;
	v8 =	vmov s30  }
0x16a: {  	v10 =	vld.idx.msk [tilespmem:v10+s2+$0x0], $0xffff;
	s21 =	sld [smem:$0x108];
	v52 =	vmov s13;
	v6 =	vand.u32 $0x7, v53;
	v51 =	vand.u32 $0xFFFFFFF8, v8  }
0x16b: {  	v4 =	vld.idx.msk [tilespmem:v4+s2+$0x0], $0xffff;
	s23 =	sld [smem:$0x10A];
	v8 =	vand.u32 $0x7, v8;
	v54 =	vand.u32 $0xFFFFFFF8, v52;
	v20 =	vadd.s32 v3, v51  }
0x16c: {  	s24 =	sld [smem:$0x10C];
	v16 =	vand.u32 $0x7, v52;
	v55 =	vadd.s32 v3, v54;
	v8 =	vor.u32 v8, v20  }
0x16d: {  	v5 =	vmax.f32 v5, $0.0e+00;
	v22 =	vand.u32 $0xFFFFFFF8, v53;
	v16 =	vor.u32 v16, v55  }
0x16e: {  	s25 =	sld [smem:$0x10B];
	v61 =	vmul.f32 v5, v5;
	v9 =	vadd.f32 v9, v14;
	v57 =	vmov s23  }
0x16f: {  	s26 =	sld [smem:$0x20A];
	v10 =	vsub.f32 v10, v15;
	v15 =	vld.idx.msk [tilespmem:v7+s2+$0x0], $0xffff;
	v7 =	vand.u32 $0x7, v17;
	v17 =	vmov s24  }
0x170: {  	v4 =	vsub.f32 v4, v11;
	v59 =	vand.u32 $0x7, v57;
	s28 =	sld [smem:$0x209];
	v58 =	vand.u32 $0xFFFFFFF8, v17  }
0x171: {  	v17 =	vand.u32 $0x7, v17;
	v18 =	vor.u32 v7, v18;
	v7 =	vadd.s32 v3, v58;
	v11 =	vld.idx.msk [tilespmem:v8+s2+$0x0], $0xffff;
	s29 =	sld [smem:$0x20E]  }
0x172: {  	v10 =	vmax.f32 v10, $0.0e+00;
	v5 =	vmov s26;
	v17 =	vor.u32 v17, v7;
	v16 =	vld.idx.msk [tilespmem:v16+s2+$0x0], $0xffff;
	s30 =	sld [smem:$0x20F]  }
0x173: {  	v4 =	vmax.f32 v4, $0.0e+00;
	v8 =	vmov s25;
	v26 =	vmov s28  }
0x174: {  	v7 =	vand.u32 $0xFFFFFFF8, v8;
	v60 =	vand.u32 $0x7, v8;
	v8 =	vmul.f32 v10, v10;
	s31 =	sld [smem:$0x20D]  }
0x175: {  	v10 =	vadd.s32 v3, v22;
	v27 =	vadd.s32 v3, v7;
	v62 =	vmov s30  }
0x176: {  	v13 =	vsub.f32 v15, v13;
	v63 =	vor.u32 v6, v10;
	v15 =	vld.idx.msk [tilespmem:v18+s2+$0x0], $0xffff;
	v11 =	vsub.f32 v11, v62  }
0x177: {  	v10 =	vmul.f32 v4, v4;
	v7 =	vmov s29;
	v18 =	vmov s31;
	v17 =	vld.idx.msk [tilespmem:v17+s2+$0x0], $0xffff  }
0x178: {  	v6 =	vsub.f32 v16, v18;
	v4 =	vmax.f32 v11, $0.0e+00;
	v11 =	vmax.f32 v13, $0.0e+00  }
0x179: {  	v13 =	vand.u32 $0xFFFFFFF8, v57;
	v4 =	vmul.f32 v4, v4;
	v11 =	vmul.f32 v11, v11  }
0x17a: {  	s26 =	sld [smem:$0x20B];
	v14 =	vadd.s32 v3, v13;
	v6 =	vmax.f32 v6, $0.0e+00;
	v13 =	vadd.f32 v12, v61  }
0x17b: {  	s25 =	sld [smem:$0x208];
	v12 =	vsub.f32 v15, v26;
	v15 =	vor.u32 v60, v27;
	v6 =	vmul.f32 v6, v6  }
0x17c: {  	s22 =	simm.s32 $0x8;
	s23 =	simm.s32 $0x20F;
	s24 =	simm.s32 $0x117;
	v16 =	vor.u32 v59, v14;
	v14 =	vld.idx.msk [tilespmem:v63+s2+$0x0], $0xffff;
	v11 =	vadd.f32 v56, v11;
	v17 =	vsub.f32 v17, v19  }
.LBB2_14:
0x17d: {  	s0 =	sld [smem:s24+$0xFFFFFFFA];
	s22 =	sadd.s32 $0x8, s22;
	v18 =	vmov s21;
	v19 =	vmov s26;
	s23 =	sadd.s32 $0x8, s23;
	v8 =	vadd.f32 v10, v8  }
0x17e: {  	s1 =	sld [smem:s23+$0xFFFFFFFD];
	p0 =	slt.u32 s22, $0x78;
	v10 =	vmov s25;
	v17 =	vmax.f32 v17, $0.0e+00  }
0x17f: {  	v9 =	vadd.f32 v13, v9;
	v20 =	vand.u32 $0xFFFFFFF8, v18;
	v18 =	vand.u32 $0x7, v18;
	s11 =	sld [smem:s24+$0x0]  }
0x180: {  	v20 =	vadd.s32 v3, v20;
	v8 =	vadd.f32 v8, v11;
	v13 =	vmov s0;
	s0 =	sld [smem:s24+$0xFFFFFFFF]  }
0x181: {  	v18 =	vor.u32 v18, v20;
	v11 =	vand.u32 $0xFFFFFFF8, v13;
	v21 =	vmov s1;
	s1 =	sld [smem:s24+$0xFFFFFFFE];
	v16 =	vld.idx.msk [tilespmem:v16+s2+$0x0], $0xffff  }
0x182: {  	v12 =	vmax.f32 v12, $0.0e+00;
	v8 =	vadd.f32 v9, v8;
	s21 =	sld [smem:s24+$0xFFFFFFF9];
	v11 =	vadd.s32 v3, v11;
	v15 =	vld.idx.msk [tilespmem:v15+s2+$0x0], $0xffff  }
0x183: {  	v7 =	vsub.f32 v14, v7;
	v20 =	vmov s11;
	s25 =	sld [smem:s24+$0xFFFFFFFB];
	v9 =	vmov s0  }
0x184: {  	v14 =	vand.u32 $0xFFFFFFF8, v20;
	v20 =	vand.u32 $0x7, v20;
	v1 =	vadd.f32 v8, v1  }
0x185: {  	v22 =	vmul.f32 v12, v12;
	v8 =	vmov s1;
	v14 =	vadd.s32 v3, v14  }
0x186: {  	v23 =	vand.u32 $0x7, v9;
	v12 =	vand.u32 $0xFFFFFFF8, v8;
	v14 =	vor.u32 v20, v14;
	s0 =	sld [smem:s24+$0xFFFFFFFD]  }
0x187: {  	v7 =	vmax.f32 v7, $0.0e+00;
	v8 =	vand.u32 $0x7, v8;
	v12 =	vadd.s32 v3, v12  }
0x188: {  	v20 =	vmov s25;
	v5 =	vsub.f32 v16, v5;
	v8 =	vor.u32 v8, v12;
	s1 =	sld [smem:s24+$0xFFFFFFFC]  }
0x189: {  	v9 =	vand.u32 $0xFFFFFFF8, v9;
	v12 =	vand.u32 $0x7, v13;
	v13 =	vmov s0  }
0x18a: {  	v15 =	vsub.f32 v15, v19;
	s0 =	sld [smem:s23+$0xFFFFFFFB];
	v16 =	vand.u32 $0xFFFFFFF8, v13;
	v13 =	vand.u32 $0x7, v13;
	v18 =	vld.idx.msk [tilespmem:v18+s2+$0x0], $0xffff  }
0x18b: {  	v19 =	vand.u32 $0x7, v20;
	v11 =	vor.u32 v12, v11;
	s11 =	sld [smem:s23+$0xFFFFFFFA];
	v12 =	vadd.s32 v3, v16;
	v14 =	vld.idx.msk [tilespmem:v14+s2+$0x0], $0xffff  }
0x18c: {  	v16 =	vmov s1;
	v12 =	vor.u32 v13, v12;
	s1 =	sld [smem:s23+$0xFFFFFFFF];
	v13 =	vmax.f32 v5, $0.0e+00  }
0x18d: {  	v26 =	vmul.f32 v7, v7;
	v24 =	vand.u32 $0xFFFFFFF8, v16;
	v25 =	vand.u32 $0x7, v16;
	v16 =	vld.idx.msk [tilespmem:v8+s2+$0x0], $0xffff;
	s25 =	sld [smem:s23+$0x0]  }
0x18e: {  	v5 =	vmov s0;
	v24 =	vadd.s32 v3, v24;
	v27 =	vmov s11;
	s0 =	sld [smem:s23+$0xFFFFFFFE]  }
0x18f: {  	v8 =	vmul.f32 v13, v13;
	v13 =	vmul.f32 v17, v17;
	v7 =	vmov s1  }
0x190: {  	v9 =	vadd.s32 v3, v9;
	v18 =	vsub.f32 v18, v10;
	v11 =	vld.idx.msk [tilespmem:v11+s2+$0x0], $0xffff;
	v17 =	vmov s25  }
0x191: {  	v10 =	vmax.f32 v15, $0.0e+00;
	v28 =	vld.idx.msk [tilespmem:v12+s2+$0x0], $0xffff;
	v12 =	vmov s0;
	v14 =	vsub.f32 v14, v17  }
0x192: {  	v23 =	vor.u32 v23, v9;
	v9 =	vadd.f32 v6, v13;
	v10 =	vmul.f32 v10, v10  }
.Ltmp7:
0x193: {  	v13 =	vmax.f32 v18, $0.0e+00;
	v6 =	vsub.f32 v16, v12;
	v12 =	vmax.f32 v14, $0.0e+00;
	(pc) =	sbr.rel @p0 .LBB2_14-.Ltmp7, $4  }
0x194: {  	v16 =	vmul.f32 v13, v13;
	v14 =	vand.u32 $0xFFFFFFF8, v20;
	v15 =	vmul.f32 v12, v12  }
0x195: {  	v13 =	vadd.f32 v4, v26;
	v14 =	vadd.s32 v3, v14;
	v6 =	vmax.f32 v6, $0.0e+00;
	s26 =	sld [smem:s23+$0xFFFFFFFC]  }
0x196: {  	v12 =	vsub.f32 v11, v27;
	v6 =	vmul.f32 v6, v6;
	v11 =	vadd.f32 v22, v16;
	s25 =	sld [smem:s23+$0xFFFFFFF9];
	v4 =	vmovc v15  }
0x197: {  	s24 =	sadd.s32 $0x8, s24;
	v16 =	vor.u32 v19, v14;
	v15 =	vor.u32 v25, v24;
	v17 =	vsub.f32 v28, v21;
	v14 =	vld.idx.msk [tilespmem:v23+s2+$0x0], $0xffff  }
0x198: {  	v18 =	vmov s21  }
0x199: {  	v19 =	vand.u32 $0xFFFFFFF8, v18  }
0x19a: {  	v18 =	vand.u32 $0x7, v18;
	v3 =	vadd.s32 v3, v19  }
0x19b: {  	v3 =	vor.u32 v18, v3;
	_ =	sdelay $0x2  }
0x19c: {  	v16 =	vld.idx.msk [tilespmem:v16+s2+$0x0], $0xffff  }
0x19d: {  	v15 =	vld.idx.msk [tilespmem:v15+s2+$0x0], $0xffff  }
0x19e: {  	v3 =	vld.idx.msk [tilespmem:v3+s2+$0x0], $0xffff;
	_ =	sdelay $0x1  }
0x19f: {  	v57 =	vmov s26;
	v8 =	vadd.f32 v10, v8;
	v12 =	vmax.f32 v12, $0.0e+00  }
0x1a0: {  	v9 =	vadd.f32 v13, v9;
	v58 =	vmov s25;
	v7 =	vsub.f32 v14, v7  }
0x1a1: {  	v59 =	vmax.f32 v17, $0.0e+00;
	v12 =	vmul.f32 v12, v12;
	v5 =	vsub.f32 v16, v5  }
0x1a2: {  	v15 =	vsub.f32 v15, v57;
	v7 =	vmax.f32 v7, $0.0e+00;
	v3 =	vsub.f32 v3, v58  }
0x1a3: {  	v60 =	vmul.f32 v59, v59;
	v5 =	vmax.f32 v5, $0.0e+00;
	v7 =	vmul.f32 v7, v7  }
0x1a4: {  	v61 =	vmax.f32 v15, $0.0e+00;
	v5 =	vmul.f32 v5, v5;
	v3 =	vmax.f32 v3, $0.0e+00  }
0x1a5: {  	v8 =	vadd.f32 v8, v11;
	v62 =	vmul.f32 v61, v61;
	v3 =	vmul.f32 v3, v3  }
0x1a6: {  	v6 =	vadd.f32 v6, v60;
	v4 =	vadd.f32 v4, v7  }
0x1a7: {  	s20 =	sadd.s32 $0x1, s20;
	v5 =	vadd.f32 v62, v5;
	v3 =	vadd.f32 v12, v3  }
0x1a8: {  	p0 =	sne.s32 s20, $0x4;
	v63 =	vadd.f32 v9, v8  }
.Ltmp8:
0x1a9: {  	v4 =	vadd.f32 v4, v6;
	v3 =	vadd.f32 v5, v3;
	(pc) =	sbr.rel @p0 .LBB2_11-.Ltmp8, $3  }
0x1aa: {  	_ = 	snop  }
0x1ab: {  	v1 =	vadd.f32 v63, v1;
	v3 =	vadd.f32 v4, v3;
	_ =	sdelay $0x1  }
0x1ac: {  	v1 =	vadd.f32 v3, v1  }
0x1ad: {  	p0 =	seq.s32 s19, $0x7  }
.Ltmp9:
0x1ae: {  	_ = 	snop;
	(pc) =	sbr.rel @p0 .LBB2_20-.Ltmp9, $2  }
0x1af: {  	_ =	sdelay $0x2  }
0x1b0: {  	s20 =	sshll.u32 s19, $0xD  }
0x1b1: {  	s21 =	sadd.s32 s20, s7;
	s22 =	simm.s32 $0x0  }
0x1b2: {  	s23 =	simm.s32 $0x40;
	s24 =	simm.s32 $0x208;
	s25 =	sadd.s32 $0x0, s21  }
.LBB2_18:
0x1b3: {  	[tilespmem:s22], [sflag:$0x1] =	stream.linear.gather [hbm4b:s25+s2], $0x200, $0x38;
	[tilespmem:$0x106A0] =	vst v63  }
0x1b4: {  	s0 =	smov.u32 s23;
	s22 =	smov.u32 s24;
	p1 =	sne.s32 s23, $0xFC0  }
.Ltmp10:
0x1b5: {  	s23 =	sadd.s32 $0x40, s23;
	(pc) =	sbr.rel @p1 .LBB2_18-.Ltmp10, $2  }
0x1b6: {  	_ =	sdelay $0x2  }
0x1b7: {  	s24 =	sadd.s32 $0x208, s24;
	s25 =	sadd.s32 s0, s21  }
0x1b8: {  	[tilespmem:s22], [sflag:$0x1] =	stream.linear.gather [hbm4b:s25+s2], $0x200, $0x38;
	[tilespmem:$0x106A0] =	vst v63  }
.LBB2_20:
0x1b9: {  	_ =	swait.ge [sflag:s15], $0x8000  }
0x1ba: {  	[sflag:s15] =	ssyncset.done $0x0  }
0x1bb: {  	s21 =	simm.s32 $0x0;
	[sflag:s15] =	ssyncadd.s32 $0xFFFF8000  }
.LBB2_21:
0x1bc: {  	s28 =	sld [smem:$0x1]  }
0x1bd: {  	s0 =	sshll.u32 s21, $0x4;
	s1 =	sld [smem:$0x86]  }
0x1be: {  	v3 =	vmov s0;
	s23 =	sld [smem:$0x0]  }
0x1bf: {  	v3 =	vmul.u32 $0x208, v3;
	s11 =	sld [smem:$0x80]  }
0x1c0: {  	s22 =	sld [smem:$0x87]  }
0x1c1: {  	v3 =	vbroadcast v3, $0x0  }
0x1c2: {  	v5 =	vmov s1;
	s24 =	sld [smem:$0x7];
	v4 =	vmov s23  }
0x1c3: {  	v7 =	vand.u32 $0xFFFFFFF8, v5;
	s25 =	sld [smem:$0x85];
	v3 =	vadd.s32 v0, v3;
	v6 =	vmov s22  }
0x1c4: {  	v5 =	vand.u32 $0x7, v5;
	v7 =	vadd.s32 v3, v7;
	v8 =	vand.u32 $0x7, v6  }
0x1c5: {  	s23 =	sld [smem:$0x2];
	v10 =	vmov s24;
	v6 =	vand.u32 $0xFFFFFFF8, v6;
	v5 =	vor.u32 v5, v7  }
0x1c6: {  	s26 =	sld [smem:$0x82];
	v9 =	vmov s25;
	v12 =	vand.u32 $0xFFFFFFF8, v10;
	v6 =	vadd.s32 v3, v6  }
0x1c7: {  	s29 =	sld [smem:$0x84];
	v10 =	vand.u32 $0x7, v10;
	v11 =	vand.u32 $0xFFFFFFF8, v9;
	v6 =	vor.u32 v8, v6  }
0x1c8: {  	s30 =	sld [smem:$0x83];
	v8 =	vadd.s32 v3, v12;
	v9 =	vand.u32 $0x7, v9;
	v22 =	vmov s23  }
0x1c9: {  	s0 =	sld [smem:$0x3];
	v7 =	vadd.s32 v3, v11;
	v11 =	vand.u32 $0xFFFFFFF8, v4;
	v8 =	vor.u32 v10, v8  }
0x1ca: {  	v4 =	vand.u32 $0x7, v4;
	v10 =	vmov s11;
	v18 =	vmov s26;
	s25 =	sld [smem:$0x5]  }
0x1cb: {  	v7 =	vor.u32 v9, v7;
	v9 =	vadd.s32 v3, v11;
	v21 =	vand.u32 $0xFFFFFFF8, v18;
	s13 =	sld [smem:$0x6]  }
0x1cc: {  	v4 =	vor.u32 v4, v9;
	v9 =	vand.u32 $0xFFFFFFF8, v10;
	v16 =	vmov s30;
	s31 =	sld [smem:$0x4]  }
0x1cd: {  	v10 =	vand.u32 $0x7, v10;
	v9 =	vadd.s32 v3, v9;
	v17 =	vand.u32 $0xFFFFFFF8, v16;
	s24 =	sld [smem:$0x81]  }
0x1ce: {  	v16 =	vand.u32 $0x7, v16;
	v11 =	vmov s25;
	v9 =	vor.u32 v10, v9  }
0x1cf: {  	v5 =	vld.idx.msk [tilespmem:v5+s16+$0x0], $0xffff;
	v17 =	vadd.s32 v3, v17;
	v10 =	vand.u32 $0xFFFFFFF8, v11;
	v11 =	vand.u32 $0x7, v11  }
0x1d0: {  	v6 =	vld.idx.msk [tilespmem:v6+s16+$0x0], $0xffff;
	v13 =	vmov s13;
	v10 =	vadd.s32 v3, v10;
	v12 =	vmov s24  }
0x1d1: {  	v8 =	vld.idx.msk [tilespmem:v8+s16+$0x0], $0xffff;
	v14 =	vand.u32 $0xFFFFFFF8, v13;
	v10 =	vor.u32 v11, v10;
	v11 =	vand.u32 $0xFFFFFFF8, v12  }
0x1d2: {  	v7 =	vld.idx.msk [tilespmem:v7+s16+$0x0], $0xffff;
	v13 =	vand.u32 $0x7, v13;
	v12 =	vand.u32 $0x7, v12;
	v11 =	vadd.s32 v3, v11  }
0x1d3: {  	v4 =	vld.idx.msk [tilespmem:v4+s16+$0x0], $0xffff;
	s22 =	sld [smem:$0x181];
	v14 =	vadd.s32 v3, v14;
	v11 =	vor.u32 v12, v11;
	v12 =	vmov s28  }
0x1d4: {  	v16 =	vor.u32 v16, v17;
	s24 =	sld [smem:$0x186];
	v13 =	vor.u32 v13, v14;
	v9 =	vld.idx.msk [tilespmem:v9+s16+$0x0], $0xffff;
	v15 =	vand.u32 $0xFFFFFFF8, v12  }
0x1d5: {  	v14 =	vmov s0;
	s25 =	sld [smem:$0x183];
	v12 =	vand.u32 $0x7, v12;
	v15 =	vadd.s32 v3, v15  }
0x1d6: {  	v20 =	vmov s31;
	s1 =	sld [smem:$0x180];
	v10 =	vld.idx.msk [tilespmem:v10+s16+$0x0], $0xffff;
	v12 =	vor.u32 v12, v15;
	v15 =	vand.u32 $0xFFFFFFF8, v14  }
0x1d7: {  	v6 =	vsub.f32 v8, v6;
	s13 =	sld [smem:$0x187];
	v14 =	vand.u32 $0x7, v14;
	v15 =	vadd.s32 v3, v15  }
0x1d8: {  	v8 =	vand.u32 $0x7, v18;
	v14 =	vor.u32 v14, v15;
	v15 =	vmov s29  }
0x1d9: {  	v18 =	vand.u32 $0x7, v22;
	s11 =	sld [smem:$0x9];
	v4 =	vsub.f32 v4, v9;
	v19 =	vand.u32 $0xFFFFFFF8, v15  }
0x1da: {  	v11 =	vld.idx.msk [tilespmem:v11+s16+$0x0], $0xffff;
	s28 =	sld [smem:$0x8E];
	v6 =	vadd.f32 s13, v6;
	v15 =	vand.u32 $0x7, v15;
	v17 =	vadd.s32 v3, v19  }
0x1db: {  	v13 =	vld.idx.msk [tilespmem:v13+s16+$0x0], $0xffff;
	s26 =	sld [smem:$0x8];
	v19 =	vand.u32 $0xFFFFFFF8, v20;
	v20 =	vand.u32 $0x7, v20;
	v10 =	vsub.f32 v10, v7  }
0x1dc: {  	v23 =	vmul.f32 v6, v6;
	v19 =	vadd.s32 v3, v19;
	v15 =	vor.u32 v15, v17  }
0x1dd: {  	v6 =	vmov s28;
	v19 =	vor.u32 v20, v19;
	v20 =	vadd.s32 v3, v21  }
0x1de: {  	v21 =	vand.u32 $0xFFFFFFF8, v22;
	v17 =	vmov s26;
	v22 =	vadd.f32 s1, v4  }
0x1df: {  	v12 =	vld.idx.msk [tilespmem:v12+s16+$0x0], $0xffff;
	s29 =	sld [smem:$0x88];
	v4 =	vand.u32 $0xFFFFFFF8, v6;
	v6 =	vand.u32 $0x7, v6;
	v21 =	vadd.s32 v3, v21  }
0x1e0: {  	v8 =	vor.u32 v8, v20;
	v20 =	vmov s11;
	v5 =	vsub.f32 v13, v5  }
0x1e1: {  	v14 =	vld.idx.msk [tilespmem:v14+s16+$0x0], $0xffff;
	s23 =	sld [smem:$0x8F];
	v13 =	vand.u32 $0x7, v17;
	v28 =	vadd.s32 v3, v4;
	v17 =	vand.u32 $0xFFFFFFF8, v17  }
0x1e2: {  	s30 =	sld [smem:$0xF];
	v18 =	vor.u32 v18, v21;
	v7 =	vmov s29;
	v28 =	vor.u32 v6, v28  }
0x1e3: {  	v16 =	vld.idx.msk [tilespmem:v16+s16+$0x0], $0xffff;
	v17 =	vadd.s32 v3, v17;
	s13 =	sld [smem:$0x8D];
	v26 =	vand.u32 $0x7, v7;
	v30 =	vadd.f32 s24, v5  }
0x1e4: {  	v5 =	vand.u32 $0xFFFFFFF8, v7;
	v58 =	vor.u32 v13, v17;
	s26 =	sld [smem:$0xA];
	v9 =	vmov s23  }
0x1e5: {  	v11 =	vsub.f32 v12, v11;
	s11 =	sld [smem:$0x8A];
	v21 =	vand.u32 $0x7, v9;
	v24 =	vmov s30  }
0x1e6: {  	v9 =	vand.u32 $0xFFFFFFF8, v9;
	s1 =	sld [smem:$0x8C];
	v12 =	vmov s13;
	v27 =	vand.u32 $0xFFFFFFF8, v24  }
0x1e7: {  	v8 =	vld.idx.msk [tilespmem:v8+s16+$0x0], $0xffff;
	v24 =	vand.u32 $0x7, v24;
	v31 =	vadd.s32 v3, v9;
	v32 =	vadd.f32 s22, v11;
	s13 =	sld [smem:$0x8B]  }
0x1e8: {  	v25 =	vand.u32 $0xFFFFFFF8, v12;
	v14 =	vsub.f32 v14, v16;
	v12 =	vand.u32 $0x7, v12;
	s23 =	sld [smem:$0xB]  }
0x1e9: {  	v9 =	vmov s26;
	v16 =	vld.idx.msk [tilespmem:v19+s16+$0x0], $0xffff;
	v25 =	vadd.s32 v3, v25;
	v19 =	vmov s1;
	s1 =	sld [smem:$0xD]  }
0x1ea: {  	v4 =	vmov s11;
	v18 =	vld.idx.msk [tilespmem:v18+s16+$0x0], $0xffff;
	v29 =	vadd.f32 s25, v14;
	v12 =	vor.u32 v12, v25;
	s24 =	sld [smem:$0xE]  }
0x1eb: {  	v25 =	vadd.s32 v3, v5;
	v63 =	vand.u32 $0xFFFFFFF8, v4;
	v7 =	vand.u32 $0xFFFFFFF8, v19  }
0x1ec: {  	v14 =	vmov s13;
	v25 =	vor.u32 v26, v25;
	v26 =	vmul.f32 v30, v30;
	s25 =	sld [smem:$0xC]  }
0x1ed: {  	v11 =	vand.u32 $0x7, v14;
	v6 =	vadd.s32 v3, v7;
	v7 =	vmov s24  }
0x1ee: {  	v62 =	vmul.f32 v29, v29;
	s13 =	sld [smem:$0x89];
	v33 =	vand.u32 $0xFFFFFFF8, v7;
	v34 =	vand.u32 $0x7, v7  }
0x1ef: {  	v15 =	vld.idx.msk [tilespmem:v15+s16+$0x0], $0xffff;
	s24 =	sld [smem:$0x185];
	v18 =	vsub.f32 v18, v8;
	v8 =	vand.u32 $0xFFFFFFF8, v14;
	v35 =	vmov s25  }
0x1f0: {  	v7 =	vand.u32 $0x7, v19;
	v19 =	vor.u32 v21, v31;
	v21 =	vmov s23  }
0x1f1: {  	v14 =	vmov s13;
	v8 =	vadd.s32 v3, v8;
	v59 =	vand.u32 $0x7, v35  }
0x1f2: {  	v8 =	vor.u32 v11, v8;
	v11 =	vadd.s32 v3, v27;
	v10 =	vadd.f32 s24, v10  }
0x1f3: {  	v27 =	vand.u32 $0xFFFFFFF8, v14;
	v24 =	vor.u32 v24, v11;
	v11 =	vand.u32 $0xFFFFFFF8, v20  }
0x1f4: {  	v5 =	vld.idx.msk [tilespmem:v28+s16+$0x0], $0xffff;
	v20 =	vand.u32 $0x7, v20;
	v15 =	vsub.f32 v16, v15;
	v11 =	vadd.s32 v3, v11  }
0x1f5: {  	v10 =	vmul.f32 v10, v10;
	v13 =	vld.idx.msk [tilespmem:v19+s16+$0x0], $0xffff;
	v11 =	vor.u32 v20, v11;
	s25 =	sld [smem:$0x184];
	v19 =	vadd.s32 v3, v27  }
0x1f6: {  	v20 =	vand.u32 $0x7, v14;
	v14 =	vmov s1;
	v27 =	vand.u32 $0x7, v21;
	s26 =	sld [smem:$0x182]  }
0x1f7: {  	v21 =	vand.u32 $0xFFFFFFF8, v21;
	v16 =	vand.u32 $0xFFFFFFF8, v14;
	v20 =	vor.u32 v20, v19  }
0x1f8: {  	v16 =	vadd.s32 v3, v16;
	v17 =	vld.idx.msk [tilespmem:v24+s16+$0x0], $0xffff;
	v24 =	vand.u32 $0x7, v14;
	v15 =	vadd.f32 s25, v15  }
0x1f9: {  	v14 =	vld.idx.msk [tilespmem:v12+s16+$0x0], $0xffff;
	v12 =	vor.u32 v24, v16;
	v24 =	vand.u32 $0xFFFFFFF8, v35;
	v60 =	vadd.f32 s26, v18  }
0x1fa: {  	v16 =	vld.idx.msk [tilespmem:v58+s16+$0x0], $0xffff;
	s26 =	sld [smem:$0x189];
	v18 =	vadd.s32 v3, v21;
	v21 =	vadd.s32 v3, v33;
	v61 =	vmul.f32 v15, v15  }
0x1fb: {  	s29 =	sld [smem:$0x18E];
	v15 =	vadd.s32 v3, v24;
	v21 =	vor.u32 v34, v21;
	v24 =	vmul.f32 v32, v32  }
0x1fc: {  	v18 =	vor.u32 v27, v18;
	v19 =	vld.idx.msk [tilespmem:v25+s16+$0x0], $0xffff;
	v27 =	vmul.f32 v22, v22;
	v25 =	vmul.f32 v60, v60;
	s28 =	sld [smem:$0x18B]  }
0x1fd: {  	s22 =	simm.s32 $0x18C;
	v23 =	vadd.f32 v23, v26;
	s23 =	simm.s32 $0x8;
	v15 =	vor.u32 v59, v15;
	s30 =	sld [smem:$0x188];
	v22 =	vadd.f32 v10, v61  }
0x1fe: {  	s24 =	simm.s32 $0x18C;
	s25 =	simm.s32 $0x90;
	v10 =	vadd.s32 v3, v63;
	v24 =	vadd.f32 v24, v27;
	v25 =	vadd.f32 v62, v25;
	v12 =	vld.idx.msk [tilespmem:v12+s16+$0x0], $0xffff;
	s31 =	sld [smem:$0x18F]  }
.LBB2_22:
0x1ff: {  	s0 =	sld [smem:s25+$0xFFFFFF81];
	s23 =	sadd.s32 $0x8, s23;
	v20 =	vld.idx.msk [tilespmem:v20+s16+$0x0], $0xffff;
	v26 =	vand.u32 $0xFFFFFFF8, v9;
	v13 =	vsub.f32 v17, v13;
	s24 =	sadd.s32 $0x8, s24;
	v17 =	vadd.f32 v23, v22  }
0x200: {  	v9 =	vand.u32 $0x7, v9;
	s1 =	sld [smem:s25+$0x6];
	p1 =	slt.u32 s23, $0x78;
	v22 =	vadd.s32 v3, v26;
	v21 =	vld.idx.msk [tilespmem:v21+s16+$0x0], $0xffff;
	v23 =	vadd.f32 v25, v24  }
0x201: {  	v7 =	vor.u32 v7, v6;
	s11 =	sld [smem:s25+$0xFFFFFF80];
	v11 =	vld.idx.msk [tilespmem:v11+s16+$0x0], $0xffff;
	v9 =	vor.u32 v9, v22;
	v6 =	vadd.f32 s31, v13  }
0x202: {  	v4 =	vand.u32 $0x7, v4;
	v13 =	vsub.f32 v16, v19;
	s31 =	sld [smem:s25+$0x0];
	v16 =	vld.idx.msk [tilespmem:v18+s16+$0x0], $0xffff;
	v17 =	vadd.f32 v17, v23  }
0x203: {  	v4 =	vor.u32 v4, v10;
	s13 =	sld [smem:s25+$0x7]  }
0x204: {  	v14 =	vsub.f32 v12, v14;
	v18 =	vmov s11;
	s11 =	sld [smem:s25+$0xFFFFFF87];
	v8 =	vld.idx.msk [tilespmem:v8+s16+$0x0], $0xffff;
	v2 =	vadd.f32 v17, v2  }
0x205: {  	v19 =	vmov s0;
	v10 =	vmul.f32 v6, v6;
	v17 =	vmov s31;
	s0 =	sld [smem:s25+$0x5]  }
0x206: {  	v6 =	vmov s1;
	v12 =	vadd.f32 s30, v13;
	s31 =	sld [smem:s25+$0xFFFFFF82];
	v22 =	vmov s13  }
0x207: {  	v13 =	vand.u32 $0xFFFFFFF8, v6;
	v11 =	vsub.f32 v11, v20;
	s1 =	sld [smem:s25+$0x2];
	v23 =	vand.u32 $0x7, v22  }
0x208: {  	v24 =	vmov s11;
	s13 =	sld [smem:s25+$0x4];
	v20 =	vmov s0;
	v25 =	vld.idx.msk [tilespmem:v4+s16+$0x0], $0xffff;
	v4 =	vsub.f32 v21, v5  }
0x209: {  	v22 =	vand.u32 $0xFFFFFFF8, v22;
	v21 =	vand.u32 $0x7, v18;
	s0 =	sld [smem:s25+$0x3];
	v5 =	vand.u32 $0xFFFFFFF8, v20  }
0x20a: {  	v26 =	vand.u32 $0x7, v17;
	v27 =	vand.u32 $0xFFFFFFF8, v24;
	v8 =	vsub.f32 v16, v8;
	s11 =	sld [smem:s25+$0xFFFFFF83];
	v15 =	vld.idx.msk [tilespmem:v15+s16+$0x0], $0xffff  }
0x20b: {  	v13 =	vadd.s32 v3, v13;
	v24 =	vand.u32 $0x7, v24;
	v16 =	vmov s13;
	s30 =	sld [smem:s25+$0xFFFFFF85];
	v9 =	vld.idx.msk [tilespmem:v9+s16+$0x0], $0xffff  }
0x20c: {  	v6 =	vand.u32 $0x7, v6;
	v29 =	vadd.f32 s29, v4;
	v28 =	vadd.f32 s28, v8  }
0x20d: {  	v17 =	vand.u32 $0xFFFFFFF8, v17;
	v4 =	vmov s1;
	v8 =	vand.u32 $0xFFFFFFF8, v16;
	s1 =	sld [smem:s25+$0xFFFFFF86]  }
0x20e: {  	v22 =	vadd.s32 v3, v22;
	v31 =	vadd.f32 s26, v11;
	v30 =	vmov s0  }
0x20f: {  	v13 =	vor.u32 v6, v13;
	v5 =	vadd.s32 v3, v5;
	v11 =	vand.u32 $0x7, v30;
	s0 =	sld [smem:s25+$0xFFFFFF84]  }
0x210: {  	v6 =	vadd.s32 v3, v8;
	v8 =	vand.u32 $0x7, v20;
	s13 =	sld [smem:s25+$0x1];
	v20 =	vmov s1  }
0x211: {  	v32 =	vand.u32 $0xFFFFFFF8, v20;
	v33 =	vand.u32 $0x7, v20;
	v20 =	vsub.f32 v9, v25;
	v25 =	vld.idx.msk [tilespmem:v7+s16+$0x0], $0xffff  }
0x212: {  	v30 =	vand.u32 $0xFFFFFFF8, v30;
	v7 =	vand.u32 $0x7, v16;
	v34 =	vmov s0;
	s0 =	sld [smem:s22+$0x1]  }
0x213: {  	v22 =	vor.u32 v23, v22;
	v9 =	vmov s31;
	v16 =	vmov s13  }
0x214: {  	v23 =	vmov s11;
	v30 =	vadd.s32 v3, v30;
	v35 =	vor.u32 v8, v5;
	v5 =	vld.idx.msk [tilespmem:v13+s16+$0x0], $0xffff  }
0x215: {  	v8 =	vor.u32 v11, v30;
	v13 =	vadd.s32 v3, v27;
	v14 =	vadd.f32 s0, v14  }
0x216: {  	v17 =	vadd.s32 v3, v17;
	v11 =	vand.u32 $0xFFFFFFF8, v19;
	v27 =	vand.u32 $0xFFFFFFF8, v16  }
0x217: {  	v19 =	vand.u32 $0x7, v19;
	v11 =	vadd.s32 v3, v11;
	v15 =	vsub.f32 v15, v25  }
0x218: {  	v18 =	vand.u32 $0xFFFFFFF8, v18;
	v11 =	vor.u32 v19, v11;
	v25 =	vmul.f32 v14, v14  }
0x219: {  	v19 =	vor.u32 v24, v13;
	v14 =	vadd.s32 v3, v18;
	v18 =	vadd.s32 v3, v27  }
0x21a: {  	v21 =	vor.u32 v21, v14;
	v14 =	vand.u32 $0x7, v16;
	v16 =	vmov s30;
	v13 =	vld.idx.msk [tilespmem:v22+s16+$0x0], $0xffff;
	s0 =	sld [smem:s22+$0x0]  }
0x21b: {  	v24 =	vand.u32 $0xFFFFFFF8, v16;
	v16 =	vand.u32 $0x7, v16;
	v22 =	vand.u32 $0x7, v23;
	s1 =	sld [smem:s22+$0xFFFFFFFE];
	s22 =	smov.u32 s24  }
0x21c: {  	v27 =	vmul.f32 v29, v29;
	v23 =	vand.u32 $0xFFFFFFF8, v23;
	v24 =	vadd.s32 v3, v24  }
0x21d: {  	v26 =	vor.u32 v26, v17;
	v24 =	vor.u32 v16, v24;
	v15 =	vadd.f32 s0, v15  }
0x21e: {  	v30 =	vand.u32 $0x7, v34;
	v29 =	vand.u32 $0xFFFFFFF8, v34;
	v17 =	vld.idx.msk [tilespmem:v19+s16+$0x0], $0xffff;
	v19 =	vadd.f32 s1, v20  }
0x21f: {  	v20 =	vor.u32 v14, v18;
	v18 =	vadd.s32 v3, v23;
	v14 =	vld.idx.msk [tilespmem:v35+s16+$0x0], $0xffff;
	v23 =	vmul.f32 v15, v15  }
.Ltmp11:
0x220: {  	v18 =	vor.u32 v22, v18;
	v15 =	vadd.s32 v3, v29;
	v16 =	vld.idx.msk [tilespmem:v21+s16+$0x0], $0xffff;
	s26 =	sld [smem:s24+$0xFFFFFFFD];
	v21 =	vadd.s32 v3, v32;
	(pc) =	sbr.rel @p1 .LBB2_22-.Ltmp11, $4  }
0x221: {  	v29 =	vmul.f32 v31, v31;
	v31 =	vmul.f32 v19, v19;
	v21 =	vor.u32 v33, v21;
	s29 =	sld [smem:s24+$0x2]  }
0x222: {  	v28 =	vmul.f32 v28, v28;
	v15 =	vor.u32 v30, v15;
	v19 =	vld.idx.msk [tilespmem:v26+s16+$0x0], $0xffff;
	s28 =	sld [smem:s24+$0xFFFFFFFF];
	v26 =	vmul.f32 v12, v12  }
0x223: {  	v30 =	vand.u32 $0xFFFFFFF8, v4;
	v22 =	vadd.f32 v25, v23;
	v23 =	vadd.f32 v10, v27;
	s30 =	sld [smem:s24+$0xFFFFFFFC];
	v12 =	vld.idx.msk [tilespmem:v24+s16+$0x0], $0xffff  }
0x224: {  	s25 =	sadd.s32 $0x8, s25;
	v10 =	vadd.s32 v3, v30;
	v25 =	vadd.f32 v28, v31;
	s31 =	sld [smem:s24+$0x3];
	v24 =	vadd.f32 v29, v26  }
0x225: {  	_ =	sdelay $0x3  }
0x226: {  	v4 =	vand.u32 $0x7, v4;
	v20 =	vld.idx.msk [tilespmem:v20+s16+$0x0], $0xffff  }
0x227: {  	v21 =	vld.idx.msk [tilespmem:v21+s16+$0x0], $0xffff;
	v6 =	vor.u32 v7, v6;
	v4 =	vor.u32 v4, v10;
	v10 =	vand.u32 $0xFFFFFFF8, v9  }
0x228: {  	v11 =	vld.idx.msk [tilespmem:v11+s16+$0x0], $0xffff;
	v9 =	vand.u32 $0x7, v9;
	v10 =	vadd.s32 v3, v10  }
0x229: {  	v8 =	vld.idx.msk [tilespmem:v8+s16+$0x0], $0xffff;
	v7 =	vor.u32 v9, v10  }
0x22a: {  	v9 =	vld.idx.msk [tilespmem:v18+s16+$0x0], $0xffff  }
0x22b: {  	v16 =	vsub.f32 v16, v19;
	v10 =	vsub.f32 v17, v13;
	v13 =	vld.idx.msk [tilespmem:v15+s16+$0x0], $0xffff  }
0x22c: {  	v15 =	vadd.f32 v23, v22;
	v17 =	vadd.f32 v25, v24;
	v6 =	vld.idx.msk [tilespmem:v6+s16+$0x0], $0xffff  }
0x22d: {  	v12 =	vsub.f32 v12, v14;
	v14 =	vadd.f32 s30, v16;
	v4 =	vld.idx.msk [tilespmem:v4+s16+$0x0], $0xffff  }
0x22e: {  	v10 =	vadd.f32 s31, v10;
	v5 =	vsub.f32 v21, v5;
	v7 =	vld.idx.msk [tilespmem:v7+s16+$0x0], $0xffff  }
0x22f: {  	s0 =	sld [smem:s22+$0x1];
	v15 =	vadd.f32 v15, v17;
	v11 =	vsub.f32 v11, v20  }
0x230: {  	s1 =	sld [smem:s22+$0x0];
	v5 =	vadd.f32 s29, v5;
	v8 =	vsub.f32 v9, v8  }
0x231: {  	s11 =	sld [smem:s22+$0xFFFFFFFE];
	v2 =	vadd.f32 v15, v2;
	v9 =	vmul.f32 v10, v10;
	v10 =	vadd.f32 s26, v11  }
0x232: {  	s13 =	sld [smem:$0x101];
	v6 =	vsub.f32 v13, v6;
	v8 =	vadd.f32 s28, v8  }
0x233: {  	v4 =	vsub.f32 v7, v4;
	v7 =	vadd.f32 s0, v12;
	s0 =	sld [smem:$0x204]  }
0x234: {  	v11 =	vmul.f32 v14, v14;
	v5 =	vmul.f32 v5, v5;
	v6 =	vadd.f32 s1, v6;
	s30 =	sld [smem:$0x107]  }
0x235: {  	v10 =	vmul.f32 v10, v10;
	v8 =	vmul.f32 v8, v8;
	v4 =	vadd.f32 s11, v4;
	s31 =	sld [smem:$0x106]  }
0x236: {  	v5 =	vadd.f32 v9, v5;
	v6 =	vmul.f32 v6, v6;
	v7 =	vmul.f32 v7, v7;
	s23 =	sld [smem:$0x105]  }
0x237: {  	v10 =	vadd.f32 v10, v11;
	v4 =	vmul.f32 v4, v4;
	v12 =	vmov s30  }
0x238: {  	v6 =	vadd.f32 v7, v6;
	s22 =	sld [smem:$0x100];
	v7 =	vand.u32 $0xFFFFFFF8, v12;
	v12 =	vand.u32 $0x7, v12  }
0x239: {  	s1 =	sld [smem:$0x102];
	v13 =	vmov s23;
	v7 =	vadd.s32 v3, v7;
	v4 =	vadd.f32 v8, v4  }
0x23a: {  	s25 =	sld [smem:$0x104];
	v8 =	vmov s13;
	v5 =	vadd.f32 v5, v6;
	v9 =	vand.u32 $0xFFFFFFF8, v13  }
0x23b: {  	v7 =	vor.u32 v12, v7;
	v11 =	vand.u32 $0x7, v13;
	v9 =	vadd.s32 v3, v9  }
0x23c: {  	v6 =	vand.u32 $0xFFFFFFF8, v8;
	v8 =	vand.u32 $0x7, v8;
	v9 =	vor.u32 v11, v9  }
0x23d: {  	s26 =	sld [smem:$0x103];
	v6 =	vadd.s32 v3, v6;
	v4 =	vadd.f32 v4, v10;
	v11 =	vmov s25  }
0x23e: {  	s29 =	sld [smem:$0x202];
	v10 =	vmov s31;
	v6 =	vor.u32 v8, v6;
	v12 =	vand.u32 $0xFFFFFFF8, v11  }
0x23f: {  	s24 =	sld [smem:$0x201];
	v11 =	vand.u32 $0x7, v11;
	v4 =	vadd.f32 v5, v4;
	v8 =	vadd.s32 v3, v12  }
0x240: {  	v5 =	vand.u32 $0x7, v10;
	v7 =	vld.idx.msk [tilespmem:v7+s16+$0x0], $0xffff;
	v8 =	vor.u32 v11, v8;
	s30 =	sld [smem:$0x206];
	v11 =	vand.u32 $0xFFFFFFF8, v10  }
0x241: {  	v15 =	vmov s29;
	v2 =	vadd.f32 v4, v2;
	v10 =	vadd.s32 v3, v11;
	v9 =	vld.idx.msk [tilespmem:v9+s16+$0x0], $0xffff;
	s25 =	sld [smem:$0x207]  }
0x242: {  	v4 =	vmov s26;
	v14 =	vmov s24;
	v5 =	vor.u32 v5, v10;
	s31 =	sld [smem:$0x205]  }
0x243: {  	v11 =	vmov s0;
	v13 =	vand.u32 $0xFFFFFFF8, v4;
	v10 =	vmov s1  }
0x244: {  	v4 =	vand.u32 $0x7, v4;
	v6 =	vld.idx.msk [tilespmem:v6+s16+$0x0], $0xffff;
	v12 =	vand.u32 $0x7, v10;
	v16 =	vmov s25  }
0x245: {  	v10 =	vand.u32 $0xFFFFFFF8, v10;
	v8 =	vld.idx.msk [tilespmem:v8+s16+$0x0], $0xffff;
	s24 =	sld [smem:$0x203];
	v17 =	vmov s31;
	v7 =	vsub.f32 v7, v16  }
0x246: {  	v13 =	vadd.s32 v3, v13;
	v10 =	vadd.s32 v3, v10;
	s25 =	sld [smem:$0x200];
	v9 =	vsub.f32 v9, v17  }
0x247: {  	v4 =	vor.u32 v4, v13;
	v10 =	vor.u32 v12, v10;
	v5 =	vld.idx.msk [tilespmem:v5+s16+$0x0], $0xffff;
	s26 =	sld [smem:$0x109];
	v7 =	vmax.f32 v7, $0.0e+00  }
0x248: {  	v16 =	vmov s30;
	v12 =	vmul.f32 v7, v7;
	v7 =	vmax.f32 v9, $0.0e+00  }
0x249: {  	v6 =	vsub.f32 v6, v14;
	s29 =	sld [smem:$0x20C];
	v13 =	vmov s25;
	v9 =	vmul.f32 v7, v7  }
0x24a: {  	s30 =	sld [smem:$0x10F];
	v7 =	vsub.f32 v8, v11;
	v8 =	vmov s22;
	v17 =	vmov s26  }
0x24b: {  	v11 =	vmov s24;
	s31 =	sld [smem:$0x10E];
	v6 =	vmax.f32 v6, $0.0e+00;
	v18 =	vand.u32 $0xFFFFFFF8, v17  }
0x24c: {  	v19 =	vmov s29;
	v56 =	vmul.f32 v6, v6;
	v14 =	vmax.f32 v7, $0.0e+00  }
0x24d: {  	s11 =	sld [smem:$0x10D];
	v7 =	vand.u32 $0xFFFFFFF8, v8;
	v8 =	vand.u32 $0x7, v8;
	v18 =	vadd.s32 v3, v18  }
0x24e: {  	v5 =	vsub.f32 v5, v16;
	v7 =	vadd.s32 v3, v7;
	v53 =	vmov s31  }
0x24f: {  	v14 =	vmul.f32 v14, v14;
	v7 =	vor.u32 v8, v7;
	v8 =	vmov s30  }
0x250: {  	v10 =	vld.idx.msk [tilespmem:v10+s16+$0x0], $0xffff;
	s22 =	sld [smem:$0x108];
	v52 =	vmov s11;
	v6 =	vand.u32 $0x7, v53;
	v51 =	vand.u32 $0xFFFFFFF8, v8  }
0x251: {  	v4 =	vld.idx.msk [tilespmem:v4+s16+$0x0], $0xffff;
	s13 =	sld [smem:$0x10A];
	v8 =	vand.u32 $0x7, v8;
	v54 =	vand.u32 $0xFFFFFFF8, v52;
	v20 =	vadd.s32 v3, v51  }
0x252: {  	s23 =	sld [smem:$0x10C];
	v16 =	vand.u32 $0x7, v52;
	v55 =	vadd.s32 v3, v54;
	v8 =	vor.u32 v8, v20  }
0x253: {  	v5 =	vmax.f32 v5, $0.0e+00;
	v22 =	vand.u32 $0xFFFFFFF8, v53;
	v16 =	vor.u32 v16, v55  }
0x254: {  	s24 =	sld [smem:$0x10B];
	v61 =	vmul.f32 v5, v5;
	v9 =	vadd.f32 v9, v14;
	v57 =	vmov s13  }
0x255: {  	s25 =	sld [smem:$0x20A];
	v10 =	vsub.f32 v10, v15;
	v15 =	vld.idx.msk [tilespmem:v7+s16+$0x0], $0xffff;
	v7 =	vand.u32 $0x7, v17;
	v17 =	vmov s23  }
0x256: {  	v4 =	vsub.f32 v4, v11;
	v59 =	vand.u32 $0x7, v57;
	s26 =	sld [smem:$0x209];
	v58 =	vand.u32 $0xFFFFFFF8, v17  }
0x257: {  	v17 =	vand.u32 $0x7, v17;
	v18 =	vor.u32 v7, v18;
	v7 =	vadd.s32 v3, v58;
	v11 =	vld.idx.msk [tilespmem:v8+s16+$0x0], $0xffff;
	s29 =	sld [smem:$0x20E]  }
0x258: {  	v10 =	vmax.f32 v10, $0.0e+00;
	v5 =	vmov s25;
	v17 =	vor.u32 v17, v7;
	v16 =	vld.idx.msk [tilespmem:v16+s16+$0x0], $0xffff;
	s30 =	sld [smem:$0x20F]  }
0x259: {  	v4 =	vmax.f32 v4, $0.0e+00;
	v8 =	vmov s24;
	v26 =	vmov s26  }
0x25a: {  	v7 =	vand.u32 $0xFFFFFFF8, v8;
	v60 =	vand.u32 $0x7, v8;
	v8 =	vmul.f32 v10, v10;
	s31 =	sld [smem:$0x20D]  }
0x25b: {  	v10 =	vadd.s32 v3, v22;
	v27 =	vadd.s32 v3, v7;
	v62 =	vmov s30  }
0x25c: {  	v13 =	vsub.f32 v15, v13;
	v63 =	vor.u32 v6, v10;
	v15 =	vld.idx.msk [tilespmem:v18+s16+$0x0], $0xffff;
	v11 =	vsub.f32 v11, v62  }
0x25d: {  	v10 =	vmul.f32 v4, v4;
	v7 =	vmov s29;
	v18 =	vmov s31;
	v17 =	vld.idx.msk [tilespmem:v17+s16+$0x0], $0xffff  }
0x25e: {  	v6 =	vsub.f32 v16, v18;
	v4 =	vmax.f32 v11, $0.0e+00;
	v11 =	vmax.f32 v13, $0.0e+00  }
0x25f: {  	v13 =	vand.u32 $0xFFFFFFF8, v57;
	v4 =	vmul.f32 v4, v4;
	v11 =	vmul.f32 v11, v11  }
0x260: {  	s28 =	sld [smem:$0x20B];
	v14 =	vadd.s32 v3, v13;
	v6 =	vmax.f32 v6, $0.0e+00;
	v13 =	vadd.f32 v12, v61  }
0x261: {  	s26 =	sld [smem:$0x208];
	v12 =	vsub.f32 v15, v26;
	v15 =	vor.u32 v60, v27;
	v6 =	vmul.f32 v6, v6  }
0x262: {  	s23 =	simm.s32 $0x8;
	s25 =	simm.s32 $0x117;
	s24 =	simm.s32 $0x20F;
	v16 =	vor.u32 v59, v14;
	v14 =	vld.idx.msk [tilespmem:v63+s16+$0x0], $0xffff;
	v11 =	vadd.f32 v56, v11;
	v17 =	vsub.f32 v17, v19  }
.LBB2_24:
0x263: {  	s0 =	sld [smem:s25+$0xFFFFFFFA];
	s23 =	sadd.s32 $0x8, s23;
	v18 =	vmov s22;
	v19 =	vmov s28;
	s24 =	sadd.s32 $0x8, s24;
	v8 =	vadd.f32 v10, v8  }
0x264: {  	s1 =	sld [smem:s24+$0xFFFFFFFD];
	p1 =	slt.u32 s23, $0x78;
	v10 =	vmov s26;
	v17 =	vmax.f32 v17, $0.0e+00  }
0x265: {  	v9 =	vadd.f32 v13, v9;
	v20 =	vand.u32 $0xFFFFFFF8, v18;
	v18 =	vand.u32 $0x7, v18;
	s11 =	sld [smem:s25+$0x0]  }
0x266: {  	v20 =	vadd.s32 v3, v20;
	v8 =	vadd.f32 v8, v11;
	v13 =	vmov s0;
	s0 =	sld [smem:s25+$0xFFFFFFFF]  }
0x267: {  	v18 =	vor.u32 v18, v20;
	v11 =	vand.u32 $0xFFFFFFF8, v13;
	v21 =	vmov s1;
	s1 =	sld [smem:s25+$0xFFFFFFFE];
	v16 =	vld.idx.msk [tilespmem:v16+s16+$0x0], $0xffff  }
0x268: {  	v12 =	vmax.f32 v12, $0.0e+00;
	v8 =	vadd.f32 v9, v8;
	s22 =	sld [smem:s25+$0xFFFFFFF9];
	v11 =	vadd.s32 v3, v11;
	v15 =	vld.idx.msk [tilespmem:v15+s16+$0x0], $0xffff  }
0x269: {  	v7 =	vsub.f32 v14, v7;
	v20 =	vmov s11;
	s13 =	sld [smem:s25+$0xFFFFFFFB];
	v9 =	vmov s0  }
0x26a: {  	v14 =	vand.u32 $0xFFFFFFF8, v20;
	v20 =	vand.u32 $0x7, v20;
	v1 =	vadd.f32 v8, v1  }
0x26b: {  	v22 =	vmul.f32 v12, v12;
	v8 =	vmov s1;
	v14 =	vadd.s32 v3, v14  }
0x26c: {  	v23 =	vand.u32 $0x7, v9;
	v12 =	vand.u32 $0xFFFFFFF8, v8;
	v14 =	vor.u32 v20, v14;
	s0 =	sld [smem:s25+$0xFFFFFFFD]  }
0x26d: {  	v7 =	vmax.f32 v7, $0.0e+00;
	v8 =	vand.u32 $0x7, v8;
	v12 =	vadd.s32 v3, v12  }
0x26e: {  	v20 =	vmov s13;
	v5 =	vsub.f32 v16, v5;
	v8 =	vor.u32 v8, v12;
	s1 =	sld [smem:s25+$0xFFFFFFFC]  }
0x26f: {  	v9 =	vand.u32 $0xFFFFFFF8, v9;
	v12 =	vand.u32 $0x7, v13;
	v13 =	vmov s0  }
0x270: {  	v15 =	vsub.f32 v15, v19;
	s0 =	sld [smem:s24+$0xFFFFFFFB];
	v16 =	vand.u32 $0xFFFFFFF8, v13;
	v13 =	vand.u32 $0x7, v13;
	v18 =	vld.idx.msk [tilespmem:v18+s16+$0x0], $0xffff  }
0x271: {  	v19 =	vand.u32 $0x7, v20;
	v11 =	vor.u32 v12, v11;
	s11 =	sld [smem:s24+$0xFFFFFFFA];
	v12 =	vadd.s32 v3, v16;
	v14 =	vld.idx.msk [tilespmem:v14+s16+$0x0], $0xffff  }
0x272: {  	v16 =	vmov s1;
	v12 =	vor.u32 v13, v12;
	s1 =	sld [smem:s24+$0xFFFFFFFF];
	v13 =	vmax.f32 v5, $0.0e+00  }
0x273: {  	v26 =	vmul.f32 v7, v7;
	v24 =	vand.u32 $0xFFFFFFF8, v16;
	v25 =	vand.u32 $0x7, v16;
	v16 =	vld.idx.msk [tilespmem:v8+s16+$0x0], $0xffff;
	s13 =	sld [smem:s24+$0x0]  }
0x274: {  	v5 =	vmov s0;
	v24 =	vadd.s32 v3, v24;
	v27 =	vmov s11;
	s0 =	sld [smem:s24+$0xFFFFFFFE]  }
0x275: {  	v8 =	vmul.f32 v13, v13;
	v13 =	vmul.f32 v17, v17;
	v7 =	vmov s1  }
0x276: {  	v9 =	vadd.s32 v3, v9;
	v18 =	vsub.f32 v18, v10;
	v11 =	vld.idx.msk [tilespmem:v11+s16+$0x0], $0xffff;
	v17 =	vmov s13  }
0x277: {  	v10 =	vmax.f32 v15, $0.0e+00;
	v28 =	vld.idx.msk [tilespmem:v12+s16+$0x0], $0xffff;
	v12 =	vmov s0;
	v14 =	vsub.f32 v14, v17  }
0x278: {  	v23 =	vor.u32 v23, v9;
	v9 =	vadd.f32 v6, v13;
	v10 =	vmul.f32 v10, v10  }
.Ltmp12:
0x279: {  	v13 =	vmax.f32 v18, $0.0e+00;
	v6 =	vsub.f32 v16, v12;
	v12 =	vmax.f32 v14, $0.0e+00;
	(pc) =	sbr.rel @p1 .LBB2_24-.Ltmp12, $4  }
0x27a: {  	v16 =	vmul.f32 v13, v13;
	v14 =	vand.u32 $0xFFFFFFF8, v20;
	v15 =	vmul.f32 v12, v12  }
0x27b: {  	v13 =	vadd.f32 v4, v26;
	v14 =	vadd.s32 v3, v14;
	v6 =	vmax.f32 v6, $0.0e+00;
	s28 =	sld [smem:s24+$0xFFFFFFFC]  }
0x27c: {  	v12 =	vsub.f32 v11, v27;
	v6 =	vmul.f32 v6, v6;
	v11 =	vadd.f32 v22, v16;
	s26 =	sld [smem:s24+$0xFFFFFFF9];
	v4 =	vmovc v15  }
0x27d: {  	s25 =	sadd.s32 $0x8, s25;
	v16 =	vor.u32 v19, v14;
	v15 =	vor.u32 v25, v24;
	v17 =	vsub.f32 v28, v21;
	v14 =	vld.idx.msk [tilespmem:v23+s16+$0x0], $0xffff  }
0x27e: {  	v18 =	vmov s22  }
0x27f: {  	v19 =	vand.u32 $0xFFFFFFF8, v18  }
0x280: {  	v18 =	vand.u32 $0x7, v18;
	v3 =	vadd.s32 v3, v19  }
0x281: {  	v3 =	vor.u32 v18, v3;
	_ =	sdelay $0x2  }
0x282: {  	v16 =	vld.idx.msk [tilespmem:v16+s16+$0x0], $0xffff  }
0x283: {  	v15 =	vld.idx.msk [tilespmem:v15+s16+$0x0], $0xffff  }
0x284: {  	v3 =	vld.idx.msk [tilespmem:v3+s16+$0x0], $0xffff;
	_ =	sdelay $0x1  }
0x285: {  	v57 =	vmov s28;
	v8 =	vadd.f32 v10, v8;
	v12 =	vmax.f32 v12, $0.0e+00  }
0x286: {  	v9 =	vadd.f32 v13, v9;
	v58 =	vmov s26;
	v7 =	vsub.f32 v14, v7  }
0x287: {  	v59 =	vmax.f32 v17, $0.0e+00;
	v12 =	vmul.f32 v12, v12;
	v5 =	vsub.f32 v16, v5  }
0x288: {  	v15 =	vsub.f32 v15, v57;
	v7 =	vmax.f32 v7, $0.0e+00;
	v3 =	vsub.f32 v3, v58  }
0x289: {  	v60 =	vmul.f32 v59, v59;
	v5 =	vmax.f32 v5, $0.0e+00;
	v7 =	vmul.f32 v7, v7  }
0x28a: {  	v61 =	vmax.f32 v15, $0.0e+00;
	v5 =	vmul.f32 v5, v5;
	v3 =	vmax.f32 v3, $0.0e+00  }
0x28b: {  	v8 =	vadd.f32 v8, v11;
	v62 =	vmul.f32 v61, v61;
	v3 =	vmul.f32 v3, v3  }
0x28c: {  	v6 =	vadd.f32 v6, v60;
	v4 =	vadd.f32 v4, v7  }
0x28d: {  	s21 =	sadd.s32 $0x1, s21;
	v5 =	vadd.f32 v62, v5;
	v3 =	vadd.f32 v12, v3  }
0x28e: {  	p1 =	sne.s32 s21, $0x4;
	v63 =	vadd.f32 v9, v8  }
.Ltmp13:
0x28f: {  	v4 =	vadd.f32 v4, v6;
	v3 =	vadd.f32 v5, v3;
	(pc) =	sbr.rel @p1 .LBB2_21-.Ltmp13, $3  }
0x290: {  	_ = 	snop  }
0x291: {  	v1 =	vadd.f32 v63, v1;
	v3 =	vadd.f32 v4, v3;
	_ =	sdelay $0x1  }
0x292: {  	v1 =	vadd.f32 v3, v1  }
.Ltmp14:
0x293: {  	(pc) =	sbr.rel @p0 .LBB2_30-.Ltmp14, $1  }
0x294: {  	_ =	sdelay $0x3  }
0x295: {  	s20 =	sadd.s32 s20, s8;
	s21 =	simm.s32 $0x8200  }
0x296: {  	s22 =	simm.s32 $0x40;
	s23 =	simm.s32 $0x8408;
	s24 =	sadd.s32 $0x0, s20  }
.LBB2_28:
0x297: {  	[tilespmem:s21], [sflag:$0x2] =	stream.linear.gather [hbm4b:s24+s2], $0x200, $0x38;
	[tilespmem:$0x106A0] =	vst v63  }
0x298: {  	s0 =	smov.u32 s22;
	s21 =	smov.u32 s23;
	p0 =	sne.s32 s22, $0xFC0  }
.Ltmp15:
0x299: {  	s22 =	sadd.s32 $0x40, s22;
	(pc) =	sbr.rel @p0 .LBB2_28-.Ltmp15, $2  }
0x29a: {  	_ =	sdelay $0x2  }
0x29b: {  	s23 =	sadd.s32 $0x208, s23;
	s24 =	sadd.s32 s0, s20  }
.Ltmp16:
0x29c: {  	(pc) =	sbr.rel .LBB2_10-.Ltmp16, $3  }
0x29d: {  	_ =	sdelay $0x1  }
0x29e: {  	[tilespmem:s21], [sflag:$0x2] =	stream.linear.gather [hbm4b:s24+s2], $0x200, $0x38;
	[tilespmem:$0x106A0] =	vst v63  }
0x29f: {  	s19 =	sadd.s32 $0x1, s19  }
.LBB2_31:
0x2a0: {  	_ =	sfence.sel $0x180000  }
0x2a1: {  	[bflag:$0x0] =	sbarrier.arrive $0xFFFF  }
0x2a2: {  	_ =	strace $0x9000004A  }
0x2a3: {  	s0 =	stileid.u32;
	[bflag:$0x2] =	sbarrier.arrive $0xFFFF  }
0x2a4: {  	p0 =	sne.s32 s0, $0x0;
	s0 =	rddreg [dreg:$0x1]  }
0x2a5: {  	s0 =	sadd.s32 @!p0 $0x100000, s0  }
0x2a6: {  	[sflag:s0] =	ssyncadd.tile.s32 @!p0 $0x1;
	_ =	shalt  }
.Lfunc_end2:
_tile_overlayer_lowered:
.L_overlay_start_2:
0x2a7: {  	(tag) =	ssettag $0x2  }
0x2a8: {  	s0 =	rddreg [dreg:$0x0];
	s2 =	stileid.u32  }
0x2a9: {  	s1 =	rddreg [dreg:$0x1];
	p0 =	sne.s32 s2, $0x0  }
0x2aa: {  	s3 =	rddreg [dreg:$0x2];
	[bflag:$0x3] =	sbarrier.arrive $0xFFFF;
	s2 =	simm.s32 @!p0 $0x1C03  }
0x2ab: {  	[timem:s3], [sflag:s2] =	dma.local @!p0 [hbm:s0], s1  }
0x2ac: {  	s0 =	simm.s32 @!p0 $0x3  }
0x2ad: {  	_ =	swait.ge @!p0 [sflag:s0], s1  }
0x2ae: {  	s1 =	ssub.s32 @!p0 $0x0, s1;
	[sflag:s0] =	ssyncset.done @!p0 $0x0  }
0x2af: {  	[sflag:s0] =	ssyncadd.s32 @!p0 s1  }
0x2b0: {  	[bflag:$0x3] =	sbarrier.arrive $0xFFFF  }
0x2b1: {  	_ =	shalt  }

// kernel: sparse-core-data-format-call.cloned.1.call-start
scs
called_computation_lowered:
.L_overlay_start_0:
0x0: {  	s2 =	sld [smem:$0x3FD9]  }
0x1: {  	s3 =	sld [smem:$0x3FFE];
	_ =	sdelay $0x1  }
0x2: {  	s1 =	srdreg.scid  }
0x3: {  	s0 =	sand.u32 $0x1, s1  }
0x4: {  	s18 =	sshll.u32 s0, $0xA;
	s2 =	sadd.s32 s3, s2  }
0x5: {  	s2 =	sadd.s32 s2, s18  }
0x6: {  	[smem:$0x3FBB] =	sst s2  }
0x7: {  	_ = 	snop  }
0x8: {  	s2 =	sld [smem:$0x3FC9];
	(tm) =	ssettm $0x1  }
0x9: {  	s19 =	sld [smem:$0x3FFB];
	_ =	sdelay $0x3  }
0xa: {  	_ =	strace s19  }
0xb: {  	s3 =	sld [smem:$0x3FFC];
	_ =	sdelay $0x3  }
0xc: {  	_ =	strace s3  }
0xd: {  	s3 =	sld [smem:$0x3FFD];
	_ =	sdelay $0x3  }
0xe: {  	_ =	strace s3  }
0xf: {  	_ =	strace $0x8FFFFFFF  }
0x10: {  	s20 =	sld [smem:$0x3FDB];
	_ =	sdelay $0x1  }
0x11: {  	s4 =	simm.s32 $_scs_section_size  }
0x12: {  	s5 =	simm.s32 $_size__tile_overlayer_lowered;
	s6 =	simm.s32 $_tile_overlayer_lowered  }
0x13: {  	s23 =	simm.s32 $0x1BFF;
	s22 =	sshll.u32 s6, $0x1;
	s3 =	sadd.s32 s4, s20  }
0x14: {  	s7 =	simm.s32 $0x0;
	s21 =	sshll.u32 s5, $0x1;
	s5 =	sadd.s32 s22, s3  }
0x15: {  	[timem:s7], [sflag:s23] =	dma.local [hbm:s5], s21  }
0x16: {  	_ =	swait.ge [sflag:s23], s21  }
0x17: {  	s4 =	ssub.s32 $0x0, s21;
	[sflag:s23] =	ssyncset.done $0x0  }
0x18: {  	[sflag:s23] =	ssyncadd.s32 s4;
	_ =	sdelay $0x1  }
0x19: {  	s24 =	simm.s32 $0x1B8B  }
0x1a: {  	_ =	swait.ge [sflag:s24], $0x1  }
0x1b: {  	[sflag:s24] =	ssyncset.done $0x0  }
0x1c: {  	s26 =	simm.s32 $0x1B8E;
	s25 =	sld [smem:$0x3FFE];
	[sflag:s24] =	ssyncadd.s32 $0xFFFFFFFF  }
0x1d: {  	s27 =	simm.s32 $execute0_lowered;
	[smem:$0x3FD2] =	sst s26  }
0x1e: {  	s5 =	sshll.u32 s27, $0x1;
	_ =	strace $0x80000046;
	[dreg:$0x1] =	wrdreg $0xFFFFFFFF  }
0x1f: {  	s28 =	simm.s32 $_size_execute0_lowered;
	s3 =	sadd.s32 s3, s5;
	[dreg:$0x0] =	wrdreg $0x0  }
0x20: {  	s5 =	sshll.u32 s28, $0x1;
	[dreg:$0x2] =	wrdreg s3  }
0x21: {  	[dreg:$0x3] =	wrdreg s5  }
0x22: {  	[dreg:$0x4] =	wrdreg $0xC0  }
0x23: {  	_ =	task [dreg:s7], $0x5FFFF  }
0x24: {  	[dreg:$0x1] =	wrdreg $0xFFFFFFFF  }
0x25: {  	[dreg:$0x0] =	wrdreg $0x60  }
0x26: {  	[dreg:$0x2] =	wrdreg s2  }
0x27: {  	[dreg:$0x3] =	wrdreg s25  }
0x28: {  	[dreg:$0x4] =	wrdreg $0x9  }
0x29: {  	_ =	task.clear_ibuf [dreg:s7], $0x5FFFF;
	_ =	strace $0x90000046  }
0x2a: {  	s29 =	simm.s32 $0x9;
	_ =	strace $0x80000048  }
0x2b: {  	_ =	swait.ge [sflag:s29], $0x1  }
0x2c: {  	[sflag:s29] =	ssyncadd.s32 $0xFFFFFFFF  }
0x2d: {  	_ =	strace $0x90000048  }
0x2e: {  	_ =	sfence  }
0x2f: {  	s30 =	sld [smem:$0x0];
	_ =	sdelay $0x2  }
0x30: {  	s31 =	sshll.u32 s1, $0xD;
	s1 =	sshrl.u32 s1, $0x2  }
0x31: {  	s3 =	sand.u32 $0x4000, s31;
	s1 =	sadd.s32 s1, s30  }
0x32: {  	s0 =	sor.u32 s3, s0;
	s1 =	sshll.u32 s1, $0x11  }
0x33: {  	s0 =	sor.u32 s1, s0  }
0x34: {  	s0 =	sadd.s32 $0x8F2B, s0  }
0x35: {  	[sflag:s0] =	ssyncadd.remote.s32 $0x1  }
0x36: {  	_ =	sfence.sel $0xFFFF  }
0x37: {  	[dreg:$0x0] =	wrdreg $0xFFFFFFFF;
	(pc) =	sbr.abs _section_cstart, $3  }
0x38: {  	[dreg:$0x1] =	wrdreg $0xFFFFFFFF  }
0x39: {  	_ =	task.clear_ibuf [dreg:s7], $0x2FFFF;
	_ =	strace $0x9FFFFFFF  }
0x3a: {  	(tm) =	ssettm $0x7FFFFFFF  }
0x3b: {  	_ =	shalt  }
tec
execute0_lowered:
.L_overlay_start_1:
0x0: {  	(tag) =	ssettag $0x1  }
0x1: {  	s0 =	srdreg.scid  }
0x2: {  	s1 =	sshll.u32 s0, $0x4  }
0x3: {  	s2 =	rddreg [dreg:$0x0];
	s0 =	stileid.u32;
	s1 =	sand.u32 $0x10, s1  }
0x4: {  	s4 =	rddreg [dreg:$0x1];
	s7 =	simm.s32 $0x1;
	s1 =	sor.u32 s0, s1  }
0x5: {  	s8 =	simm.s32 $0x2;
	s9 =	simm.s32 $0x0;
	s3 =	sshll.u32 s1, $0x2  }
0x6: {  	s12 =	simm.s32 $0x0;
	s11 =	simm.s32 $0x0;
	s6 =	ssub.s32 $0x1000, s3  }
.Ltmp0:
0x7: {  	s4 =	sadd.s32 $0x1C00, s4;
	s5 =	sand.u32 $0x7C, s6;
	(pc) =	sbr.rel .LBB1_1-.Ltmp0, $4  }
0x8: {  	s1 =	rddreg [dreg:$0x2];
	_ =	strace $0x80000047;
	p0 =	sne.s32 s5, $0x0  }
0x9: {  	s6 =	sshrl.u32 s6, $0x7;
	s5 =	simm.s32 $0x1;
	s7 =	simm.s32 @!p0 $0x0  }
0xa: {  	s10 =	smov.u32 s3;
	[sflag:s5] =	ssyncpa.u1 $0x0;
	s6 =	sadd.s32 s7, s6  }
0xb: {  	[sflag:s8] =	ssyncpa.u1 $0x0;
	s8 =	simm.s32 $0x0;
	s7 =	sadd.s32 $0x1, s6  }
.LBB1_9:
0xc: {  	s14 =	sadd.s32 $0x80, s10  }
0xd: {  	p1 =	sgt.s32 s14, $0xFFF  }
0xe: {  	s14 =	smov.u32 @p1 s3;
	p1 =	sne.s32 s11, s7  }
.Ltmp1:
0xf: {  	p0 =	slt.u32 s11, $0x2;
	(pc) =	sbr.rel @!p1 .LBB1_10-.Ltmp1, $4  }
0x10: {  	s13 =	simm.s32 @!p0 $0x2  }
0x11: {  	s15 =	sadd.s32 $0x1, s11;
	_ =	swait.ge @!p0 [sflag:s13], $0x4000  }
0x12: {  	s12 =	smov.u32 s10;
	s9 =	sadd.s32 $0x4000, s9;
	[sflag:s13] =	ssyncset.done @!p0 $0x0  }
0x13: {  	s11 =	smov.u32 s15;
	s10 =	smov.u32 s14;
	[sflag:s13] =	ssyncadd.s32 @!p0 $0xFFFFC000  }
.LBB1_1:
0x14: {  	p0 =	sge.u32 s11, s6  }
0x15: {  	s13 =	sxor.u32 @!p0 $0xFFFFFFFF, s11  }
0x16: {  	s31 =	sadd.s32 $0xFFFFFFFF, s11;
	s14 =	sshll.u32 @!p0 s10, $0x9;
	s13 =	sshll.u32 @!p0 s13, $0xE  }
0x17: {  	s15 =	simm.s32 @!p0 $0x0;
	s14 =	sadd.s32 @!p0 s2, s14;
	s13 =	sand.u32 @!p0 $0x4000, s13  }
0x18: {  	[tilespmem:s13], [sflag:$0x1] =	stream.linear.gather @!p0 [hbm4b:s14+s15], $0x4000, $0x38;
	[tilespmem:$0x10000] =	vst v63  }
0x19: {  	p0 =	sge.u32 s31, s6  }
.Ltmp2:
0x1a: {  	_ = 	snop;
	(pc) =	sbr.rel @p0 .LBB1_9-.Ltmp2, $1  }
0x1b: {  	_ =	sdelay $0x3  }
0x1c: {  	s14 =	sand.u32 $0x4000, s9  }
0x1d: {  	_ =	swait.ge [sflag:s5], $0x4000;
	s15 =	sshll.u32 s11, $0xE;
	s16 =	simm.s32 $0x0  }
0x1e: {  	s13 =	sor.u32 $0x40, s14;
	[sflag:s5] =	ssyncset.done $0x0;
	s15 =	sand.u32 $0x4000, s15  }
0x1f: {  	s14 =	sor.u32 $0x8040, s14;
	[sflag:s5] =	ssyncadd.s32 $0xFFFFC000;
	s15 =	sor.u32 $0x8000, s15  }
.LBB1_3:
0x20: {  	s17 =	smov.u32 s14;
	s18 =	smov.u32 s13;
	s19 =	simm.s32 $0x0  }
.LBB1_4:
0x21: {  	v0 =	vmov s17;
	v2 =	vld [tilespmem:s18+$0x30]  }
0x22: {  	v4 =	vld [tilespmem:s18+$0xFFFFFFD0]  }
0x23: {  	v6 =	vld [tilespmem:s18+$0xFFFFFFE0]  }
0x24: {  	v7 =	vld [tilespmem:s18+$0xFFFFFFF0]  }
0x25: {  	s20 =	simm.s32 $0x0;
	v1 =	vld [tilespmem:s18+$0x0]  }
0x26: {  	v3 =	vld [tilespmem:s18+$0x10];
	[tilespmem:v0+s20+$0x30 ss:$0x1] =	vst.idx.msk $0xffff, v2  }
0x27: {  	v5 =	vld [tilespmem:s18+$0x20];
	[tilespmem:v0+s20+$0xFFFFFFD0 ss:$0x1] =	vst.idx.msk $0xffff, v4  }
0x28: {  	s21 =	sadd.s32 $0x80, s18;
	v2 =	vld [tilespmem:s18+$0xFFFFFFC0];
	[tilespmem:v0+s20+$0xFFFFFFE0 ss:$0x1] =	vst.idx.msk $0xffff, v6  }
0x29: {  	s22 =	simm.s32 $0x800;
	s23 =	simm.s32 $0x1000;
	v4 =	vld [tilespmem:s21+$0x30];
	[tilespmem:v0+s20+$0xFFFFFFF0 ss:$0x1] =	vst.idx.msk $0xffff, v7  }
.LBB1_5:
0x2a: {  	p0 =	sne.s32 s23, $0x3800;
	v6 =	vld [tilespmem:s21+$0xFFFFFFD0];
	[tilespmem:v0+s20+$0x0 ss:$0x1] =	vst.idx.msk $0xffff, v1  }
0x2b: {  	v7 =	vld [tilespmem:s21+$0xFFFFFFE0];
	[tilespmem:v0+s20+$0x10 ss:$0x1] =	vst.idx.msk $0xffff, v3  }
0x2c: {  	v8 =	vld [tilespmem:s21+$0xFFFFFFF0];
	[tilespmem:v0+s20+$0x20 ss:$0x1] =	vst.idx.msk $0xffff, v5  }
.Ltmp3:
0x2d: {  	v1 =	vld [tilespmem:s21+$0x0];
	[tilespmem:v0+s20+$0xFFFFFFC0 ss:$0x1] =	vst.idx.msk $0xffff, v2;
	s20 =	sshra.s32 s22, $0x2;
	s22 =	smov.u32 s23;
	(pc) =	sbr.rel @p0 .LBB1_5-.Ltmp3, $4  }
0x2e: {  	v3 =	vld [tilespmem:s21+$0x10];
	[tilespmem:v0+s20+$0x30 ss:$0x1] =	vst.idx.msk $0xffff, v4  }
0x2f: {  	[tilespmem:v0+s20+$0xFFFFFFD0 ss:$0x1] =	vst.idx.msk $0xffff, v6;
	v5 =	vld [tilespmem:s21+$0x20]  }
0x30: {  	v2 =	vld [tilespmem:s21+$0xFFFFFFC0];
	[tilespmem:v0+s20+$0xFFFFFFE0 ss:$0x1] =	vst.idx.msk $0xffff, v7;
	s21 =	sadd.s32 $0x80, s21  }
0x31: {  	s23 =	sadd.s32 $0x800, s23;
	v4 =	vld [tilespmem:s21+$0x30];
	[tilespmem:v0+s20+$0xFFFFFFF0 ss:$0x1] =	vst.idx.msk $0xffff, v8  }
0x32: {  	_ =	sdelay $0x3  }
0x33: {  	v6 =	vld [tilespmem:s21+$0xFFFFFFD0];
	[tilespmem:v0+s20+$0x0 ss:$0x1] =	vst.idx.msk $0xffff, v1  }
0x34: {  	v58 =	vld [tilespmem:s21+$0xFFFFFFE0];
	[tilespmem:v0+s20+$0x10 ss:$0x1] =	vst.idx.msk $0xffff, v3  }
0x35: {  	v59 =	vld [tilespmem:s21+$0xFFFFFFF0];
	[tilespmem:v0+s20+$0x20 ss:$0x1] =	vst.idx.msk $0xffff, v5  }
0x36: {  	s22 =	sshra.s32 s22, $0x2;
	v60 =	vld [tilespmem:s21+$0x0];
	[tilespmem:v0+s20+$0xFFFFFFC0 ss:$0x1] =	vst.idx.msk $0xffff, v2  }
0x37: {  	v61 =	vld [tilespmem:s21+$0x10];
	[tilespmem:v0+s22+$0x30 ss:$0x1] =	vst.idx.msk $0xffff, v4  }
0x38: {  	v62 =	vld [tilespmem:s21+$0x20];
	s19 =	sadd.s32 $0x1, s19;
	[tilespmem:v0+s22+$0xFFFFFFD0 ss:$0x1] =	vst.idx.msk $0xffff, v6  }
0x39: {  	v63 =	vld [tilespmem:s21+$0xFFFFFFC0];
	p0 =	sne.s32 s19, $0x4;
	[tilespmem:v0+s22+$0xFFFFFFE0 ss:$0x1] =	vst.idx.msk $0xffff, v58  }
.Ltmp4:
0x3a: {  	[tilespmem:v0+s22+$0xFFFFFFF0 ss:$0x1] =	vst.idx.msk $0xffff, v59;
	(pc) =	sbr.rel @p0 .LBB1_4-.Ltmp4, $4  }
0x3b: {  	[tilespmem:v0+s22+$0x0 ss:$0x1] =	vst.idx.msk $0xffff, v60  }
0x3c: {  	[tilespmem:v0+s22+$0x10 ss:$0x1] =	vst.idx.msk $0xffff, v61  }
0x3d: {  	[tilespmem:v0+s22+$0x20 ss:$0x1] =	vst.idx.msk $0xffff, v62  }
0x3e: {  	s18 =	sadd.s32 $0x400, s18;
	s17 =	sadd.s32 $0x80, s17;
	[tilespmem:v0+s22+$0xFFFFFFC0 ss:$0x1] =	vst.idx.msk $0xffff, v63  }
0x3f: {  	s16 =	sadd.s32 $0x1, s16  }
0x40: {  	p0 =	sne.s32 s16, $0x4  }
.Ltmp5:
0x41: {  	_ = 	snop;
	(pc) =	sbr.rel @p0 .LBB1_3-.Ltmp5, $2  }
0x42: {  	_ =	sdelay $0x2  }
0x43: {  	s13 =	sadd.s32 $0x1000, s13;
	s14 =	sadd.s32 $0x1000, s14  }
.Ltmp6:
0x44: {  	(pc) =	sbr.rel .LBB1_9-.Ltmp6, $4  }
0x45: {  	_ = 	snop  }
0x46: {  	s12 =	sshll.u32 s12, $0x9  }
0x47: {  	s12 =	sadd.s32 s4, s12  }
0x48: {  	[hbm4b:s12+s8] =	stream.linear.scatter [tilespmem:s15], [sflag:$0x2], $0x4000, $0x38;
	[tilespmem:$0x10000] =	vst v63  }
.LBB1_10:
0x49: {  	_ =	sfence.sel $0x180000  }
0x4a: {  	s2 =	simm.s32 $0x1;
	[bflag:$0x0] =	sbarrier.arrive $0xFFFF  }
0x4b: {  	s31 =	simm.s32 $0x2;
	[sflag:s2] =	ssyncpa.u1 $0x1  }
0x4c: {  	[sflag:s31] =	ssyncpa.u1 $0x1  }
0x4d: {  	p0 =	sne.s32 s0, $0x0;
	_ =	strace $0x90000047  }
0x4e: {  	s0 =	sadd.s32 @!p0 $0x100000, s1;
	[bflag:$0x2] =	sbarrier.arrive $0xFFFF  }
0x4f: {  	[sflag:s0] =	ssyncadd.tile.s32 @!p0 $0x1;
	_ =	shalt  }
.Lfunc_end1:
_tile_overlayer_lowered:
.L_overlay_start_2:
0x50: {  	(tag) =	ssettag $0x2  }
0x51: {  	s0 =	rddreg [dreg:$0x0];
	s2 =	stileid.u32  }
0x52: {  	s1 =	rddreg [dreg:$0x1];
	p0 =	sne.s32 s2, $0x0  }
0x53: {  	s3 =	rddreg [dreg:$0x2];
	[bflag:$0x3] =	sbarrier.arrive $0xFFFF;
	s2 =	simm.s32 @!p0 $0x1C01  }
0x54: {  	[timem:s3], [sflag:s2] =	dma.local @!p0 [hbm:s0], s1  }
0x55: {  	s0 =	simm.s32 @!p0 $0x1  }
0x56: {  	_ =	swait.ge @!p0 [sflag:s0], s1  }
0x57: {  	s1 =	ssub.s32 @!p0 $0x0, s1;
	[sflag:s0] =	ssyncset.done @!p0 $0x0  }
0x58: {  	[sflag:s0] =	ssyncadd.s32 @!p0 s1  }
0x59: {  	[bflag:$0x3] =	sbarrier.arrive $0xFFFF  }
0x5a: {  	_ =	shalt  }

</sc_bundles>
